<compile_context>
chip_gen: v7x
topology: tpu7x:2x2x1
jax: 0.10.2.dev20260603
libtpu: 0.0.44.dev20260713+nightly
codegen_flags: <defaults>
</compile_context>

<pallas_src>
import functools

import jax
import jax.numpy as jnp
from jax import lax
from jax.experimental import pallas as pl
from jax.experimental.pallas import tpu as pltpu
from jax.experimental.pallas import tpu_sc as plsc

N_NODES = 10000
IN_DIM = 128
HID = 64
N_EDGES = 320000

NC = 2
NS = 16
NW = NC * NS
EPW = N_EDGES // NW
CHUNK = 128
NFULL = EPW // CHUNK
TAIL = EPW - NFULL * CHUNK
N_PAD = 10240
RPT = N_PAD // NS
NBUF = 4
DW = N_PAD // 128

_mesh = plsc.VectorSubcoreMesh(
    core_axis_name="c", subcore_axis_name="s", num_cores=NC, num_subcores=NS
)


def _chunk(idx_v, j):
    base = pl.multiple_of(j * CHUNK, CHUNK)
    return idx_v.at[pl.ds(base, CHUNK)]


def _tail(idx_v):
    return idx_v.at[pl.ds(NFULL * CHUNK, TAIL)]


@functools.partial(
    pl.kernel,
    out_type=jax.ShapeDtypeStruct((NC, N_PAD), jnp.float32),
    mesh=_mesh,
    scratch_types=[
        pltpu.VMEM((EPW,), jnp.int32),
        pltpu.VMEM((CHUNK,), jnp.float32),
        pltpu.VMEM((RPT,), jnp.float32),
        pltpu.VMEM_SHARED((N_PAD,), jnp.float32),
        pltpu.SemaphoreType.DMA,
        pltpu.SemaphoreType.DMA,
    ],
    compiler_params=pltpu.CompilerParams(use_tc_tiling_on_sc=False),
)
def _deg_kernel(dst_hbm, out_hbm, idx_v, ones_v, zrow_v, acc, sem_a, sem_b):
    c = lax.axis_index("c")
    s = lax.axis_index("s")
    wid = s * NC + c
    pltpu.sync_copy(dst_hbm.at[pl.ds(wid * EPW, EPW)], idx_v)
    one16 = jnp.ones((16,), jnp.float32)
    zero16 = jnp.zeros((16,), jnp.float32)
    for i in range(CHUNK // 16):
        ones_v[pl.ds(i * 16, 16)] = one16

    def zbody(i, carry):
        zrow_v[pl.ds(i * 16, 16)] = zero16
        return carry

    lax.fori_loop(0, RPT // 16, zbody, 0)
    pltpu.sync_copy(zrow_v, acc.at[pl.ds(s * RPT, RPT)])
    plsc.subcore_barrier()

    def fire(j, sem):
        return pltpu.async_copy(ones_v, acc.at[_chunk(idx_v, j)], sem,
                                add=True)

    def drain(j, sem):
        pltpu.make_async_copy(ones_v, acc.at[_chunk(idx_v, j)], sem).wait()

    fire(0, sem_a)

    def body(k, carry):
        j0 = 2 * k
        fire(j0 + 1, sem_b)
        drain(j0, sem_a)

        @pl.when(j0 + 2 < NFULL)
        def _():
            fire(j0 + 2, sem_a)

        drain(j0 + 1, sem_b)
        return carry

    lax.fori_loop(0, NFULL // 2, body, 0)
    pltpu.sync_copy(ones_v.at[pl.ds(0, TAIL)], acc.at[_tail(idx_v)],
                    add=True)
    plsc.subcore_barrier()

    @pl.when(s == 0)
    def _():
        pltpu.sync_copy(acc, out_hbm.at[c])


@functools.partial(
    pl.kernel,
    out_type=jax.ShapeDtypeStruct((N_PAD, 2 * HID), jnp.float32),
    mesh=_mesh,
    scratch_types=[
        pltpu.VMEM((EPW,), jnp.int32),
        pltpu.VMEM((EPW,), jnp.int32),
        [pltpu.VMEM((CHUNK, HID), jnp.float32) for _ in range(NBUF)],
        pltpu.VMEM_SHARED((N_PAD, HID), jnp.float32),
        [pltpu.SemaphoreType.DMA for _ in range(NBUF)],
        [pltpu.SemaphoreType.DMA for _ in range(NBUF)],
    ],
    compiler_params=pltpu.CompilerParams(use_tc_tiling_on_sc=False),
)
def _agg_kernel(h_hbm, src_hbm, dst_hbm, out_hbm,
                src_v, dst_v, bufs, acc, gsems, ssems):
    c = lax.axis_index("c")
    s = lax.axis_index("s")
    wid = s * NC + c
    pltpu.sync_copy(src_hbm.at[pl.ds(wid * EPW, EPW)], src_v)
    pltpu.sync_copy(dst_hbm.at[pl.ds(wid * EPW, EPW)], dst_v)

    zero16 = jnp.zeros((16,), jnp.float32)

    def zbody(r, carry):
        for cc in range(HID // 16):
            bufs[0][r, pl.ds(cc * 16, 16)] = zero16
        return carry

    lax.fori_loop(0, CHUNK, zbody, 0)
    r0 = s * RPT
    for i in range(RPT // CHUNK):
        pltpu.sync_copy(bufs[0], acc.at[pl.ds(r0 + i * CHUNK, CHUNK)])
    plsc.subcore_barrier()

    def fire_gather(i, j):
        pltpu.async_copy(h_hbm.at[_chunk(src_v, j)], bufs[i], gsems[i])

    def wait_gather(i, j):
        pltpu.make_async_copy(h_hbm.at[_chunk(src_v, j)], bufs[i],
                              gsems[i]).wait()

    for i in range(NBUF):
        fire_gather(i, i)

    def body(k, carry):
        j0 = NBUF * k
        descs = []
        for i in range(NBUF):
            wait_gather(i, j0 + i)
            descs.append(
                pltpu.async_copy(bufs[i], acc.at[_chunk(dst_v, j0 + i)],
                                 ssems[i], add=True))
        for i in range(NBUF):
            descs[i].wait()
            jn = j0 + NBUF + i

            @pl.when(jn < NFULL)
            def _():
                fire_gather(i, jn)

        return carry

    lax.fori_loop(0, NFULL // NBUF, body, 0)
    pltpu.async_copy(h_hbm.at[_tail(src_v)], bufs[2].at[pl.ds(0, TAIL)],
                     gsems[2])
    d = []
    for i in range(NFULL - NBUF * (NFULL // NBUF)):
        j = NBUF * (NFULL // NBUF) + i
        wait_gather(i, j)
        d.append(pltpu.async_copy(bufs[i], acc.at[_chunk(dst_v, j)],
                                  ssems[i], add=True))
    pltpu.make_async_copy(h_hbm.at[_tail(src_v)], bufs[2].at[pl.ds(0, TAIL)],
                          gsems[2]).wait()
    d.append(pltpu.async_copy(bufs[2].at[pl.ds(0, TAIL)],
                              acc.at[_tail(dst_v)], ssems[2], add=True))
    for desc in d:
        desc.wait()

    plsc.subcore_barrier()

    @pl.when(c == 0)
    def _():
        pltpu.sync_copy(acc.at[pl.ds(r0, RPT)],
                        out_hbm.at[pl.ds(r0, RPT), pl.ds(0, HID)])

    @pl.when(c == 1)
    def _():
        pltpu.sync_copy(acc.at[pl.ds(r0, RPT)],
                        out_hbm.at[pl.ds(r0, RPT), pl.ds(HID, HID)])


def _tc_mm_body(x_ref, w_ref, mm_ref):
    mm_ref[...] = jnp.dot(x_ref[...], w_ref[...],
                          preferred_element_type=jnp.float32)


def _dis_matrix(disw, rows):
    d3 = lax.broadcast_in_dim(disw, (rows // 128, HID, 128), (0, 2))
    return jnp.swapaxes(d3, 1, 2).reshape(rows, HID)


def _tc1_body(mm_ref, d0_ref, d1_ref, dis_ref, hs_ref):
    disw = lax.rsqrt(1.0 + d0_ref[...] + d1_ref[...])
    dis_ref[...] = disw
    dmat = _dis_matrix(disw, N_PAD)
    hs_ref[pl.ds(0, N_NODES), :] = mm_ref[...] * dmat[:N_NODES, :]
    hs_ref[pl.ds(N_NODES, N_PAD - N_NODES), :] = jnp.zeros(
        (N_PAD - N_NODES, HID), jnp.float32)


BLK = 2048


def _tc2_body(p_ref, hs1_ref, dis_ref, b1_ref, w2_ref, hs2_ref):
    dmat = _dis_matrix(dis_ref[...], BLK)
    p = p_ref[...]
    h1 = jnp.maximum(
        dmat * (p[:, :HID] + p[:, HID:] + hs1_ref[...]) + b1_ref[...], 0.0
    )
    hs2_ref[...] = (
        jnp.dot(h1, w2_ref[...], preferred_element_type=jnp.float32) * dmat
    )


def _tc3_body(q_ref, hs2_ref, dis_ref, b2_ref, out_ref):
    dmat = _dis_matrix(dis_ref[...], BLK)
    q = q_ref[...]
    out_ref[...] = (
        dmat * (q[:, :HID] + q[:, HID:] + hs2_ref[...])
        + b2_ref[...]
    )


def kernel(x, edge_index, W1, b1, W2, b2):
    x = x.astype(jnp.float32)
    ei = edge_index.astype(jnp.int32)
    src1 = ei[0]
    dst1 = ei[1]

    degp = _deg_kernel(dst1)
    d0 = degp[0].reshape(DW, 128)
    d1 = degp[1].reshape(DW, 128)

    mm = pl.pallas_call(
        _tc_mm_body,
        out_shape=jax.ShapeDtypeStruct((N_NODES, HID), jnp.float32),
    )(x, W1)

    dis, hs1 = pl.pallas_call(
        _tc1_body,
        out_shape=[
            jax.ShapeDtypeStruct((DW, 128), jnp.float32),
            jax.ShapeDtypeStruct((N_PAD, HID), jnp.float32),
        ],
    )(mm, d0, d1)

    p = _agg_kernel(hs1, src1, dst1)

    hs2 = pl.pallas_call(
        _tc2_body,
        grid=(N_PAD // BLK,),
        in_specs=[
            pl.BlockSpec((BLK, 2 * HID), lambda k: (k, 0)),
            pl.BlockSpec((BLK, HID), lambda k: (k, 0)),
            pl.BlockSpec((BLK // 128, 128), lambda k: (k, 0)),
            pl.BlockSpec((1, HID), lambda k: (0, 0)),
            pl.BlockSpec((HID, HID), lambda k: (0, 0)),
        ],
        out_specs=pl.BlockSpec((BLK, HID), lambda k: (k, 0)),
        out_shape=jax.ShapeDtypeStruct((N_PAD, HID), jnp.float32),
    )(p, hs1, dis, b1.reshape(1, HID), W2)

    q = _agg_kernel(hs2, src1, dst1)

    out = pl.pallas_call(
        _tc3_body,
        grid=(N_PAD // BLK,),
        in_specs=[
            pl.BlockSpec((BLK, 2 * HID), lambda k: (k, 0)),
            pl.BlockSpec((BLK, HID), lambda k: (k, 0)),
            pl.BlockSpec((BLK // 128, 128), lambda k: (k, 0)),
            pl.BlockSpec((1, HID), lambda k: (0, 0)),
        ],
        out_specs=pl.BlockSpec((BLK, HID), lambda k: (k, 0)),
        out_shape=jax.ShapeDtypeStruct((N_NODES, HID), jnp.float32),
    )(q, hs2, dis, b2.reshape(1, HID))
    return out

# --- scband reference (transcript-rebuilt; emitter-appended) ---
"""Pipeline reference for scband-encoder-936302870755 (READ-ONLY COPY).

The authoritative reference and input builder live on the scoring server;
editing this copy changes nothing except your own understanding.
"""

import jax, jax.numpy as jnp
import numpy as np

N_NODES = 10000
IN_DIM = 128
HID = 64
N_EDGES = 320000


def gcn_conv(x, edge_index, W, b):
    num_nodes = x.shape[0]
    src = edge_index[0]
    dst = edge_index[1]
    # add self loops (PyG GCNConv default add_self_loops=True)
    loop = jnp.arange(num_nodes, dtype=src.dtype)
    src = jnp.concatenate([src, loop])
    dst = jnp.concatenate([dst, loop])
    # symmetric normalization deg^{-1/2} A deg^{-1/2}
    deg = jnp.zeros((num_nodes,), dtype=x.dtype).at[dst].add(1.0)
    deg_inv_sqrt = jnp.where(deg > 0, deg ** -0.5, 0.0)
    norm = deg_inv_sqrt[src] * deg_inv_sqrt[dst]
    # linear transform then gather/scatter aggregate
    h = x @ W
    msg = h[src] * norm[:, None]
    out = jnp.zeros((num_nodes, W.shape[1]), dtype=x.dtype).at[dst].add(msg)
    return out + b


def setup_inputs(seed: int = 0) -> dict:
    key = jax.random.key(seed)
    k1, k2, k3, k4, k5, k6 = jax.random.split(key, 6)
    x = jax.random.normal(k1, (N_NODES, IN_DIM), dtype=jnp.float32)
    edge_index = jax.random.randint(k2, (2, N_EDGES), 0, N_NODES, dtype=jnp.int64)
    # glorot-style init for GCN weights
    W1 = jax.random.normal(k3, (IN_DIM, HID), dtype=jnp.float32) * (2.0 / (IN_DIM + HID)) ** 0.5
    b1 = jnp.zeros((HID,), dtype=jnp.float32)
    W2 = jax.random.normal(k4, (HID, HID), dtype=jnp.float32) * (2.0 / (HID + HID)) ** 0.5
    b2 = jnp.zeros((HID,), dtype=jnp.float32)
    return {"x": x, "edge_index": edge_index, "W1": W1, "b1": b1, "W2": W2, "b2": b2}


def reference(x, edge_index, W1, b1, W2, b2):
    x = x.astype(jnp.float32)
    h = gcn_conv(x, edge_index, W1, b1)
    h = jax.nn.relu(h)
    # dropout(p=0.2) is identity in eval mode
    out = gcn_conv(h, edge_index, W2, b2)
    return out

if __name__ == "__main__":
    import jax
    _d = setup_inputs()
    print(jax.jit(kernel)(*tuple(_d.values())))

</pallas_src>

<mosaic_0001>
#map = affine_map<(d0, d1) -> (0)>
#map1 = affine_map<(d0, d1) -> (0, 0)>
module attributes {stable_mosaic.version = 14 : i64} {
  func.func @_deg_kernel(%arg0: i32, %arg1: i32, %arg2: memref<320000xi32, #tpu.memory_space<hbm>>, %arg3: memref<2x10240xf32, #tpu.memory_space<hbm>>, %arg4: memref<10000xi32, #tpu.memory_space<vmem>>, %arg5: memref<128xf32, #tpu.memory_space<vmem>>, %arg6: memref<640xf32, #tpu.memory_space<vmem>>, %arg7: memref<10240xf32, #tpu.memory_space<vmem_shared>>, %arg8: memref<!tpu.dma_semaphore, #tpu.memory_space<semaphore_mem>>, %arg9: memref<!tpu.dma_semaphore, #tpu.memory_space<semaphore_mem>>) attributes {dimension_semantics = [#tpu.dimension_semantics<core_parallel>, #tpu.dimension_semantics<subcore_parallel>], iteration_bounds = array<i64: 2, 16>, scalar_prefetch = 0 : i64, scratch_operands = 6 : i64, tpu.core_type = #tpu.core_type<sc_vector_subcore>, window_params = [{transform_indices = #map}, {transform_indices = #map1}]} {
    %mul3A = arith.constant 2 : i32
    %mul3A_0 = arith.muli %arg1, %mul3A : i32
    %add3A = arith.addi %mul3A_0, %arg0 : i32
    %mul3A_1 = arith.constant 10000 : i32
    %mul3A_2 = arith.muli %add3A, %mul3A_1 : i32
    "tpu.region"() ({
      %run_scoped3A = tpu.sem_alloc : memref<!tpu.dma_semaphore, #tpu.memory_space<semaphore_mem>>
      %dma_start3A_56 = tpu.memref_slice %arg2[%mul3A_2] : memref<320000xi32, #tpu.memory_space<hbm>> -> memref<10000xi32, #tpu.memory_space<hbm>>
      %dma_start3A_57 = tpu.memref_slice %arg2[%mul3A_2] : memref<320000xi32, #tpu.memory_space<hbm>> -> memref<10000xi32, #tpu.memory_space<hbm>>
      tpu.enqueue_dma source(%dma_start3A_57 : memref<10000xi32, #tpu.memory_space<hbm>>) target(%arg4 : memref<10000xi32, #tpu.memory_space<vmem>>) target_semaphore(%run_scoped3A : memref<!tpu.dma_semaphore, #tpu.memory_space<semaphore_mem>>)
      %dma_wait3A = tpu.memref_slice %arg2[%mul3A_2] : memref<320000xi32, #tpu.memory_space<hbm>> -> memref<10000xi32, #tpu.memory_space<hbm>>
      %dma_wait3A_58 = tpu.memref_slice %arg2[%mul3A_2] : memref<320000xi32, #tpu.memory_space<hbm>> -> memref<10000xi32, #tpu.memory_space<hbm>>
      tpu.wait_dma2 semaphore(%run_scoped3A : memref<!tpu.dma_semaphore, #tpu.memory_space<semaphore_mem>>) src(%dma_wait3A_58 : memref<10000xi32, #tpu.memory_space<hbm>>) dst(%arg4 : memref<10000xi32, #tpu.memory_space<vmem>>)
      tpu.yield
    }) : () -> ()
    %broadcast_in_dim3A = arith.constant 1.000000e+00 : f32
    %broadcast_in_dim3A_3 = vector.broadcast %broadcast_in_dim3A : f32 to vector<16xf32>
    %broadcast_in_dim3A_4 = arith.constant 0.000000e+00 : f32
    %broadcast_in_dim3A_5 = vector.broadcast %broadcast_in_dim3A_4 : f32 to vector<16xf32>
    %swap3A = arith.constant 0 : index
    %swap3A_6 = tpu.vector_load %arg5[%swap3A] {strides = array<i32>} : memref<128xf32, #tpu.memory_space<vmem>>, vector<16xf32>,
    %swap3A_7 = vector.shape_cast %swap3A_6 : vector<16xf32> to vector<16xf32>
    %swap3A_8 = vector.shape_cast %broadcast_in_dim3A_3 : vector<16xf32> to vector<16xf32>
    tpu.vector_store %arg5[%swap3A], %swap3A_8 {strides = array<i32>} : memref<128xf32, #tpu.memory_space<vmem>>, vector<16xf32>,
    %swap3A_9 = arith.constant 16 : index
    %swap3A_10 = tpu.vector_load %arg5[%swap3A_9] {strides = array<i32>} : memref<128xf32, #tpu.memory_space<vmem>>, vector<16xf32>,
    %swap3A_11 = vector.shape_cast %swap3A_10 : vector<16xf32> to vector<16xf32>
    %swap3A_12 = vector.shape_cast %broadcast_in_dim3A_3 : vector<16xf32> to vector<16xf32>
    tpu.vector_store %arg5[%swap3A_9], %swap3A_12 {strides = array<i32>} : memref<128xf32, #tpu.memory_space<vmem>>, vector<16xf32>,
    %swap3A_13 = arith.constant 32 : index
    %swap3A_14 = tpu.vector_load %arg5[%swap3A_13] {strides = array<i32>} : memref<128xf32, #tpu.memory_space<vmem>>, vector<16xf32>,
    %swap3A_15 = vector.shape_cast %swap3A_14 : vector<16xf32> to vector<16xf32>
    %swap3A_16 = vector.shape_cast %broadcast_in_dim3A_3 : vector<16xf32> to vector<16xf32>
    tpu.vector_store %arg5[%swap3A_13], %swap3A_16 {strides = array<i32>} : memref<128xf32, #tpu.memory_space<vmem>>, vector<16xf32>,
    %swap3A_17 = arith.constant 48 : index
    %swap3A_18 = tpu.vector_load %arg5[%swap3A_17] {strides = array<i32>} : memref<128xf32, #tpu.memory_space<vmem>>, vector<16xf32>,
    %swap3A_19 = vector.shape_cast %swap3A_18 : vector<16xf32> to vector<16xf32>
    %swap3A_20 = vector.shape_cast %broadcast_in_dim3A_3 : vector<16xf32> to vector<16xf32>
    tpu.vector_store %arg5[%swap3A_17], %swap3A_20 {strides = array<i32>} : memref<128xf32, #tpu.memory_space<vmem>>, vector<16xf32>,
    %swap3A_21 = arith.constant 64 : index
    %swap3A_22 = tpu.vector_load %arg5[%swap3A_21] {strides = array<i32>} : memref<128xf32, #tpu.memory_space<vmem>>, vector<16xf32>,
    %swap3A_23 = vector.shape_cast %swap3A_22 : vector<16xf32> to vector<16xf32>
    %swap3A_24 = vector.shape_cast %broadcast_in_dim3A_3 : vector<16xf32> to vector<16xf32>
    tpu.vector_store %arg5[%swap3A_21], %swap3A_24 {strides = array<i32>} : memref<128xf32, #tpu.memory_space<vmem>>, vector<16xf32>,
    %swap3A_25 = arith.constant 80 : index
    %swap3A_26 = tpu.vector_load %arg5[%swap3A_25] {strides = array<i32>} : memref<128xf32, #tpu.memory_space<vmem>>, vector<16xf32>,
    %swap3A_27 = vector.shape_cast %swap3A_26 : vector<16xf32> to vector<16xf32>
    %swap3A_28 = vector.shape_cast %broadcast_in_dim3A_3 : vector<16xf32> to vector<16xf32>
    tpu.vector_store %arg5[%swap3A_25], %swap3A_28 {strides = array<i32>} : memref<128xf32, #tpu.memory_space<vmem>>, vector<16xf32>,
    %swap3A_29 = arith.constant 96 : index
    %swap3A_30 = tpu.vector_load %arg5[%swap3A_29] {strides = array<i32>} : memref<128xf32, #tpu.memory_space<vmem>>, vector<16xf32>,
    %swap3A_31 = vector.shape_cast %swap3A_30 : vector<16xf32> to vector<16xf32>
    %swap3A_32 = vector.shape_cast %broadcast_in_dim3A_3 : vector<16xf32> to vector<16xf32>
    tpu.vector_store %arg5[%swap3A_29], %swap3A_32 {strides = array<i32>} : memref<128xf32, #tpu.memory_space<vmem>>, vector<16xf32>,
    %swap3A_33 = arith.constant 112 : index
    %swap3A_34 = tpu.vector_load %arg5[%swap3A_33] {strides = array<i32>} : memref<128xf32, #tpu.memory_space<vmem>>, vector<16xf32>,
    %swap3A_35 = vector.shape_cast %swap3A_34 : vector<16xf32> to vector<16xf32>
    %swap3A_36 = vector.shape_cast %broadcast_in_dim3A_3 : vector<16xf32> to vector<16xf32>
    tpu.vector_store %arg5[%swap3A_33], %swap3A_36 {strides = array<i32>} : memref<128xf32, #tpu.memory_space<vmem>>, vector<16xf32>,
    %scan3A = arith.constant 0 : i32
    %scan3A_37 = arith.constant 0 : i32
    %scan3A_38 = arith.constant 40 : i32
    %scan3A_39 = arith.addi %scan3A_37, %scan3A_38 : i32
    %scan3A_40 = arith.constant 1 : i32
    scf.for %scan3A_56 = %scan3A_37 to %scan3A_39 step %scan3A_40  : i32 {
      %mul3A_57 = arith.constant 16 : i32
      %mul3A_58 = arith.muli %scan3A_56, %mul3A_57 : i32
      %swap3A_59 = arith.index_cast %mul3A_58 : i32 to index
      %swap3A_60 = tpu.vector_load %arg6[%swap3A_59] {strides = array<i32>} : memref<640xf32, #tpu.memory_space<vmem>>, vector<16xf32>,
      %swap3A_61 = vector.shape_cast %swap3A_60 : vector<16xf32> to vector<16xf32>
      %swap3A_62 = vector.shape_cast %broadcast_in_dim3A_5 : vector<16xf32> to vector<16xf32>
      tpu.vector_store %arg6[%swap3A_59], %swap3A_62 {strides = array<i32>} : memref<640xf32, #tpu.memory_space<vmem>>, vector<16xf32>,
    }
    %scan3A_41 = arith.constant 40 : i32
    %mul3A_42 = arith.constant 640 : i32
    %mul3A_43 = arith.muli %arg1, %mul3A_42 : i32
    "tpu.region"() ({
      %run_scoped3A = tpu.sem_alloc : memref<!tpu.dma_semaphore, #tpu.memory_space<semaphore_mem>>
      %dma_start3A_56 = tpu.memref_slice %arg7[%mul3A_43] : memref<10240xf32, #tpu.memory_space<vmem_shared>> -> memref<640xf32, #tpu.memory_space<vmem_shared>>
      %dma_start3A_57 = tpu.memref_slice %arg7[%mul3A_43] : memref<10240xf32, #tpu.memory_space<vmem_shared>> -> memref<640xf32, #tpu.memory_space<vmem_shared>>
      tpu.enqueue_dma source(%arg6 : memref<640xf32, #tpu.memory_space<vmem>>) target(%dma_start3A_57 : memref<640xf32, #tpu.memory_space<vmem_shared>>) target_semaphore(%run_scoped3A : memref<!tpu.dma_semaphore, #tpu.memory_space<semaphore_mem>>)
      %dma_wait3A = tpu.memref_slice %arg7[%mul3A_43] : memref<10240xf32, #tpu.memory_space<vmem_shared>> -> memref<640xf32, #tpu.memory_space<vmem_shared>>
      %dma_wait3A_58 = tpu.memref_slice %arg7[%mul3A_43] : memref<10240xf32, #tpu.memory_space<vmem_shared>> -> memref<640xf32, #tpu.memory_space<vmem_shared>>
      tpu.wait_dma2 semaphore(%run_scoped3A : memref<!tpu.dma_semaphore, #tpu.memory_space<semaphore_mem>>) src(%arg6 : memref<640xf32, #tpu.memory_space<vmem>>) dst(%dma_wait3A_58 : memref<640xf32, #tpu.memory_space<vmem_shared>>)
      tpu.yield
    }) : () -> ()
    %barrier3A = arith.constant 0 : index
    tpu.barrier barrier_id(%barrier3A)
    %multiple_of3A = arith.constant 0 : i32
    %multiple_of3A_44 = tpu.assume_multiple %multiple_of3A, 128 : i32
    %dma_start3A = tpu.memref_slice %arg4[%multiple_of3A_44] : memref<10000xi32, #tpu.memory_space<vmem>> -> memref<128xi32, #tpu.memory_space<vmem>>
    %dma_start3A_45 = arith.constant 0 : i32
    %dma_start3A_46 = tpu.memref_slice %arg7[%dma_start3A_45] : memref<10240xf32, #tpu.memory_space<vmem_shared>> -> memref<10240xf32, #tpu.memory_space<vmem_shared>>
    tpu.enqueue_indirect_dma source(%arg5 : memref<128xf32, #tpu.memory_space<vmem>>) target(%dma_start3A_46 : memref<10240xf32, #tpu.memory_space<vmem_shared>>) offsets(%dma_start3A : memref<128xi32, #tpu.memory_space<vmem>>) semaphore(%arg8 : memref<!tpu.dma_semaphore, #tpu.memory_space<semaphore_mem>>) {add = true}
    %scan3A_47 = arith.constant 0 : i32
    %scan3A_48 = arith.constant 0 : i32
    %scan3A_49 = arith.constant 39 : i32
    %scan3A_50 = arith.addi %scan3A_48, %scan3A_49 : i32
    %scan3A_51 = arith.constant 1 : i32
    scf.for %scan3A_56 = %scan3A_48 to %scan3A_50 step %scan3A_51  : i32 {
      %mul3A_57 = arith.constant 2 : i32
      %mul3A_58 = arith.muli %mul3A_57, %scan3A_56 : i32
      %add3A_59 = arith.constant 1 : i32
      %add3A_60 = arith.addi %mul3A_58, %add3A_59 : i32
      %mul3A_61 = arith.constant 128 : i32
      %mul3A_62 = arith.muli %add3A_60, %mul3A_61 : i32
      %multiple_of3A_63 = tpu.assume_multiple %mul3A_62, 128 : i32
      %dma_start3A_64 = tpu.memref_slice %arg4[%multiple_of3A_63] : memref<10000xi32, #tpu.memory_space<vmem>> -> memref<128xi32, #tpu.memory_space<vmem>>
      %dma_start3A_65 = arith.constant 0 : i32
      %dma_start3A_66 = tpu.memref_slice %arg7[%dma_start3A_65] : memref<10240xf32, #tpu.memory_space<vmem_shared>> -> memref<10240xf32, #tpu.memory_space<vmem_shared>>
      tpu.enqueue_indirect_dma source(%arg5 : memref<128xf32, #tpu.memory_space<vmem>>) target(%dma_start3A_66 : memref<10240xf32, #tpu.memory_space<vmem_shared>>) offsets(%dma_start3A_64 : memref<128xi32, #tpu.memory_space<vmem>>) semaphore(%arg9 : memref<!tpu.dma_semaphore, #tpu.memory_space<semaphore_mem>>) {add = true}
      %mul3A_67 = arith.constant 128 : i32
      %mul3A_68 = arith.muli %mul3A_58, %mul3A_67 : i32
      %multiple_of3A_69 = tpu.assume_multiple %mul3A_68, 128 : i32
      %dma_wait3A = tpu.memref_slice %arg4[%multiple_of3A_69] : memref<10000xi32, #tpu.memory_space<vmem>> -> memref<128xi32, #tpu.memory_space<vmem>>
      %dma_wait3A_70 = arith.constant 0 : i32
      %dma_wait3A_71 = tpu.memref_slice %arg7[%dma_wait3A_70] : memref<10240xf32, #tpu.memory_space<vmem_shared>> -> memref<10240xf32, #tpu.memory_space<vmem_shared>>
      tpu.wait_indirect_dma semaphore(%arg8 : memref<!tpu.dma_semaphore, #tpu.memory_space<semaphore_mem>>) src(%arg5 : memref<128xf32, #tpu.memory_space<vmem>>) dst(%dma_wait3A_71 : memref<10240xf32, #tpu.memory_space<vmem_shared>>)
      %add3A_72 = arith.constant 2 : i32
      %add3A_73 = arith.addi %mul3A_58, %add3A_72 : i32
      %lt3A = arith.constant 78 : i32
      %lt3A_74 = arith.cmpi slt, %add3A_73, %lt3A : i32
      %convert_element_type3A_75 = arith.extui %lt3A_74 : i1 to i32
      %cond3A_76 = arith.constant 0 : i32
      %cond3A_77 = arith.cmpi ne, %convert_element_type3A_75, %cond3A_76 : i32
      scf.if %cond3A_77 {
        %add3A_86 = arith.constant 2 : i32
        %add3A_87 = arith.addi %mul3A_58, %add3A_86 : i32
        %mul3A_88 = arith.constant 128 : i32
        %mul3A_89 = arith.muli %add3A_87, %mul3A_88 : i32
        %multiple_of3A_90 = tpu.assume_multiple %mul3A_89, 128 : i32
        %dma_start3A_91 = tpu.memref_slice %arg4[%multiple_of3A_90] : memref<10000xi32, #tpu.memory_space<vmem>> -> memref<128xi32, #tpu.memory_space<vmem>>
        %dma_start3A_92 = arith.constant 0 : i32
        %dma_start3A_93 = tpu.memref_slice %arg7[%dma_start3A_92] : memref<10240xf32, #tpu.memory_space<vmem_shared>> -> memref<10240xf32, #tpu.memory_space<vmem_shared>>
        tpu.enqueue_indirect_dma source(%arg5 : memref<128xf32, #tpu.memory_space<vmem>>) target(%dma_start3A_93 : memref<10240xf32, #tpu.memory_space<vmem_shared>>) offsets(%dma_start3A_91 : memref<128xi32, #tpu.memory_space<vmem>>) semaphore(%arg8 : memref<!tpu.dma_semaphore, #tpu.memory_space<semaphore_mem>>) {add = true}
      } else {
      }
      %add3A_78 = arith.constant 1 : i32
      %add3A_79 = arith.addi %mul3A_58, %add3A_78 : i32
      %mul3A_80 = arith.constant 128 : i32
      %mul3A_81 = arith.muli %add3A_79, %mul3A_80 : i32
      %multiple_of3A_82 = tpu.assume_multiple %mul3A_81, 128 : i32
      %dma_wait3A_83 = tpu.memref_slice %arg4[%multiple_of3A_82] : memref<10000xi32, #tpu.memory_space<vmem>> -> memref<128xi32, #tpu.memory_space<vmem>>
      %dma_wait3A_84 = arith.constant 0 : i32
      %dma_wait3A_85 = tpu.memref_slice %arg7[%dma_wait3A_84] : memref<10240xf32, #tpu.memory_space<vmem_shared>> -> memref<10240xf32, #tpu.memory_space<vmem_shared>>
      tpu.wait_indirect_dma semaphore(%arg9 : memref<!tpu.dma_semaphore, #tpu.memory_space<semaphore_mem>>) src(%arg5 : memref<128xf32, #tpu.memory_space<vmem>>) dst(%dma_wait3A_85 : memref<10240xf32, #tpu.memory_space<vmem_shared>>)
    }
    %scan3A_52 = arith.constant 39 : i32
    "tpu.region"() ({
      %run_scoped3A = tpu.sem_alloc : memref<!tpu.dma_semaphore, #tpu.memory_space<semaphore_mem>>
      %dma_start3A_56 = arith.constant 0 : i32
      %dma_start3A_57 = tpu.memref_slice %arg5[%dma_start3A_56] : memref<128xf32, #tpu.memory_space<vmem>> -> memref<16xf32, #tpu.memory_space<vmem>>
      %dma_start3A_58 = arith.constant 9984 : i32
      %dma_start3A_59 = tpu.memref_slice %arg4[%dma_start3A_58] : memref<10000xi32, #tpu.memory_space<vmem>> -> memref<16xi32, #tpu.memory_space<vmem>>
      %dma_start3A_60 = arith.constant 0 : i32
      %dma_start3A_61 = tpu.memref_slice %arg7[%dma_start3A_60] : memref<10240xf32, #tpu.memory_space<vmem_shared>> -> memref<10240xf32, #tpu.memory_space<vmem_shared>>
      tpu.enqueue_indirect_dma source(%dma_start3A_57 : memref<16xf32, #tpu.memory_space<vmem>>) target(%dma_start3A_61 : memref<10240xf32, #tpu.memory_space<vmem_shared>>) offsets(%dma_start3A_59 : memref<16xi32, #tpu.memory_space<vmem>>) semaphore(%run_scoped3A : memref<!tpu.dma_semaphore, #tpu.memory_space<semaphore_mem>>) {add = true}
      %dma_wait3A = arith.constant 0 : i32
      %dma_wait3A_62 = tpu.memref_slice %arg5[%dma_wait3A] : memref<128xf32, #tpu.memory_space<vmem>> -> memref<16xf32, #tpu.memory_space<vmem>>
      %dma_wait3A_63 = arith.constant 9984 : i32
      %dma_wait3A_64 = tpu.memref_slice %arg4[%dma_wait3A_63] : memref<10000xi32, #tpu.memory_space<vmem>> -> memref<16xi32, #tpu.memory_space<vmem>>
      %dma_wait3A_65 = arith.constant 0 : i32
      %dma_wait3A_66 = tpu.memref_slice %arg7[%dma_wait3A_65] : memref<10240xf32, #tpu.memory_space<vmem_shared>> -> memref<10240xf32, #tpu.memory_space<vmem_shared>>
      tpu.wait_indirect_dma semaphore(%run_scoped3A : memref<!tpu.dma_semaphore, #tpu.memory_space<semaphore_mem>>) src(%dma_wait3A_62 : memref<16xf32, #tpu.memory_space<vmem>>) dst(%dma_wait3A_66 : memref<10240xf32, #tpu.memory_space<vmem_shared>>)
      tpu.yield
    }) : () -> ()
    %barrier3A_53 = arith.constant 0 : index
    tpu.barrier barrier_id(%barrier3A_53)
    %eq3A = arith.constant 0 : i32
    %eq3A_54 = arith.cmpi eq, %arg1, %eq3A : i32
    %convert_element_type3A = arith.extui %eq3A_54 : i1 to i32
    %cond3A = arith.constant 0 : i32
    %cond3A_55 = arith.cmpi ne, %convert_element_type3A, %cond3A : i32
    scf.if %cond3A_55 {
      "tpu.region"() ({
        %run_scoped3A = tpu.sem_alloc : memref<!tpu.dma_semaphore, #tpu.memory_space<semaphore_mem>>
        %dma_start3A_56 = arith.constant 0 : i32
        %dma_start3A_57 = tpu.memref_slice %arg3[%arg0, %dma_start3A_56] : memref<2x10240xf32, #tpu.memory_space<hbm>> -> memref<1x10240xf32, #tpu.memory_space<hbm>>
        %dma_start3A_58 = tpu.memref_squeeze %dma_start3A_57 : memref<1x10240xf32, #tpu.memory_space<hbm>> -> memref<10240xf32, #tpu.memory_space<hbm>>
        tpu.enqueue_dma source(%arg7 : memref<10240xf32, #tpu.memory_space<vmem_shared>>) target(%dma_start3A_58 : memref<10240xf32, #tpu.memory_space<hbm>>) target_semaphore(%run_scoped3A : memref<!tpu.dma_semaphore, #tpu.memory_space<semaphore_mem>>)
        %dma_wait3A = arith.constant 0 : i32
        %dma_wait3A_59 = tpu.memref_slice %arg3[%arg0, %dma_wait3A] : memref<2x10240xf32, #tpu.memory_space<hbm>> -> memref<1x10240xf32, #tpu.memory_space<hbm>>
        %dma_wait3A_60 = tpu.memref_squeeze %dma_wait3A_59 : memref<1x10240xf32, #tpu.memory_space<hbm>> -> memref<10240xf32, #tpu.memory_space<hbm>>
        tpu.wait_dma2 semaphore(%run_scoped3A : memref<!tpu.dma_semaphore, #tpu.memory_space<semaphore_mem>>) src(%arg7 : memref<10240xf32, #tpu.memory_space<vmem_shared>>) dst(%dma_wait3A_60 : memref<10240xf32, #tpu.memory_space<hbm>>)
        tpu.yield
      }) : () -> ()
    } else {
    }
    return
  }
}

#map = affine_map<(d0, d1) -> (0, 0)>
#map1 = affine_map<(d0, d1) -> (0)>
module attributes {stable_mosaic.version = 14 : i64} {
  func.func @_agg_kernel(%arg0: i32, %arg1: i32, %arg2: memref<10240x64xf32, #tpu.memory_space<hbm>>, %arg3: memref<320000xi32, #tpu.memory_space<hbm>>, %arg4: memref<320000xi32, #tpu.memory_space<hbm>>, %arg5: memref<10240x128xf32, #tpu.memory_space<hbm>>, %arg6: memref<10000xi32, #tpu.memory_space<vmem>>, %arg7: memref<10000xi32, #tpu.memory_space<vmem>>, %arg8: memref<128x64xf32, #tpu.memory_space<vmem>>, %arg9: memref<128x64xf32, #tpu.memory_space<vmem>>, %arg10: memref<128x64xf32, #tpu.memory_space<vmem>>, %arg11: memref<128x64xf32, #tpu.memory_space<vmem>>, %arg12: memref<10240x64xf32, #tpu.memory_space<vmem_shared>>, %arg13: memref<!tpu.dma_semaphore, #tpu.memory_space<semaphore_mem>>, %arg14: memref<!tpu.dma_semaphore, #tpu.memory_space<semaphore_mem>>, %arg15: memref<!tpu.dma_semaphore, #tpu.memory_space<semaphore_mem>>, %arg16: memref<!tpu.dma_semaphore, #tpu.memory_space<semaphore_mem>>, %arg17: memref<!tpu.dma_semaphore, #tpu.memory_space<semaphore_mem>>, %arg18: memref<!tpu.dma_semaphore, #tpu.memory_space<semaphore_mem>>, %arg19: memref<!tpu.dma_semaphore, #tpu.memory_space<semaphore_mem>>, %arg20: memref<!tpu.dma_semaphore, #tpu.memory_space<semaphore_mem>>) attributes {dimension_semantics = [#tpu.dimension_semantics<core_parallel>, #tpu.dimension_semantics<subcore_parallel>], iteration_bounds = array<i64: 2, 16>, scalar_prefetch = 0 : i64, scratch_operands = 15 : i64, tpu.core_type = #tpu.core_type<sc_vector_subcore>, window_params = [{transform_indices = #map}, {transform_indices = #map1}, {transform_indices = #map1}, {transform_indices = #map}]} {
    %mul3A = arith.constant 2 : i32
    %mul3A_0 = arith.muli %arg1, %mul3A : i32
    %add3A = arith.addi %mul3A_0, %arg0 : i32
    %mul3A_1 = arith.constant 10000 : i32
    %mul3A_2 = arith.muli %add3A, %mul3A_1 : i32
    "tpu.region"() ({
      %run_scoped3A = tpu.sem_alloc : memref<!tpu.dma_semaphore, #tpu.memory_space<semaphore_mem>>
      %dma_start3A_122 = tpu.memref_slice %arg3[%mul3A_2] : memref<320000xi32, #tpu.memory_space<hbm>> -> memref<10000xi32, #tpu.memory_space<hbm>>
      %dma_start3A_123 = tpu.memref_slice %arg3[%mul3A_2] : memref<320000xi32, #tpu.memory_space<hbm>> -> memref<10000xi32, #tpu.memory_space<hbm>>
      tpu.enqueue_dma source(%dma_start3A_123 : memref<10000xi32, #tpu.memory_space<hbm>>) target(%arg6 : memref<10000xi32, #tpu.memory_space<vmem>>) target_semaphore(%run_scoped3A : memref<!tpu.dma_semaphore, #tpu.memory_space<semaphore_mem>>)
      %dma_wait3A_124 = tpu.memref_slice %arg3[%mul3A_2] : memref<320000xi32, #tpu.memory_space<hbm>> -> memref<10000xi32, #tpu.memory_space<hbm>>
      %dma_wait3A_125 = tpu.memref_slice %arg3[%mul3A_2] : memref<320000xi32, #tpu.memory_space<hbm>> -> memref<10000xi32, #tpu.memory_space<hbm>>
      tpu.wait_dma2 semaphore(%run_scoped3A : memref<!tpu.dma_semaphore, #tpu.memory_space<semaphore_mem>>) src(%dma_wait3A_125 : memref<10000xi32, #tpu.memory_space<hbm>>) dst(%arg6 : memref<10000xi32, #tpu.memory_space<vmem>>)
      tpu.yield
    }) : () -> ()
    %mul3A_3 = arith.constant 10000 : i32
    %mul3A_4 = arith.muli %add3A, %mul3A_3 : i32
    "tpu.region"() ({
      %run_scoped3A = tpu.sem_alloc : memref<!tpu.dma_semaphore, #tpu.memory_space<semaphore_mem>>
      %dma_start3A_122 = tpu.memref_slice %arg4[%mul3A_4] : memref<320000xi32, #tpu.memory_space<hbm>> -> memref<10000xi32, #tpu.memory_space<hbm>>
      %dma_start3A_123 = tpu.memref_slice %arg4[%mul3A_4] : memref<320000xi32, #tpu.memory_space<hbm>> -> memref<10000xi32, #tpu.memory_space<hbm>>
      tpu.enqueue_dma source(%dma_start3A_123 : memref<10000xi32, #tpu.memory_space<hbm>>) target(%arg7 : memref<10000xi32, #tpu.memory_space<vmem>>) target_semaphore(%run_scoped3A : memref<!tpu.dma_semaphore, #tpu.memory_space<semaphore_mem>>)
      %dma_wait3A_124 = tpu.memref_slice %arg4[%mul3A_4] : memref<320000xi32, #tpu.memory_space<hbm>> -> memref<10000xi32, #tpu.memory_space<hbm>>
      %dma_wait3A_125 = tpu.memref_slice %arg4[%mul3A_4] : memref<320000xi32, #tpu.memory_space<hbm>> -> memref<10000xi32, #tpu.memory_space<hbm>>
      tpu.wait_dma2 semaphore(%run_scoped3A : memref<!tpu.dma_semaphore, #tpu.memory_space<semaphore_mem>>) src(%dma_wait3A_125 : memref<10000xi32, #tpu.memory_space<hbm>>) dst(%arg7 : memref<10000xi32, #tpu.memory_space<vmem>>)
      tpu.yield
    }) : () -> ()
    %broadcast_in_dim3A = arith.constant 0.000000e+00 : f32
    %broadcast_in_dim3A_5 = vector.broadcast %broadcast_in_dim3A : f32 to vector<16xf32>
    %scan3A = arith.constant 0 : i32
    %scan3A_6 = arith.constant 0 : i32
    %scan3A_7 = arith.constant 128 : i32
    %scan3A_8 = arith.addi %scan3A_6, %scan3A_7 : i32
    %scan3A_9 = arith.constant 1 : i32
    scf.for %scan3A_122 = %scan3A_6 to %scan3A_8 step %scan3A_9  : i32 {
      %swap3A = arith.index_cast %scan3A_122 : i32 to index
      %swap3A_123 = arith.constant 0 : index
      %swap3A_124 = tpu.vector_load %arg8[%swap3A, %swap3A_123] {strides = array<i32>} : memref<128x64xf32, #tpu.memory_space<vmem>>, vector<1x16xf32>,
      %swap3A_125 = vector.shape_cast %swap3A_124 : vector<1x16xf32> to vector<16xf32>
      %swap3A_126 = vector.shape_cast %broadcast_in_dim3A_5 : vector<16xf32> to vector<1x16xf32>
      tpu.vector_store %arg8[%swap3A, %swap3A_123], %swap3A_126 {strides = array<i32>} : memref<128x64xf32, #tpu.memory_space<vmem>>, vector<1x16xf32>,
      %swap3A_127 = arith.index_cast %scan3A_122 : i32 to index
      %swap3A_128 = arith.constant 16 : index
      %swap3A_129 = tpu.vector_load %arg8[%swap3A_127, %swap3A_128] {strides = array<i32>} : memref<128x64xf32, #tpu.memory_space<vmem>>, vector<1x16xf32>,
      %swap3A_130 = vector.shape_cast %swap3A_129 : vector<1x16xf32> to vector<16xf32>
      %swap3A_131 = vector.shape_cast %broadcast_in_dim3A_5 : vector<16xf32> to vector<1x16xf32>
      tpu.vector_store %arg8[%swap3A_127, %swap3A_128], %swap3A_131 {strides = array<i32>} : memref<128x64xf32, #tpu.memory_space<vmem>>, vector<1x16xf32>,
      %swap3A_132 = arith.index_cast %scan3A_122 : i32 to index
      %swap3A_133 = arith.constant 32 : index
      %swap3A_134 = tpu.vector_load %arg8[%swap3A_132, %swap3A_133] {strides = array<i32>} : memref<128x64xf32, #tpu.memory_space<vmem>>, vector<1x16xf32>,
      %swap3A_135 = vector.shape_cast %swap3A_134 : vector<1x16xf32> to vector<16xf32>
      %swap3A_136 = vector.shape_cast %broadcast_in_dim3A_5 : vector<16xf32> to vector<1x16xf32>
      tpu.vector_store %arg8[%swap3A_132, %swap3A_133], %swap3A_136 {strides = array<i32>} : memref<128x64xf32, #tpu.memory_space<vmem>>, vector<1x16xf32>,
      %swap3A_137 = arith.index_cast %scan3A_122 : i32 to index
      %swap3A_138 = arith.constant 48 : index
      %swap3A_139 = tpu.vector_load %arg8[%swap3A_137, %swap3A_138] {strides = array<i32>} : memref<128x64xf32, #tpu.memory_space<vmem>>, vector<1x16xf32>,
      %swap3A_140 = vector.shape_cast %swap3A_139 : vector<1x16xf32> to vector<16xf32>
      %swap3A_141 = vector.shape_cast %broadcast_in_dim3A_5 : vector<16xf32> to vector<1x16xf32>
      tpu.vector_store %arg8[%swap3A_137, %swap3A_138], %swap3A_141 {strides = array<i32>} : memref<128x64xf32, #tpu.memory_space<vmem>>, vector<1x16xf32>,
    }
    %scan3A_10 = arith.constant 128 : i32
    %mul3A_11 = arith.constant 640 : i32
    %mul3A_12 = arith.muli %arg1, %mul3A_11 : i32
    %add3A_13 = arith.constant 0 : i32
    %add3A_14 = arith.addi %mul3A_12, %add3A_13 : i32
    "tpu.region"() ({
      %run_scoped3A = tpu.sem_alloc : memref<!tpu.dma_semaphore, #tpu.memory_space<semaphore_mem>>
      %dma_start3A_122 = arith.constant 0 : i32
      %dma_start3A_123 = tpu.memref_slice %arg12[%add3A_14, %dma_start3A_122] : memref<10240x64xf32, #tpu.memory_space<vmem_shared>> -> memref<128x64xf32, #tpu.memory_space<vmem_shared>>
      %dma_start3A_124 = arith.constant 0 : i32
      %dma_start3A_125 = tpu.memref_slice %arg12[%add3A_14, %dma_start3A_124] : memref<10240x64xf32, #tpu.memory_space<vmem_shared>> -> memref<128x64xf32, #tpu.memory_space<vmem_shared>>
      tpu.enqueue_dma source(%arg8 : memref<128x64xf32, #tpu.memory_space<vmem>>) target(%dma_start3A_125 : memref<128x64xf32, #tpu.memory_space<vmem_shared>>) target_semaphore(%run_scoped3A : memref<!tpu.dma_semaphore, #tpu.memory_space<semaphore_mem>>)
      %dma_wait3A_126 = arith.constant 0 : i32
      %dma_wait3A_127 = tpu.memref_slice %arg12[%add3A_14, %dma_wait3A_126] : memref<10240x64xf32, #tpu.memory_space<vmem_shared>> -> memref<128x64xf32, #tpu.memory_space<vmem_shared>>
      %dma_wait3A_128 = arith.constant 0 : i32
      %dma_wait3A_129 = tpu.memref_slice %arg12[%add3A_14, %dma_wait3A_128] : memref<10240x64xf32, #tpu.memory_space<vmem_shared>> -> memref<128x64xf32, #tpu.memory_space<vmem_shared>>
      tpu.wait_dma2 semaphore(%run_scoped3A : memref<!tpu.dma_semaphore, #tpu.memory_space<semaphore_mem>>) src(%arg8 : memref<128x64xf32, #tpu.memory_space<vmem>>) dst(%dma_wait3A_129 : memref<128x64xf32, #tpu.memory_space<vmem_shared>>)
      tpu.yield
    }) : () -> ()
    %add3A_15 = arith.constant 128 : i32
    %add3A_16 = arith.addi %mul3A_12, %add3A_15 : i32
    "tpu.region"() ({
      %run_scoped3A = tpu.sem_alloc : memref<!tpu.dma_semaphore, #tpu.memory_space<semaphore_mem>>
      %dma_start3A_122 = arith.constant 0 : i32
      %dma_start3A_123 = tpu.memref_slice %arg12[%add3A_16, %dma_start3A_122] : memref<10240x64xf32, #tpu.memory_space<vmem_shared>> -> memref<128x64xf32, #tpu.memory_space<vmem_shared>>
      %dma_start3A_124 = arith.constant 0 : i32
      %dma_start3A_125 = tpu.memref_slice %arg12[%add3A_16, %dma_start3A_124] : memref<10240x64xf32, #tpu.memory_space<vmem_shared>> -> memref<128x64xf32, #tpu.memory_space<vmem_shared>>
      tpu.enqueue_dma source(%arg8 : memref<128x64xf32, #tpu.memory_space<vmem>>) target(%dma_start3A_125 : memref<128x64xf32, #tpu.memory_space<vmem_shared>>) target_semaphore(%run_scoped3A : memref<!tpu.dma_semaphore, #tpu.memory_space<semaphore_mem>>)
      %dma_wait3A_126 = arith.constant 0 : i32
      %dma_wait3A_127 = tpu.memref_slice %arg12[%add3A_16, %dma_wait3A_126] : memref<10240x64xf32, #tpu.memory_space<vmem_shared>> -> memref<128x64xf32, #tpu.memory_space<vmem_shared>>
      %dma_wait3A_128 = arith.constant 0 : i32
      %dma_wait3A_129 = tpu.memref_slice %arg12[%add3A_16, %dma_wait3A_128] : memref<10240x64xf32, #tpu.memory_space<vmem_shared>> -> memref<128x64xf32, #tpu.memory_space<vmem_shared>>
      tpu.wait_dma2 semaphore(%run_scoped3A : memref<!tpu.dma_semaphore, #tpu.memory_space<semaphore_mem>>) src(%arg8 : memref<128x64xf32, #tpu.memory_space<vmem>>) dst(%dma_wait3A_129 : memref<128x64xf32, #tpu.memory_space<vmem_shared>>)
      tpu.yield
    }) : () -> ()
    %add3A_17 = arith.constant 256 : i32
    %add3A_18 = arith.addi %mul3A_12, %add3A_17 : i32
    "tpu.region"() ({
      %run_scoped3A = tpu.sem_alloc : memref<!tpu.dma_semaphore, #tpu.memory_space<semaphore_mem>>
      %dma_start3A_122 = arith.constant 0 : i32
      %dma_start3A_123 = tpu.memref_slice %arg12[%add3A_18, %dma_start3A_122] : memref<10240x64xf32, #tpu.memory_space<vmem_shared>> -> memref<128x64xf32, #tpu.memory_space<vmem_shared>>
      %dma_start3A_124 = arith.constant 0 : i32
      %dma_start3A_125 = tpu.memref_slice %arg12[%add3A_18, %dma_start3A_124] : memref<10240x64xf32, #tpu.memory_space<vmem_shared>> -> memref<128x64xf32, #tpu.memory_space<vmem_shared>>
      tpu.enqueue_dma source(%arg8 : memref<128x64xf32, #tpu.memory_space<vmem>>) target(%dma_start3A_125 : memref<128x64xf32, #tpu.memory_space<vmem_shared>>) target_semaphore(%run_scoped3A : memref<!tpu.dma_semaphore, #tpu.memory_space<semaphore_mem>>)
      %dma_wait3A_126 = arith.constant 0 : i32
      %dma_wait3A_127 = tpu.memref_slice %arg12[%add3A_18, %dma_wait3A_126] : memref<10240x64xf32, #tpu.memory_space<vmem_shared>> -> memref<128x64xf32, #tpu.memory_space<vmem_shared>>
      %dma_wait3A_128 = arith.constant 0 : i32
      %dma_wait3A_129 = tpu.memref_slice %arg12[%add3A_18, %dma_wait3A_128] : memref<10240x64xf32, #tpu.memory_space<vmem_shared>> -> memref<128x64xf32, #tpu.memory_space<vmem_shared>>
      tpu.wait_dma2 semaphore(%run_scoped3A : memref<!tpu.dma_semaphore, #tpu.memory_space<semaphore_mem>>) src(%arg8 : memref<128x64xf32, #tpu.memory_space<vmem>>) dst(%dma_wait3A_129 : memref<128x64xf32, #tpu.memory_space<vmem_shared>>)
      tpu.yield
    }) : () -> ()
    %add3A_19 = arith.constant 384 : i32
    %add3A_20 = arith.addi %mul3A_12, %add3A_19 : i32
    "tpu.region"() ({
      %run_scoped3A = tpu.sem_alloc : memref<!tpu.dma_semaphore, #tpu.memory_space<semaphore_mem>>
      %dma_start3A_122 = arith.constant 0 : i32
      %dma_start3A_123 = tpu.memref_slice %arg12[%add3A_20, %dma_start3A_122] : memref<10240x64xf32, #tpu.memory_space<vmem_shared>> -> memref<128x64xf32, #tpu.memory_space<vmem_shared>>
      %dma_start3A_124 = arith.constant 0 : i32
      %dma_start3A_125 = tpu.memref_slice %arg12[%add3A_20, %dma_start3A_124] : memref<10240x64xf32, #tpu.memory_space<vmem_shared>> -> memref<128x64xf32, #tpu.memory_space<vmem_shared>>
      tpu.enqueue_dma source(%arg8 : memref<128x64xf32, #tpu.memory_space<vmem>>) target(%dma_start3A_125 : memref<128x64xf32, #tpu.memory_space<vmem_shared>>) target_semaphore(%run_scoped3A : memref<!tpu.dma_semaphore, #tpu.memory_space<semaphore_mem>>)
      %dma_wait3A_126 = arith.constant 0 : i32
      %dma_wait3A_127 = tpu.memref_slice %arg12[%add3A_20, %dma_wait3A_126] : memref<10240x64xf32, #tpu.memory_space<vmem_shared>> -> memref<128x64xf32, #tpu.memory_space<vmem_shared>>
      %dma_wait3A_128 = arith.constant 0 : i32
      %dma_wait3A_129 = tpu.memref_slice %arg12[%add3A_20, %dma_wait3A_128] : memref<10240x64xf32, #tpu.memory_space<vmem_shared>> -> memref<128x64xf32, #tpu.memory_space<vmem_shared>>
      tpu.wait_dma2 semaphore(%run_scoped3A : memref<!tpu.dma_semaphore, #tpu.memory_space<semaphore_mem>>) src(%arg8 : memref<128x64xf32, #tpu.memory_space<vmem>>) dst(%dma_wait3A_129 : memref<128x64xf32, #tpu.memory_space<vmem_shared>>)
      tpu.yield
    }) : () -> ()
    %add3A_21 = arith.constant 512 : i32
    %add3A_22 = arith.addi %mul3A_12, %add3A_21 : i32
    "tpu.region"() ({
      %run_scoped3A = tpu.sem_alloc : memref<!tpu.dma_semaphore, #tpu.memory_space<semaphore_mem>>
      %dma_start3A_122 = arith.constant 0 : i32
      %dma_start3A_123 = tpu.memref_slice %arg12[%add3A_22, %dma_start3A_122] : memref<10240x64xf32, #tpu.memory_space<vmem_shared>> -> memref<128x64xf32, #tpu.memory_space<vmem_shared>>
      %dma_start3A_124 = arith.constant 0 : i32
      %dma_start3A_125 = tpu.memref_slice %arg12[%add3A_22, %dma_start3A_124] : memref<10240x64xf32, #tpu.memory_space<vmem_shared>> -> memref<128x64xf32, #tpu.memory_space<vmem_shared>>
      tpu.enqueue_dma source(%arg8 : memref<128x64xf32, #tpu.memory_space<vmem>>) target(%dma_start3A_125 : memref<128x64xf32, #tpu.memory_space<vmem_shared>>) target_semaphore(%run_scoped3A : memref<!tpu.dma_semaphore, #tpu.memory_space<semaphore_mem>>)
      %dma_wait3A_126 = arith.constant 0 : i32
      %dma_wait3A_127 = tpu.memref_slice %arg12[%add3A_22, %dma_wait3A_126] : memref<10240x64xf32, #tpu.memory_space<vmem_shared>> -> memref<128x64xf32, #tpu.memory_space<vmem_shared>>
      %dma_wait3A_128 = arith.constant 0 : i32
      %dma_wait3A_129 = tpu.memref_slice %arg12[%add3A_22, %dma_wait3A_128] : memref<10240x64xf32, #tpu.memory_space<vmem_shared>> -> memref<128x64xf32, #tpu.memory_space<vmem_shared>>
      tpu.wait_dma2 semaphore(%run_scoped3A : memref<!tpu.dma_semaphore, #tpu.memory_space<semaphore_mem>>) src(%arg8 : memref<128x64xf32, #tpu.memory_space<vmem>>) dst(%dma_wait3A_129 : memref<128x64xf32, #tpu.memory_space<vmem_shared>>)
      tpu.yield
    }) : () -> ()
    %barrier3A = arith.constant 0 : index
    tpu.barrier barrier_id(%barrier3A)
    %multiple_of3A = arith.constant 0 : i32
    %multiple_of3A_23 = tpu.assume_multiple %multiple_of3A, 128 : i32
    %dma_start3A = tpu.memref_slice %arg6[%multiple_of3A_23] : memref<10000xi32, #tpu.memory_space<vmem>> -> memref<128xi32, #tpu.memory_space<vmem>>
    %dma_start3A_24 = arith.constant 0 : i32
    %dma_start3A_25 = arith.constant 0 : i32
    %dma_start3A_26 = tpu.memref_slice %arg2[%dma_start3A_24, %dma_start3A_25] : memref<10240x64xf32, #tpu.memory_space<hbm>> -> memref<10240x64xf32, #tpu.memory_space<hbm>>
    tpu.enqueue_indirect_dma source(%dma_start3A_26 : memref<10240x64xf32, #tpu.memory_space<hbm>>) target(%arg8 : memref<128x64xf32, #tpu.memory_space<vmem>>) offsets(%dma_start3A : memref<128xi32, #tpu.memory_space<vmem>>) semaphore(%arg13 : memref<!tpu.dma_semaphore, #tpu.memory_space<semaphore_mem>>)
    %multiple_of3A_27 = arith.constant 128 : i32
    %multiple_of3A_28 = tpu.assume_multiple %multiple_of3A_27, 128 : i32
    %dma_start3A_29 = tpu.memref_slice %arg6[%multiple_of3A_28] : memref<10000xi32, #tpu.memory_space<vmem>> -> memref<128xi32, #tpu.memory_space<vmem>>
    %dma_start3A_30 = arith.constant 0 : i32
    %dma_start3A_31 = arith.constant 0 : i32
    %dma_start3A_32 = tpu.memref_slice %arg2[%dma_start3A_30, %dma_start3A_31] : memref<10240x64xf32, #tpu.memory_space<hbm>> -> memref<10240x64xf32, #tpu.memory_space<hbm>>
    tpu.enqueue_indirect_dma source(%dma_start3A_32 : memref<10240x64xf32, #tpu.memory_space<hbm>>) target(%arg9 : memref<128x64xf32, #tpu.memory_space<vmem>>) offsets(%dma_start3A_29 : memref<128xi32, #tpu.memory_space<vmem>>) semaphore(%arg14 : memref<!tpu.dma_semaphore, #tpu.memory_space<semaphore_mem>>)
    %multiple_of3A_33 = arith.constant 256 : i32
    %multiple_of3A_34 = tpu.assume_multiple %multiple_of3A_33, 128 : i32
    %dma_start3A_35 = tpu.memref_slice %arg6[%multiple_of3A_34] : memref<10000xi32, #tpu.memory_space<vmem>> -> memref<128xi32, #tpu.memory_space<vmem>>
    %dma_start3A_36 = arith.constant 0 : i32
    %dma_start3A_37 = arith.constant 0 : i32
    %dma_start3A_38 = tpu.memref_slice %arg2[%dma_start3A_36, %dma_start3A_37] : memref<10240x64xf32, #tpu.memory_space<hbm>> -> memref<10240x64xf32, #tpu.memory_space<hbm>>
    tpu.enqueue_indirect_dma source(%dma_start3A_38 : memref<10240x64xf32, #tpu.memory_space<hbm>>) target(%arg10 : memref<128x64xf32, #tpu.memory_space<vmem>>) offsets(%dma_start3A_35 : memref<128xi32, #tpu.memory_space<vmem>>) semaphore(%arg15 : memref<!tpu.dma_semaphore, #tpu.memory_space<semaphore_mem>>)
    %multiple_of3A_39 = arith.constant 384 : i32
    %multiple_of3A_40 = tpu.assume_multiple %multiple_of3A_39, 128 : i32
    %dma_start3A_41 = tpu.memref_slice %arg6[%multiple_of3A_40] : memref<10000xi32, #tpu.memory_space<vmem>> -> memref<128xi32, #tpu.memory_space<vmem>>
    %dma_start3A_42 = arith.constant 0 : i32
    %dma_start3A_43 = arith.constant 0 : i32
    %dma_start3A_44 = tpu.memref_slice %arg2[%dma_start3A_42, %dma_start3A_43] : memref<10240x64xf32, #tpu.memory_space<hbm>> -> memref<10240x64xf32, #tpu.memory_space<hbm>>
    tpu.enqueue_indirect_dma source(%dma_start3A_44 : memref<10240x64xf32, #tpu.memory_space<hbm>>) target(%arg11 : memref<128x64xf32, #tpu.memory_space<vmem>>) offsets(%dma_start3A_41 : memref<128xi32, #tpu.memory_space<vmem>>) semaphore(%arg16 : memref<!tpu.dma_semaphore, #tpu.memory_space<semaphore_mem>>)
    %scan3A_45 = arith.constant 0 : i32
    %scan3A_46 = arith.constant 0 : i32
    %scan3A_47 = arith.constant 19 : i32
    %scan3A_48 = arith.addi %scan3A_46, %scan3A_47 : i32
    %scan3A_49 = arith.constant 1 : i32
    scf.for %scan3A_122 = %scan3A_46 to %scan3A_48 step %scan3A_49  : i32 {
      %mul3A_123 = arith.constant 4 : i32
      %mul3A_124 = arith.muli %mul3A_123, %scan3A_122 : i32
      %add3A_125 = arith.constant 0 : i32
      %add3A_126 = arith.addi %mul3A_124, %add3A_125 : i32
      %mul3A_127 = arith.constant 128 : i32
      %mul3A_128 = arith.muli %add3A_126, %mul3A_127 : i32
      %multiple_of3A_129 = tpu.assume_multiple %mul3A_128, 128 : i32
      %dma_wait3A_130 = tpu.memref_slice %arg6[%multiple_of3A_129] : memref<10000xi32, #tpu.memory_space<vmem>> -> memref<128xi32, #tpu.memory_space<vmem>>
      %dma_wait3A_131 = arith.constant 0 : i32
      %dma_wait3A_132 = arith.constant 0 : i32
      %dma_wait3A_133 = tpu.memref_slice %arg2[%dma_wait3A_131, %dma_wait3A_132] : memref<10240x64xf32, #tpu.memory_space<hbm>> -> memref<10240x64xf32, #tpu.memory_space<hbm>>
      tpu.wait_indirect_dma semaphore(%arg13 : memref<!tpu.dma_semaphore, #tpu.memory_space<semaphore_mem>>) src(%dma_wait3A_133 : memref<10240x64xf32, #tpu.memory_space<hbm>>) dst(%arg8 : memref<128x64xf32, #tpu.memory_space<vmem>>)
      %add3A_134 = arith.constant 0 : i32
      %add3A_135 = arith.addi %mul3A_124, %add3A_134 : i32
      %mul3A_136 = arith.constant 128 : i32
      %mul3A_137 = arith.muli %add3A_135, %mul3A_136 : i32
      %multiple_of3A_138 = tpu.assume_multiple %mul3A_137, 128 : i32
      %dma_start3A_139 = tpu.memref_slice %arg7[%multiple_of3A_138] : memref<10000xi32, #tpu.memory_space<vmem>> -> memref<128xi32, #tpu.memory_space<vmem>>
      %dma_start3A_140 = arith.constant 0 : i32
      %dma_start3A_141 = arith.constant 0 : i32
      %dma_start3A_142 = tpu.memref_slice %arg12[%dma_start3A_140, %dma_start3A_141] : memref<10240x64xf32, #tpu.memory_space<vmem_shared>> -> memref<10240x64xf32, #tpu.memory_space<vmem_shared>>
      tpu.enqueue_indirect_dma source(%arg8 : memref<128x64xf32, #tpu.memory_space<vmem>>) target(%dma_start3A_142 : memref<10240x64xf32, #tpu.memory_space<vmem_shared>>) offsets(%dma_start3A_139 : memref<128xi32, #tpu.memory_space<vmem>>) semaphore(%arg17 : memref<!tpu.dma_semaphore, #tpu.memory_space<semaphore_mem>>) {add = true}
      %add3A_143 = arith.constant 1 : i32
      %add3A_144 = arith.addi %mul3A_124, %add3A_143 : i32
      %mul3A_145 = arith.constant 128 : i32
      %mul3A_146 = arith.muli %add3A_144, %mul3A_145 : i32
      %multiple_of3A_147 = tpu.assume_multiple %mul3A_146, 128 : i32
      %dma_wait3A_148 = tpu.memref_slice %arg6[%multiple_of3A_147] : memref<10000xi32, #tpu.memory_space<vmem>> -> memref<128xi32, #tpu.memory_space<vmem>>
      %dma_wait3A_149 = arith.constant 0 : i32
      %dma_wait3A_150 = arith.constant 0 : i32
      %dma_wait3A_151 = tpu.memref_slice %arg2[%dma_wait3A_149, %dma_wait3A_150] : memref<10240x64xf32, #tpu.memory_space<hbm>> -> memref<10240x64xf32, #tpu.memory_space<hbm>>
      tpu.wait_indirect_dma semaphore(%arg14 : memref<!tpu.dma_semaphore, #tpu.memory_space<semaphore_mem>>) src(%dma_wait3A_151 : memref<10240x64xf32, #tpu.memory_space<hbm>>) dst(%arg9 : memref<128x64xf32, #tpu.memory_space<vmem>>)
      %add3A_152 = arith.constant 1 : i32
      %add3A_153 = arith.addi %mul3A_124, %add3A_152 : i32
      %mul3A_154 = arith.constant 128 : i32
      %mul3A_155 = arith.muli %add3A_153, %mul3A_154 : i32
      %multiple_of3A_156 = tpu.assume_multiple %mul3A_155, 128 : i32
      %dma_start3A_157 = tpu.memref_slice %arg7[%multiple_of3A_156] : memref<10000xi32, #tpu.memory_space<vmem>> -> memref<128xi32, #tpu.memory_space<vmem>>
      %dma_start3A_158 = arith.constant 0 : i32
      %dma_start3A_159 = arith.constant 0 : i32
      %dma_start3A_160 = tpu.memref_slice %arg12[%dma_start3A_158, %dma_start3A_159] : memref<10240x64xf32, #tpu.memory_space<vmem_shared>> -> memref<10240x64xf32, #tpu.memory_space<vmem_shared>>
      tpu.enqueue_indirect_dma source(%arg9 : memref<128x64xf32, #tpu.memory_space<vmem>>) target(%dma_start3A_160 : memref<10240x64xf32, #tpu.memory_space<vmem_shared>>) offsets(%dma_start3A_157 : memref<128xi32, #tpu.memory_space<vmem>>) semaphore(%arg18 : memref<!tpu.dma_semaphore, #tpu.memory_space<semaphore_mem>>) {add = true}
      %add3A_161 = arith.constant 2 : i32
      %add3A_162 = arith.addi %mul3A_124, %add3A_161 : i32
      %mul3A_163 = arith.constant 128 : i32
      %mul3A_164 = arith.muli %add3A_162, %mul3A_163 : i32
      %multiple_of3A_165 = tpu.assume_multiple %mul3A_164, 128 : i32
      %dma_wait3A_166 = tpu.memref_slice %arg6[%multiple_of3A_165] : memref<10000xi32, #tpu.memory_space<vmem>> -> memref<128xi32, #tpu.memory_space<vmem>>
      %dma_wait3A_167 = arith.constant 0 : i32
      %dma_wait3A_168 = arith.constant 0 : i32
      %dma_wait3A_169 = tpu.memref_slice %arg2[%dma_wait3A_167, %dma_wait3A_168] : memref<10240x64xf32, #tpu.memory_space<hbm>> -> memref<10240x64xf32, #tpu.memory_space<hbm>>
      tpu.wait_indirect_dma semaphore(%arg15 : memref<!tpu.dma_semaphore, #tpu.memory_space<semaphore_mem>>) src(%dma_wait3A_169 : memref<10240x64xf32, #tpu.memory_space<hbm>>) dst(%arg10 : memref<128x64xf32, #tpu.memory_space<vmem>>)
      %add3A_170 = arith.constant 2 : i32
      %add3A_171 = arith.addi %mul3A_124, %add3A_170 : i32
      %mul3A_172 = arith.constant 128 : i32
      %mul3A_173 = arith.muli %add3A_171, %mul3A_172 : i32
      %multiple_of3A_174 = tpu.assume_multiple %mul3A_173, 128 : i32
      %dma_start3A_175 = tpu.memref_slice %arg7[%multiple_of3A_174] : memref<10000xi32, #tpu.memory_space<vmem>> -> memref<128xi32, #tpu.memory_space<vmem>>
      %dma_start3A_176 = arith.constant 0 : i32
      %dma_start3A_177 = arith.constant 0 : i32
      %dma_start3A_178 = tpu.memref_slice %arg12[%dma_start3A_176, %dma_start3A_177] : memref<10240x64xf32, #tpu.memory_space<vmem_shared>> -> memref<10240x64xf32, #tpu.memory_space<vmem_shared>>
      tpu.enqueue_indirect_dma source(%arg10 : memref<128x64xf32, #tpu.memory_space<vmem>>) target(%dma_start3A_178 : memref<10240x64xf32, #tpu.memory_space<vmem_shared>>) offsets(%dma_start3A_175 : memref<128xi32, #tpu.memory_space<vmem>>) semaphore(%arg19 : memref<!tpu.dma_semaphore, #tpu.memory_space<semaphore_mem>>) {add = true}
      %add3A_179 = arith.constant 3 : i32
      %add3A_180 = arith.addi %mul3A_124, %add3A_179 : i32
      %mul3A_181 = arith.constant 128 : i32
      %mul3A_182 = arith.muli %add3A_180, %mul3A_181 : i32
      %multiple_of3A_183 = tpu.assume_multiple %mul3A_182, 128 : i32
      %dma_wait3A_184 = tpu.memref_slice %arg6[%multiple_of3A_183] : memref<10000xi32, #tpu.memory_space<vmem>> -> memref<128xi32, #tpu.memory_space<vmem>>
      %dma_wait3A_185 = arith.constant 0 : i32
      %dma_wait3A_186 = arith.constant 0 : i32
      %dma_wait3A_187 = tpu.memref_slice %arg2[%dma_wait3A_185, %dma_wait3A_186] : memref<10240x64xf32, #tpu.memory_space<hbm>> -> memref<10240x64xf32, #tpu.memory_space<hbm>>
      tpu.wait_indirect_dma semaphore(%arg16 : memref<!tpu.dma_semaphore, #tpu.memory_space<semaphore_mem>>) src(%dma_wait3A_187 : memref<10240x64xf32, #tpu.memory_space<hbm>>) dst(%arg11 : memref<128x64xf32, #tpu.memory_space<vmem>>)
      %add3A_188 = arith.constant 3 : i32
      %add3A_189 = arith.addi %mul3A_124, %add3A_188 : i32
      %mul3A_190 = arith.constant 128 : i32
      %mul3A_191 = arith.muli %add3A_189, %mul3A_190 : i32
      %multiple_of3A_192 = tpu.assume_multiple %mul3A_191, 128 : i32
      %dma_start3A_193 = tpu.memref_slice %arg7[%multiple_of3A_192] : memref<10000xi32, #tpu.memory_space<vmem>> -> memref<128xi32, #tpu.memory_space<vmem>>
      %dma_start3A_194 = arith.constant 0 : i32
      %dma_start3A_195 = arith.constant 0 : i32
      %dma_start3A_196 = tpu.memref_slice %arg12[%dma_start3A_194, %dma_start3A_195] : memref<10240x64xf32, #tpu.memory_space<vmem_shared>> -> memref<10240x64xf32, #tpu.memory_space<vmem_shared>>
      tpu.enqueue_indirect_dma source(%arg11 : memref<128x64xf32, #tpu.memory_space<vmem>>) target(%dma_start3A_196 : memref<10240x64xf32, #tpu.memory_space<vmem_shared>>) offsets(%dma_start3A_193 : memref<128xi32, #tpu.memory_space<vmem>>) semaphore(%arg20 : memref<!tpu.dma_semaphore, #tpu.memory_space<semaphore_mem>>) {add = true}
      %dma_wait3A_197 = tpu.memref_slice %arg7[%multiple_of3A_138] : memref<10000xi32, #tpu.memory_space<vmem>> -> memref<128xi32, #tpu.memory_space<vmem>>
      %dma_wait3A_198 = arith.constant 0 : i32
      %dma_wait3A_199 = arith.constant 0 : i32
      %dma_wait3A_200 = tpu.memref_slice %arg12[%dma_wait3A_198, %dma_wait3A_199] : memref<10240x64xf32, #tpu.memory_space<vmem_shared>> -> memref<10240x64xf32, #tpu.memory_space<vmem_shared>>
      tpu.wait_indirect_dma semaphore(%arg17 : memref<!tpu.dma_semaphore, #tpu.memory_space<semaphore_mem>>) src(%arg8 : memref<128x64xf32, #tpu.memory_space<vmem>>) dst(%dma_wait3A_200 : memref<10240x64xf32, #tpu.memory_space<vmem_shared>>)
      %add3A_201 = arith.constant 4 : i32
      %add3A_202 = arith.addi %mul3A_124, %add3A_201 : i32
      %add3A_203 = arith.constant 0 : i32
      %add3A_204 = arith.addi %add3A_202, %add3A_203 : i32
      %lt3A = arith.constant 78 : i32
      %lt3A_205 = arith.cmpi slt, %add3A_204, %lt3A : i32
      %convert_element_type3A_206 = arith.extui %lt3A_205 : i1 to i32
      %cond3A_207 = arith.constant 0 : i32
      %cond3A_208 = arith.cmpi ne, %convert_element_type3A_206, %cond3A_207 : i32
      scf.if %cond3A_208 {
        %mul3A_248 = arith.constant 128 : i32
        %mul3A_249 = arith.muli %add3A_204, %mul3A_248 : i32
        %multiple_of3A_250 = tpu.assume_multiple %mul3A_249, 128 : i32
        %dma_start3A_251 = tpu.memref_slice %arg6[%multiple_of3A_250] : memref<10000xi32, #tpu.memory_space<vmem>> -> memref<128xi32, #tpu.memory_space<vmem>>
        %dma_start3A_252 = arith.constant 0 : i32
        %dma_start3A_253 = arith.constant 0 : i32
        %dma_start3A_254 = tpu.memref_slice %arg2[%dma_start3A_252, %dma_start3A_253] : memref<10240x64xf32, #tpu.memory_space<hbm>> -> memref<10240x64xf32, #tpu.memory_space<hbm>>
        tpu.enqueue_indirect_dma source(%dma_start3A_254 : memref<10240x64xf32, #tpu.memory_space<hbm>>) target(%arg8 : memref<128x64xf32, #tpu.memory_space<vmem>>) offsets(%dma_start3A_251 : memref<128xi32, #tpu.memory_space<vmem>>) semaphore(%arg13 : memref<!tpu.dma_semaphore, #tpu.memory_space<semaphore_mem>>)
      } else {
      }
      %dma_wait3A_209 = tpu.memref_slice %arg7[%multiple_of3A_156] : memref<10000xi32, #tpu.memory_space<vmem>> -> memref<128xi32, #tpu.memory_space<vmem>>
      %dma_wait3A_210 = arith.constant 0 : i32
      %dma_wait3A_211 = arith.constant 0 : i32
      %dma_wait3A_212 = tpu.memref_slice %arg12[%dma_wait3A_210, %dma_wait3A_211] : memref<10240x64xf32, #tpu.memory_space<vmem_shared>> -> memref<10240x64xf32, #tpu.memory_space<vmem_shared>>
      tpu.wait_indirect_dma semaphore(%arg18 : memref<!tpu.dma_semaphore, #tpu.memory_space<semaphore_mem>>) src(%arg9 : memref<128x64xf32, #tpu.memory_space<vmem>>) dst(%dma_wait3A_212 : memref<10240x64xf32, #tpu.memory_space<vmem_shared>>)
      %add3A_213 = arith.constant 4 : i32
      %add3A_214 = arith.addi %mul3A_124, %add3A_213 : i32
      %add3A_215 = arith.constant 1 : i32
      %add3A_216 = arith.addi %add3A_214, %add3A_215 : i32
      %lt3A_217 = arith.constant 78 : i32
      %lt3A_218 = arith.cmpi slt, %add3A_216, %lt3A_217 : i32
      %convert_element_type3A_219 = arith.extui %lt3A_218 : i1 to i32
      %cond3A_220 = arith.constant 0 : i32
      %cond3A_221 = arith.cmpi ne, %convert_element_type3A_219, %cond3A_220 : i32
      scf.if %cond3A_221 {
        %mul3A_248 = arith.constant 128 : i32
        %mul3A_249 = arith.muli %add3A_216, %mul3A_248 : i32
        %multiple_of3A_250 = tpu.assume_multiple %mul3A_249, 128 : i32
        %dma_start3A_251 = tpu.memref_slice %arg6[%multiple_of3A_250] : memref<10000xi32, #tpu.memory_space<vmem>> -> memref<128xi32, #tpu.memory_space<vmem>>
        %dma_start3A_252 = arith.constant 0 : i32
        %dma_start3A_253 = arith.constant 0 : i32
        %dma_start3A_254 = tpu.memref_slice %arg2[%dma_start3A_252, %dma_start3A_253] : memref<10240x64xf32, #tpu.memory_space<hbm>> -> memref<10240x64xf32, #tpu.memory_space<hbm>>
        tpu.enqueue_indirect_dma source(%dma_start3A_254 : memref<10240x64xf32, #tpu.memory_space<hbm>>) target(%arg9 : memref<128x64xf32, #tpu.memory_space<vmem>>) offsets(%dma_start3A_251 : memref<128xi32, #tpu.memory_space<vmem>>) semaphore(%arg14 : memref<!tpu.dma_semaphore, #tpu.memory_space<semaphore_mem>>)
      } else {
      }
      %dma_wait3A_222 = tpu.memref_slice %arg7[%multiple_of3A_174] : memref<10000xi32, #tpu.memory_space<vmem>> -> memref<128xi32, #tpu.memory_space<vmem>>
      %dma_wait3A_223 = arith.constant 0 : i32
      %dma_wait3A_224 = arith.constant 0 : i32
      %dma_wait3A_225 = tpu.memref_slice %arg12[%dma_wait3A_223, %dma_wait3A_224] : memref<10240x64xf32, #tpu.memory_space<vmem_shared>> -> memref<10240x64xf32, #tpu.memory_space<vmem_shared>>
      tpu.wait_indirect_dma semaphore(%arg19 : memref<!tpu.dma_semaphore, #tpu.memory_space<semaphore_mem>>) src(%arg10 : memref<128x64xf32, #tpu.memory_space<vmem>>) dst(%dma_wait3A_225 : memref<10240x64xf32, #tpu.memory_space<vmem_shared>>)
      %add3A_226 = arith.constant 4 : i32
      %add3A_227 = arith.addi %mul3A_124, %add3A_226 : i32
      %add3A_228 = arith.constant 2 : i32
      %add3A_229 = arith.addi %add3A_227, %add3A_228 : i32
      %lt3A_230 = arith.constant 78 : i32
      %lt3A_231 = arith.cmpi slt, %add3A_229, %lt3A_230 : i32
      %convert_element_type3A_232 = arith.extui %lt3A_231 : i1 to i32
      %cond3A_233 = arith.constant 0 : i32
      %cond3A_234 = arith.cmpi ne, %convert_element_type3A_232, %cond3A_233 : i32
      scf.if %cond3A_234 {
        %mul3A_248 = arith.constant 128 : i32
        %mul3A_249 = arith.muli %add3A_229, %mul3A_248 : i32
        %multiple_of3A_250 = tpu.assume_multiple %mul3A_249, 128 : i32
        %dma_start3A_251 = tpu.memref_slice %arg6[%multiple_of3A_250] : memref<10000xi32, #tpu.memory_space<vmem>> -> memref<128xi32, #tpu.memory_space<vmem>>
        %dma_start3A_252 = arith.constant 0 : i32
        %dma_start3A_253 = arith.constant 0 : i32
        %dma_start3A_254 = tpu.memref_slice %arg2[%dma_start3A_252, %dma_start3A_253] : memref<10240x64xf32, #tpu.memory_space<hbm>> -> memref<10240x64xf32, #tpu.memory_space<hbm>>
        tpu.enqueue_indirect_dma source(%dma_start3A_254 : memref<10240x64xf32, #tpu.memory_space<hbm>>) target(%arg10 : memref<128x64xf32, #tpu.memory_space<vmem>>) offsets(%dma_start3A_251 : memref<128xi32, #tpu.memory_space<vmem>>) semaphore(%arg15 : memref<!tpu.dma_semaphore, #tpu.memory_space<semaphore_mem>>)
      } else {
      }
      %dma_wait3A_235 = tpu.memref_slice %arg7[%multiple_of3A_192] : memref<10000xi32, #tpu.memory_space<vmem>> -> memref<128xi32, #tpu.memory_space<vmem>>
      %dma_wait3A_236 = arith.constant 0 : i32
      %dma_wait3A_237 = arith.constant 0 : i32
      %dma_wait3A_238 = tpu.memref_slice %arg12[%dma_wait3A_236, %dma_wait3A_237] : memref<10240x64xf32, #tpu.memory_space<vmem_shared>> -> memref<10240x64xf32, #tpu.memory_space<vmem_shared>>
      tpu.wait_indirect_dma semaphore(%arg20 : memref<!tpu.dma_semaphore, #tpu.memory_space<semaphore_mem>>) src(%arg11 : memref<128x64xf32, #tpu.memory_space<vmem>>) dst(%dma_wait3A_238 : memref<10240x64xf32, #tpu.memory_space<vmem_shared>>)
      %add3A_239 = arith.constant 4 : i32
      %add3A_240 = arith.addi %mul3A_124, %add3A_239 : i32
      %add3A_241 = arith.constant 3 : i32
      %add3A_242 = arith.addi %add3A_240, %add3A_241 : i32
      %lt3A_243 = arith.constant 78 : i32
      %lt3A_244 = arith.cmpi slt, %add3A_242, %lt3A_243 : i32
      %convert_element_type3A_245 = arith.extui %lt3A_244 : i1 to i32
      %cond3A_246 = arith.constant 0 : i32
      %cond3A_247 = arith.cmpi ne, %convert_element_type3A_245, %cond3A_246 : i32
      scf.if %cond3A_247 {
        %mul3A_248 = arith.constant 128 : i32
        %mul3A_249 = arith.muli %add3A_242, %mul3A_248 : i32
        %multiple_of3A_250 = tpu.assume_multiple %mul3A_249, 128 : i32
        %dma_start3A_251 = tpu.memref_slice %arg6[%multiple_of3A_250] : memref<10000xi32, #tpu.memory_space<vmem>> -> memref<128xi32, #tpu.memory_space<vmem>>
        %dma_start3A_252 = arith.constant 0 : i32
        %dma_start3A_253 = arith.constant 0 : i32
        %dma_start3A_254 = tpu.memref_slice %arg2[%dma_start3A_252, %dma_start3A_253] : memref<10240x64xf32, #tpu.memory_space<hbm>> -> memref<10240x64xf32, #tpu.memory_space<hbm>>
        tpu.enqueue_indirect_dma source(%dma_start3A_254 : memref<10240x64xf32, #tpu.memory_space<hbm>>) target(%arg11 : memref<128x64xf32, #tpu.memory_space<vmem>>) offsets(%dma_start3A_251 : memref<128xi32, #tpu.memory_space<vmem>>) semaphore(%arg16 : memref<!tpu.dma_semaphore, #tpu.memory_space<semaphore_mem>>)
      } else {
      }
    }
    %scan3A_50 = arith.constant 19 : i32
    %dma_start3A_51 = arith.constant 0 : i32
    %dma_start3A_52 = arith.constant 0 : i32
    %dma_start3A_53 = tpu.memref_slice %arg10[%dma_start3A_51, %dma_start3A_52] : memref<128x64xf32, #tpu.memory_space<vmem>> -> memref<16x64xf32, #tpu.memory_space<vmem>>
    %dma_start3A_54 = arith.constant 9984 : i32
    %dma_start3A_55 = tpu.memref_slice %arg6[%dma_start3A_54] : memref<10000xi32, #tpu.memory_space<vmem>> -> memref<16xi32, #tpu.memory_space<vmem>>
    %dma_start3A_56 = arith.constant 0 : i32
    %dma_start3A_57 = arith.constant 0 : i32
    %dma_start3A_58 = tpu.memref_slice %arg2[%dma_start3A_56, %dma_start3A_57] : memref<10240x64xf32, #tpu.memory_space<hbm>> -> memref<10240x64xf32, #tpu.memory_space<hbm>>
    tpu.enqueue_indirect_dma source(%dma_start3A_58 : memref<10240x64xf32, #tpu.memory_space<hbm>>) target(%dma_start3A_53 : memref<16x64xf32, #tpu.memory_space<vmem>>) offsets(%dma_start3A_55 : memref<16xi32, #tpu.memory_space<vmem>>) semaphore(%arg15 : memref<!tpu.dma_semaphore, #tpu.memory_space<semaphore_mem>>)
    %multiple_of3A_59 = arith.constant 9728 : i32
    %multiple_of3A_60 = tpu.assume_multiple %multiple_of3A_59, 128 : i32
    %dma_wait3A = tpu.memref_slice %arg6[%multiple_of3A_60] : memref<10000xi32, #tpu.memory_space<vmem>> -> memref<128xi32, #tpu.memory_space<vmem>>
    %dma_wait3A_61 = arith.constant 0 : i32
    %dma_wait3A_62 = arith.constant 0 : i32
    %dma_wait3A_63 = tpu.memref_slice %arg2[%dma_wait3A_61, %dma_wait3A_62] : memref<10240x64xf32, #tpu.memory_space<hbm>> -> memref<10240x64xf32, #tpu.memory_space<hbm>>
    tpu.wait_indirect_dma semaphore(%arg13 : memref<!tpu.dma_semaphore, #tpu.memory_space<semaphore_mem>>) src(%dma_wait3A_63 : memref<10240x64xf32, #tpu.memory_space<hbm>>) dst(%arg8 : memref<128x64xf32, #tpu.memory_space<vmem>>)
    %multiple_of3A_64 = arith.constant 9728 : i32
    %multiple_of3A_65 = tpu.assume_multiple %multiple_of3A_64, 128 : i32
    %dma_start3A_66 = tpu.memref_slice %arg7[%multiple_of3A_65] : memref<10000xi32, #tpu.memory_space<vmem>> -> memref<128xi32, #tpu.memory_space<vmem>>
    %dma_start3A_67 = arith.constant 0 : i32
    %dma_start3A_68 = arith.constant 0 : i32
    %dma_start3A_69 = tpu.memref_slice %arg12[%dma_start3A_67, %dma_start3A_68] : memref<10240x64xf32, #tpu.memory_space<vmem_shared>> -> memref<10240x64xf32, #tpu.memory_space<vmem_shared>>
    tpu.enqueue_indirect_dma source(%arg8 : memref<128x64xf32, #tpu.memory_space<vmem>>) target(%dma_start3A_69 : memref<10240x64xf32, #tpu.memory_space<vmem_shared>>) offsets(%dma_start3A_66 : memref<128xi32, #tpu.memory_space<vmem>>) semaphore(%arg17 : memref<!tpu.dma_semaphore, #tpu.memory_space<semaphore_mem>>) {add = true}
    %multiple_of3A_70 = arith.constant 9856 : i32
    %multiple_of3A_71 = tpu.assume_multiple %multiple_of3A_70, 128 : i32
    %dma_wait3A_72 = tpu.memref_slice %arg6[%multiple_of3A_71] : memref<10000xi32, #tpu.memory_space<vmem>> -> memref<128xi32, #tpu.memory_space<vmem>>
    %dma_wait3A_73 = arith.constant 0 : i32
    %dma_wait3A_74 = arith.constant 0 : i32
    %dma_wait3A_75 = tpu.memref_slice %arg2[%dma_wait3A_73, %dma_wait3A_74] : memref<10240x64xf32, #tpu.memory_space<hbm>> -> memref<10240x64xf32, #tpu.memory_space<hbm>>
    tpu.wait_indirect_dma semaphore(%arg14 : memref<!tpu.dma_semaphore, #tpu.memory_space<semaphore_mem>>) src(%dma_wait3A_75 : memref<10240x64xf32, #tpu.memory_space<hbm>>) dst(%arg9 : memref<128x64xf32, #tpu.memory_space<vmem>>)
    %multiple_of3A_76 = arith.constant 9856 : i32
    %multiple_of3A_77 = tpu.assume_multiple %multiple_of3A_76, 128 : i32
    %dma_start3A_78 = tpu.memref_slice %arg7[%multiple_of3A_77] : memref<10000xi32, #tpu.memory_space<vmem>> -> memref<128xi32, #tpu.memory_space<vmem>>
    %dma_start3A_79 = arith.constant 0 : i32
    %dma_start3A_80 = arith.constant 0 : i32
    %dma_start3A_81 = tpu.memref_slice %arg12[%dma_start3A_79, %dma_start3A_80] : memref<10240x64xf32, #tpu.memory_space<vmem_shared>> -> memref<10240x64xf32, #tpu.memory_space<vmem_shared>>
    tpu.enqueue_indirect_dma source(%arg9 : memref<128x64xf32, #tpu.memory_space<vmem>>) target(%dma_start3A_81 : memref<10240x64xf32, #tpu.memory_space<vmem_shared>>) offsets(%dma_start3A_78 : memref<128xi32, #tpu.memory_space<vmem>>) semaphore(%arg18 : memref<!tpu.dma_semaphore, #tpu.memory_space<semaphore_mem>>) {add = true}
    %dma_wait3A_82 = arith.constant 0 : i32
    %dma_wait3A_83 = arith.constant 0 : i32
    %dma_wait3A_84 = tpu.memref_slice %arg10[%dma_wait3A_82, %dma_wait3A_83] : memref<128x64xf32, #tpu.memory_space<vmem>> -> memref<16x64xf32, #tpu.memory_space<vmem>>
    %dma_wait3A_85 = arith.constant 9984 : i32
    %dma_wait3A_86 = tpu.memref_slice %arg6[%dma_wait3A_85] : memref<10000xi32, #tpu.memory_space<vmem>> -> memref<16xi32, #tpu.memory_space<vmem>>
    %dma_wait3A_87 = arith.constant 0 : i32
    %dma_wait3A_88 = arith.constant 0 : i32
    %dma_wait3A_89 = tpu.memref_slice %arg2[%dma_wait3A_87, %dma_wait3A_88] : memref<10240x64xf32, #tpu.memory_space<hbm>> -> memref<10240x64xf32, #tpu.memory_space<hbm>>
    tpu.wait_indirect_dma semaphore(%arg15 : memref<!tpu.dma_semaphore, #tpu.memory_space<semaphore_mem>>) src(%dma_wait3A_89 : memref<10240x64xf32, #tpu.memory_space<hbm>>) dst(%dma_wait3A_84 : memref<16x64xf32, #tpu.memory_space<vmem>>)
    %dma_start3A_90 = arith.constant 0 : i32
    %dma_start3A_91 = arith.constant 0 : i32
    %dma_start3A_92 = tpu.memref_slice %arg10[%dma_start3A_90, %dma_start3A_91] : memref<128x64xf32, #tpu.memory_space<vmem>> -> memref<16x64xf32, #tpu.memory_space<vmem>>
    %dma_start3A_93 = arith.constant 9984 : i32
    %dma_start3A_94 = tpu.memref_slice %arg7[%dma_start3A_93] : memref<10000xi32, #tpu.memory_space<vmem>> -> memref<16xi32, #tpu.memory_space<vmem>>
    %dma_start3A_95 = arith.constant 0 : i32
    %dma_start3A_96 = arith.constant 0 : i32
    %dma_start3A_97 = tpu.memref_slice %arg12[%dma_start3A_95, %dma_start3A_96] : memref<10240x64xf32, #tpu.memory_space<vmem_shared>> -> memref<10240x64xf32, #tpu.memory_space<vmem_shared>>
    tpu.enqueue_indirect_dma source(%dma_start3A_92 : memref<16x64xf32, #tpu.memory_space<vmem>>) target(%dma_start3A_97 : memref<10240x64xf32, #tpu.memory_space<vmem_shared>>) offsets(%dma_start3A_94 : memref<16xi32, #tpu.memory_space<vmem>>) semaphore(%arg19 : memref<!tpu.dma_semaphore, #tpu.memory_space<semaphore_mem>>) {add = true}
    %dma_wait3A_98 = tpu.memref_slice %arg7[%multiple_of3A_65] : memref<10000xi32, #tpu.memory_space<vmem>> -> memref<128xi32, #tpu.memory_space<vmem>>
    %dma_wait3A_99 = arith.constant 0 : i32
    %dma_wait3A_100 = arith.constant 0 : i32
    %dma_wait3A_101 = tpu.memref_slice %arg12[%dma_wait3A_99, %dma_wait3A_100] : memref<10240x64xf32, #tpu.memory_space<vmem_shared>> -> memref<10240x64xf32, #tpu.memory_space<vmem_shared>>
    tpu.wait_indirect_dma semaphore(%arg17 : memref<!tpu.dma_semaphore, #tpu.memory_space<semaphore_mem>>) src(%arg8 : memref<128x64xf32, #tpu.memory_space<vmem>>) dst(%dma_wait3A_101 : memref<10240x64xf32, #tpu.memory_space<vmem_shared>>)
    %dma_wait3A_102 = tpu.memref_slice %arg7[%multiple_of3A_77] : memref<10000xi32, #tpu.memory_space<vmem>> -> memref<128xi32, #tpu.memory_space<vmem>>
    %dma_wait3A_103 = arith.constant 0 : i32
    %dma_wait3A_104 = arith.constant 0 : i32
    %dma_wait3A_105 = tpu.memref_slice %arg12[%dma_wait3A_103, %dma_wait3A_104] : memref<10240x64xf32, #tpu.memory_space<vmem_shared>> -> memref<10240x64xf32, #tpu.memory_space<vmem_shared>>
    tpu.wait_indirect_dma semaphore(%arg18 : memref<!tpu.dma_semaphore, #tpu.memory_space<semaphore_mem>>) src(%arg9 : memref<128x64xf32, #tpu.memory_space<vmem>>) dst(%dma_wait3A_105 : memref<10240x64xf32, #tpu.memory_space<vmem_shared>>)
    %dma_wait3A_106 = arith.constant 0 : i32
    %dma_wait3A_107 = arith.constant 0 : i32
    %dma_wait3A_108 = tpu.memref_slice %arg10[%dma_wait3A_106, %dma_wait3A_107] : memref<128x64xf32, #tpu.memory_space<vmem>> -> memref<16x64xf32, #tpu.memory_space<vmem>>
    %dma_wait3A_109 = arith.constant 9984 : i32
    %dma_wait3A_110 = tpu.memref_slice %arg7[%dma_wait3A_109] : memref<10000xi32, #tpu.memory_space<vmem>> -> memref<16xi32, #tpu.memory_space<vmem>>
    %dma_wait3A_111 = arith.constant 0 : i32
    %dma_wait3A_112 = arith.constant 0 : i32
    %dma_wait3A_113 = tpu.memref_slice %arg12[%dma_wait3A_111, %dma_wait3A_112] : memref<10240x64xf32, #tpu.memory_space<vmem_shared>> -> memref<10240x64xf32, #tpu.memory_space<vmem_shared>>
    tpu.wait_indirect_dma semaphore(%arg19 : memref<!tpu.dma_semaphore, #tpu.memory_space<semaphore_mem>>) src(%dma_wait3A_108 : memref<16x64xf32, #tpu.memory_space<vmem>>) dst(%dma_wait3A_113 : memref<10240x64xf32, #tpu.memory_space<vmem_shared>>)
    %barrier3A_114 = arith.constant 0 : index
    tpu.barrier barrier_id(%barrier3A_114)
    %eq3A = arith.constant 0 : i32
    %eq3A_115 = arith.cmpi eq, %arg0, %eq3A : i32
    %convert_element_type3A = arith.extui %eq3A_115 : i1 to i32
    %cond3A = arith.constant 0 : i32
    %cond3A_116 = arith.cmpi ne, %convert_element_type3A, %cond3A : i32
    scf.if %cond3A_116 {
      "tpu.region"() ({
        %run_scoped3A = tpu.sem_alloc : memref<!tpu.dma_semaphore, #tpu.memory_space<semaphore_mem>>
        %dma_start3A_122 = arith.constant 0 : i32
        %dma_start3A_123 = tpu.memref_slice %arg5[%mul3A_12, %dma_start3A_122] : memref<10240x128xf32, #tpu.memory_space<hbm>> -> memref<640x64xf32, #tpu.memory_space<hbm>>
        %dma_start3A_124 = arith.constant 0 : i32
        %dma_start3A_125 = tpu.memref_slice %arg12[%mul3A_12, %dma_start3A_124] : memref<10240x64xf32, #tpu.memory_space<vmem_shared>> -> memref<640x64xf32, #tpu.memory_space<vmem_shared>>
        tpu.enqueue_dma source(%dma_start3A_125 : memref<640x64xf32, #tpu.memory_space<vmem_shared>>) target(%dma_start3A_123 : memref<640x64xf32, #tpu.memory_space<hbm>>) target_semaphore(%run_scoped3A : memref<!tpu.dma_semaphore, #tpu.memory_space<semaphore_mem>>)
        %dma_wait3A_126 = arith.constant 0 : i32
        %dma_wait3A_127 = tpu.memref_slice %arg5[%mul3A_12, %dma_wait3A_126] : memref<10240x128xf32, #tpu.memory_space<hbm>> -> memref<640x64xf32, #tpu.memory_space<hbm>>
        %dma_wait3A_128 = arith.constant 0 : i32
        %dma_wait3A_129 = tpu.memref_slice %arg12[%mul3A_12, %dma_wait3A_128] : memref<10240x64xf32, #tpu.memory_space<vmem_shared>> -> memref<640x64xf32, #tpu.memory_space<vmem_shared>>
        tpu.wait_dma2 semaphore(%run_scoped3A : memref<!tpu.dma_semaphore, #tpu.memory_space<semaphore_mem>>) src(%dma_wait3A_129 : memref<640x64xf32, #tpu.memory_space<vmem_shared>>) dst(%dma_wait3A_127 : memref<640x64xf32, #tpu.memory_space<hbm>>)
        tpu.yield
      }) : () -> ()
    } else {
    }
    %eq3A_117 = arith.constant 1 : i32
    %eq3A_118 = arith.cmpi eq, %arg0, %eq3A_117 : i32
    %convert_element_type3A_119 = arith.extui %eq3A_118 : i1 to i32
    %cond3A_120 = arith.constant 0 : i32
    %cond3A_121 = arith.cmpi ne, %convert_element_type3A_119, %cond3A_120 : i32
    scf.if %cond3A_121 {
      "tpu.region"() ({
        %run_scoped3A = tpu.sem_alloc : memref<!tpu.dma_semaphore, #tpu.memory_space<semaphore_mem>>
        %dma_start3A_122 = arith.constant 64 : i32
        %dma_start3A_123 = tpu.memref_slice %arg5[%mul3A_12, %dma_start3A_122] : memref<10240x128xf32, #tpu.memory_space<hbm>> -> memref<640x64xf32, #tpu.memory_space<hbm>>
        %dma_start3A_124 = arith.constant 0 : i32
        %dma_start3A_125 = tpu.memref_slice %arg12[%mul3A_12, %dma_start3A_124] : memref<10240x64xf32, #tpu.memory_space<vmem_shared>> -> memref<640x64xf32, #tpu.memory_space<vmem_shared>>
        tpu.enqueue_dma source(%dma_start3A_125 : memref<640x64xf32, #tpu.memory_space<vmem_shared>>) target(%dma_start3A_123 : memref<640x64xf32, #tpu.memory_space<hbm>>) target_semaphore(%run_scoped3A : memref<!tpu.dma_semaphore, #tpu.memory_space<semaphore_mem>>)
        %dma_wait3A_126 = arith.constant 64 : i32
        %dma_wait3A_127 = tpu.memref_slice %arg5[%mul3A_12, %dma_wait3A_126] : memref<10240x128xf32, #tpu.memory_space<hbm>> -> memref<640x64xf32, #tpu.memory_space<hbm>>
        %dma_wait3A_128 = arith.constant 0 : i32
        %dma_wait3A_129 = tpu.memref_slice %arg12[%mul3A_12, %dma_wait3A_128] : memref<10240x64xf32, #tpu.memory_space<vmem_shared>> -> memref<640x64xf32, #tpu.memory_space<vmem_shared>>
        tpu.wait_dma2 semaphore(%run_scoped3A : memref<!tpu.dma_semaphore, #tpu.memory_space<semaphore_mem>>) src(%dma_wait3A_129 : memref<640x64xf32, #tpu.memory_space<vmem_shared>>) dst(%dma_wait3A_127 : memref<640x64xf32, #tpu.memory_space<hbm>>)
        tpu.yield
      }) : () -> ()
    } else {
    }
    return
  }
}

#map = affine_map<(d0, d1) -> (0, 0)>
#map1 = affine_map<(d0, d1) -> (0)>
module attributes {stable_mosaic.version = 14 : i64} {
  func.func @_agg_kernel(%arg0: i32, %arg1: i32, %arg2: memref<10240x64xf32, #tpu.memory_space<hbm>>, %arg3: memref<320000xi32, #tpu.memory_space<hbm>>, %arg4: memref<320000xi32, #tpu.memory_space<hbm>>, %arg5: memref<10240x128xf32, #tpu.memory_space<hbm>>, %arg6: memref<10000xi32, #tpu.memory_space<vmem>>, %arg7: memref<10000xi32, #tpu.memory_space<vmem>>, %arg8: memref<128x64xf32, #tpu.memory_space<vmem>>, %arg9: memref<128x64xf32, #tpu.memory_space<vmem>>, %arg10: memref<128x64xf32, #tpu.memory_space<vmem>>, %arg11: memref<128x64xf32, #tpu.memory_space<vmem>>, %arg12: memref<10240x64xf32, #tpu.memory_space<vmem_shared>>, %arg13: memref<!tpu.dma_semaphore, #tpu.memory_space<semaphore_mem>>, %arg14: memref<!tpu.dma_semaphore, #tpu.memory_space<semaphore_mem>>, %arg15: memref<!tpu.dma_semaphore, #tpu.memory_space<semaphore_mem>>, %arg16: memref<!tpu.dma_semaphore, #tpu.memory_space<semaphore_mem>>, %arg17: memref<!tpu.dma_semaphore, #tpu.memory_space<semaphore_mem>>, %arg18: memref<!tpu.dma_semaphore, #tpu.memory_space<semaphore_mem>>, %arg19: memref<!tpu.dma_semaphore, #tpu.memory_space<semaphore_mem>>, %arg20: memref<!tpu.dma_semaphore, #tpu.memory_space<semaphore_mem>>) attributes {dimension_semantics = [#tpu.dimension_semantics<core_parallel>, #tpu.dimension_semantics<subcore_parallel>], iteration_bounds = array<i64: 2, 16>, scalar_prefetch = 0 : i64, scratch_operands = 15 : i64, tpu.core_type = #tpu.core_type<sc_vector_subcore>, window_params = [{transform_indices = #map}, {transform_indices = #map1}, {transform_indices = #map1}, {transform_indices = #map}]} {
    %mul3A = arith.constant 2 : i32
    %mul3A_0 = arith.muli %arg1, %mul3A : i32
    %add3A = arith.addi %mul3A_0, %arg0 : i32
    %mul3A_1 = arith.constant 10000 : i32
    %mul3A_2 = arith.muli %add3A, %mul3A_1 : i32
    "tpu.region"() ({
      %run_scoped3A = tpu.sem_alloc : memref<!tpu.dma_semaphore, #tpu.memory_space<semaphore_mem>>
      %dma_start3A_122 = tpu.memref_slice %arg3[%mul3A_2] : memref<320000xi32, #tpu.memory_space<hbm>> -> memref<10000xi32, #tpu.memory_space<hbm>>
      %dma_start3A_123 = tpu.memref_slice %arg3[%mul3A_2] : memref<320000xi32, #tpu.memory_space<hbm>> -> memref<10000xi32, #tpu.memory_space<hbm>>
      tpu.enqueue_dma source(%dma_start3A_123 : memref<10000xi32, #tpu.memory_space<hbm>>) target(%arg6 : memref<10000xi32, #tpu.memory_space<vmem>>) target_semaphore(%run_scoped3A : memref<!tpu.dma_semaphore, #tpu.memory_space<semaphore_mem>>)
      %dma_wait3A_124 = tpu.memref_slice %arg3[%mul3A_2] : memref<320000xi32, #tpu.memory_space<hbm>> -> memref<10000xi32, #tpu.memory_space<hbm>>
      %dma_wait3A_125 = tpu.memref_slice %arg3[%mul3A_2] : memref<320000xi32, #tpu.memory_space<hbm>> -> memref<10000xi32, #tpu.memory_space<hbm>>
      tpu.wait_dma2 semaphore(%run_scoped3A : memref<!tpu.dma_semaphore, #tpu.memory_space<semaphore_mem>>) src(%dma_wait3A_125 : memref<10000xi32, #tpu.memory_space<hbm>>) dst(%arg6 : memref<10000xi32, #tpu.memory_space<vmem>>)
      tpu.yield
    }) : () -> ()
    %mul3A_3 = arith.constant 10000 : i32
    %mul3A_4 = arith.muli %add3A, %mul3A_3 : i32
    "tpu.region"() ({
      %run_scoped3A = tpu.sem_alloc : memref<!tpu.dma_semaphore, #tpu.memory_space<semaphore_mem>>
      %dma_start3A_122 = tpu.memref_slice %arg4[%mul3A_4] : memref<320000xi32, #tpu.memory_space<hbm>> -> memref<10000xi32, #tpu.memory_space<hbm>>
      %dma_start3A_123 = tpu.memref_slice %arg4[%mul3A_4] : memref<320000xi32, #tpu.memory_space<hbm>> -> memref<10000xi32, #tpu.memory_space<hbm>>
      tpu.enqueue_dma source(%dma_start3A_123 : memref<10000xi32, #tpu.memory_space<hbm>>) target(%arg7 : memref<10000xi32, #tpu.memory_space<vmem>>) target_semaphore(%run_scoped3A : memref<!tpu.dma_semaphore, #tpu.memory_space<semaphore_mem>>)
      %dma_wait3A_124 = tpu.memref_slice %arg4[%mul3A_4] : memref<320000xi32, #tpu.memory_space<hbm>> -> memref<10000xi32, #tpu.memory_space<hbm>>
      %dma_wait3A_125 = tpu.memref_slice %arg4[%mul3A_4] : memref<320000xi32, #tpu.memory_space<hbm>> -> memref<10000xi32, #tpu.memory_space<hbm>>
      tpu.wait_dma2 semaphore(%run_scoped3A : memref<!tpu.dma_semaphore, #tpu.memory_space<semaphore_mem>>) src(%dma_wait3A_125 : memref<10000xi32, #tpu.memory_space<hbm>>) dst(%arg7 : memref<10000xi32, #tpu.memory_space<vmem>>)
      tpu.yield
    }) : () -> ()
    %broadcast_in_dim3A = arith.constant 0.000000e+00 : f32
    %broadcast_in_dim3A_5 = vector.broadcast %broadcast_in_dim3A : f32 to vector<16xf32>
    %scan3A = arith.constant 0 : i32
    %scan3A_6 = arith.constant 0 : i32
    %scan3A_7 = arith.constant 128 : i32
    %scan3A_8 = arith.addi %scan3A_6, %scan3A_7 : i32
    %scan3A_9 = arith.constant 1 : i32
    scf.for %scan3A_122 = %scan3A_6 to %scan3A_8 step %scan3A_9  : i32 {
      %swap3A = arith.index_cast %scan3A_122 : i32 to index
      %swap3A_123 = arith.constant 0 : index
      %swap3A_124 = tpu.vector_load %arg8[%swap3A, %swap3A_123] {strides = array<i32>} : memref<128x64xf32, #tpu.memory_space<vmem>>, vector<1x16xf32>,
      %swap3A_125 = vector.shape_cast %swap3A_124 : vector<1x16xf32> to vector<16xf32>
      %swap3A_126 = vector.shape_cast %broadcast_in_dim3A_5 : vector<16xf32> to vector<1x16xf32>
      tpu.vector_store %arg8[%swap3A, %swap3A_123], %swap3A_126 {strides = array<i32>} : memref<128x64xf32, #tpu.memory_space<vmem>>, vector<1x16xf32>,
      %swap3A_127 = arith.index_cast %scan3A_122 : i32 to index
      %swap3A_128 = arith.constant 16 : index
      %swap3A_129 = tpu.vector_load %arg8[%swap3A_127, %swap3A_128] {strides = array<i32>} : memref<128x64xf32, #tpu.memory_space<vmem>>, vector<1x16xf32>,
      %swap3A_130 = vector.shape_cast %swap3A_129 : vector<1x16xf32> to vector<16xf32>
      %swap3A_131 = vector.shape_cast %broadcast_in_dim3A_5 : vector<16xf32> to vector<1x16xf32>
      tpu.vector_store %arg8[%swap3A_127, %swap3A_128], %swap3A_131 {strides = array<i32>} : memref<128x64xf32, #tpu.memory_space<vmem>>, vector<1x16xf32>,
      %swap3A_132 = arith.index_cast %scan3A_122 : i32 to index
      %swap3A_133 = arith.constant 32 : index
      %swap3A_134 = tpu.vector_load %arg8[%swap3A_132, %swap3A_133] {strides = array<i32>} : memref<128x64xf32, #tpu.memory_space<vmem>>, vector<1x16xf32>,
      %swap3A_135 = vector.shape_cast %swap3A_134 : vector<1x16xf32> to vector<16xf32>
      %swap3A_136 = vector.shape_cast %broadcast_in_dim3A_5 : vector<16xf32> to vector<1x16xf32>
      tpu.vector_store %arg8[%swap3A_132, %swap3A_133], %swap3A_136 {strides = array<i32>} : memref<128x64xf32, #tpu.memory_space<vmem>>, vector<1x16xf32>,
      %swap3A_137 = arith.index_cast %scan3A_122 : i32 to index
      %swap3A_138 = arith.constant 48 : index
      %swap3A_139 = tpu.vector_load %arg8[%swap3A_137, %swap3A_138] {strides = array<i32>} : memref<128x64xf32, #tpu.memory_space<vmem>>, vector<1x16xf32>,
      %swap3A_140 = vector.shape_cast %swap3A_139 : vector<1x16xf32> to vector<16xf32>
      %swap3A_141 = vector.shape_cast %broadcast_in_dim3A_5 : vector<16xf32> to vector<1x16xf32>
      tpu.vector_store %arg8[%swap3A_137, %swap3A_138], %swap3A_141 {strides = array<i32>} : memref<128x64xf32, #tpu.memory_space<vmem>>, vector<1x16xf32>,
    }
    %scan3A_10 = arith.constant 128 : i32
    %mul3A_11 = arith.constant 640 : i32
    %mul3A_12 = arith.muli %arg1, %mul3A_11 : i32
    %add3A_13 = arith.constant 0 : i32
    %add3A_14 = arith.addi %mul3A_12, %add3A_13 : i32
    "tpu.region"() ({
      %run_scoped3A = tpu.sem_alloc : memref<!tpu.dma_semaphore, #tpu.memory_space<semaphore_mem>>
      %dma_start3A_122 = arith.constant 0 : i32
      %dma_start3A_123 = tpu.memref_slice %arg12[%add3A_14, %dma_start3A_122] : memref<10240x64xf32, #tpu.memory_space<vmem_shared>> -> memref<128x64xf32, #tpu.memory_space<vmem_shared>>
      %dma_start3A_124 = arith.constant 0 : i32
      %dma_start3A_125 = tpu.memref_slice %arg12[%add3A_14, %dma_start3A_124] : memref<10240x64xf32, #tpu.memory_space<vmem_shared>> -> memref<128x64xf32, #tpu.memory_space<vmem_shared>>
      tpu.enqueue_dma source(%arg8 : memref<128x64xf32, #tpu.memory_space<vmem>>) target(%dma_start3A_125 : memref<128x64xf32, #tpu.memory_space<vmem_shared>>) target_semaphore(%run_scoped3A : memref<!tpu.dma_semaphore, #tpu.memory_space<semaphore_mem>>)
      %dma_wait3A_126 = arith.constant 0 : i32
      %dma_wait3A_127 = tpu.memref_slice %arg12[%add3A_14, %dma_wait3A_126] : memref<10240x64xf32, #tpu.memory_space<vmem_shared>> -> memref<128x64xf32, #tpu.memory_space<vmem_shared>>
      %dma_wait3A_128 = arith.constant 0 : i32
      %dma_wait3A_129 = tpu.memref_slice %arg12[%add3A_14, %dma_wait3A_128] : memref<10240x64xf32, #tpu.memory_space<vmem_shared>> -> memref<128x64xf32, #tpu.memory_space<vmem_shared>>
      tpu.wait_dma2 semaphore(%run_scoped3A : memref<!tpu.dma_semaphore, #tpu.memory_space<semaphore_mem>>) src(%arg8 : memref<128x64xf32, #tpu.memory_space<vmem>>) dst(%dma_wait3A_129 : memref<128x64xf32, #tpu.memory_space<vmem_shared>>)
      tpu.yield
    }) : () -> ()
    %add3A_15 = arith.constant 128 : i32
    %add3A_16 = arith.addi %mul3A_12, %add3A_15 : i32
    "tpu.region"() ({
      %run_scoped3A = tpu.sem_alloc : memref<!tpu.dma_semaphore, #tpu.memory_space<semaphore_mem>>
      %dma_start3A_122 = arith.constant 0 : i32
      %dma_start3A_123 = tpu.memref_slice %arg12[%add3A_16, %dma_start3A_122] : memref<10240x64xf32, #tpu.memory_space<vmem_shared>> -> memref<128x64xf32, #tpu.memory_space<vmem_shared>>
      %dma_start3A_124 = arith.constant 0 : i32
      %dma_start3A_125 = tpu.memref_slice %arg12[%add3A_16, %dma_start3A_124] : memref<10240x64xf32, #tpu.memory_space<vmem_shared>> -> memref<128x64xf32, #tpu.memory_space<vmem_shared>>
      tpu.enqueue_dma source(%arg8 : memref<128x64xf32, #tpu.memory_space<vmem>>) target(%dma_start3A_125 : memref<128x64xf32, #tpu.memory_space<vmem_shared>>) target_semaphore(%run_scoped3A : memref<!tpu.dma_semaphore, #tpu.memory_space<semaphore_mem>>)
      %dma_wait3A_126 = arith.constant 0 : i32
      %dma_wait3A_127 = tpu.memref_slice %arg12[%add3A_16, %dma_wait3A_126] : memref<10240x64xf32, #tpu.memory_space<vmem_shared>> -> memref<128x64xf32, #tpu.memory_space<vmem_shared>>
      %dma_wait3A_128 = arith.constant 0 : i32
      %dma_wait3A_129 = tpu.memref_slice %arg12[%add3A_16, %dma_wait3A_128] : memref<10240x64xf32, #tpu.memory_space<vmem_shared>> -> memref<128x64xf32, #tpu.memory_space<vmem_shared>>
      tpu.wait_dma2 semaphore(%run_scoped3A : memref<!tpu.dma_semaphore, #tpu.memory_space<semaphore_mem>>) src(%arg8 : memref<128x64xf32, #tpu.memory_space<vmem>>) dst(%dma_wait3A_129 : memref<128x64xf32, #tpu.memory_space<vmem_shared>>)
      tpu.yield
    }) : () -> ()
    %add3A_17 = arith.constant 256 : i32
    %add3A_18 = arith.addi %mul3A_12, %add3A_17 : i32
    "tpu.region"() ({
      %run_scoped3A = tpu.sem_alloc : memref<!tpu.dma_semaphore, #tpu.memory_space<semaphore_mem>>
      %dma_start3A_122 = arith.constant 0 : i32
      %dma_start3A_123 = tpu.memref_slice %arg12[%add3A_18, %dma_start3A_122] : memref<10240x64xf32, #tpu.memory_space<vmem_shared>> -> memref<128x64xf32, #tpu.memory_space<vmem_shared>>
      %dma_start3A_124 = arith.constant 0 : i32
      %dma_start3A_125 = tpu.memref_slice %arg12[%add3A_18, %dma_start3A_124] : memref<10240x64xf32, #tpu.memory_space<vmem_shared>> -> memref<128x64xf32, #tpu.memory_space<vmem_shared>>
      tpu.enqueue_dma source(%arg8 : memref<128x64xf32, #tpu.memory_space<vmem>>) target(%dma_start3A_125 : memref<128x64xf32, #tpu.memory_space<vmem_shared>>) target_semaphore(%run_scoped3A : memref<!tpu.dma_semaphore, #tpu.memory_space<semaphore_mem>>)
      %dma_wait3A_126 = arith.constant 0 : i32
      %dma_wait3A_127 = tpu.memref_slice %arg12[%add3A_18, %dma_wait3A_126] : memref<10240x64xf32, #tpu.memory_space<vmem_shared>> -> memref<128x64xf32, #tpu.memory_space<vmem_shared>>
      %dma_wait3A_128 = arith.constant 0 : i32
      %dma_wait3A_129 = tpu.memref_slice %arg12[%add3A_18, %dma_wait3A_128] : memref<10240x64xf32, #tpu.memory_space<vmem_shared>> -> memref<128x64xf32, #tpu.memory_space<vmem_shared>>
      tpu.wait_dma2 semaphore(%run_scoped3A : memref<!tpu.dma_semaphore, #tpu.memory_space<semaphore_mem>>) src(%arg8 : memref<128x64xf32, #tpu.memory_space<vmem>>) dst(%dma_wait3A_129 : memref<128x64xf32, #tpu.memory_space<vmem_shared>>)
      tpu.yield
    }) : () -> ()
    %add3A_19 = arith.constant 384 : i32
    %add3A_20 = arith.addi %mul3A_12, %add3A_19 : i32
    "tpu.region"() ({
      %run_scoped3A = tpu.sem_alloc : memref<!tpu.dma_semaphore, #tpu.memory_space<semaphore_mem>>
      %dma_start3A_122 = arith.constant 0 : i32
      %dma_start3A_123 = tpu.memref_slice %arg12[%add3A_20, %dma_start3A_122] : memref<10240x64xf32, #tpu.memory_space<vmem_shared>> -> memref<128x64xf32, #tpu.memory_space<vmem_shared>>
      %dma_start3A_124 = arith.constant 0 : i32
      %dma_start3A_125 = tpu.memref_slice %arg12[%add3A_20, %dma_start3A_124] : memref<10240x64xf32, #tpu.memory_space<vmem_shared>> -> memref<128x64xf32, #tpu.memory_space<vmem_shared>>
      tpu.enqueue_dma source(%arg8 : memref<128x64xf32, #tpu.memory_space<vmem>>) target(%dma_start3A_125 : memref<128x64xf32, #tpu.memory_space<vmem_shared>>) target_semaphore(%run_scoped3A : memref<!tpu.dma_semaphore, #tpu.memory_space<semaphore_mem>>)
      %dma_wait3A_126 = arith.constant 0 : i32
      %dma_wait3A_127 = tpu.memref_slice %arg12[%add3A_20, %dma_wait3A_126] : memref<10240x64xf32, #tpu.memory_space<vmem_shared>> -> memref<128x64xf32, #tpu.memory_space<vmem_shared>>
      %dma_wait3A_128 = arith.constant 0 : i32
      %dma_wait3A_129 = tpu.memref_slice %arg12[%add3A_20, %dma_wait3A_128] : memref<10240x64xf32, #tpu.memory_space<vmem_shared>> -> memref<128x64xf32, #tpu.memory_space<vmem_shared>>
      tpu.wait_dma2 semaphore(%run_scoped3A : memref<!tpu.dma_semaphore, #tpu.memory_space<semaphore_mem>>) src(%arg8 : memref<128x64xf32, #tpu.memory_space<vmem>>) dst(%dma_wait3A_129 : memref<128x64xf32, #tpu.memory_space<vmem_shared>>)
      tpu.yield
    }) : () -> ()
    %add3A_21 = arith.constant 512 : i32
    %add3A_22 = arith.addi %mul3A_12, %add3A_21 : i32
    "tpu.region"() ({
      %run_scoped3A = tpu.sem_alloc : memref<!tpu.dma_semaphore, #tpu.memory_space<semaphore_mem>>
      %dma_start3A_122 = arith.constant 0 : i32
      %dma_start3A_123 = tpu.memref_slice %arg12[%add3A_22, %dma_start3A_122] : memref<10240x64xf32, #tpu.memory_space<vmem_shared>> -> memref<128x64xf32, #tpu.memory_space<vmem_shared>>
      %dma_start3A_124 = arith.constant 0 : i32
      %dma_start3A_125 = tpu.memref_slice %arg12[%add3A_22, %dma_start3A_124] : memref<10240x64xf32, #tpu.memory_space<vmem_shared>> -> memref<128x64xf32, #tpu.memory_space<vmem_shared>>
      tpu.enqueue_dma source(%arg8 : memref<128x64xf32, #tpu.memory_space<vmem>>) target(%dma_start3A_125 : memref<128x64xf32, #tpu.memory_space<vmem_shared>>) target_semaphore(%run_scoped3A : memref<!tpu.dma_semaphore, #tpu.memory_space<semaphore_mem>>)
      %dma_wait3A_126 = arith.constant 0 : i32
      %dma_wait3A_127 = tpu.memref_slice %arg12[%add3A_22, %dma_wait3A_126] : memref<10240x64xf32, #tpu.memory_space<vmem_shared>> -> memref<128x64xf32, #tpu.memory_space<vmem_shared>>
      %dma_wait3A_128 = arith.constant 0 : i32
      %dma_wait3A_129 = tpu.memref_slice %arg12[%add3A_22, %dma_wait3A_128] : memref<10240x64xf32, #tpu.memory_space<vmem_shared>> -> memref<128x64xf32, #tpu.memory_space<vmem_shared>>
      tpu.wait_dma2 semaphore(%run_scoped3A : memref<!tpu.dma_semaphore, #tpu.memory_space<semaphore_mem>>) src(%arg8 : memref<128x64xf32, #tpu.memory_space<vmem>>) dst(%dma_wait3A_129 : memref<128x64xf32, #tpu.memory_space<vmem_shared>>)
      tpu.yield
    }) : () -> ()
    %barrier3A = arith.constant 0 : index
    tpu.barrier barrier_id(%barrier3A)
    %multiple_of3A = arith.constant 0 : i32
    %multiple_of3A_23 = tpu.assume_multiple %multiple_of3A, 128 : i32
    %dma_start3A = tpu.memref_slice %arg6[%multiple_of3A_23] : memref<10000xi32, #tpu.memory_space<vmem>> -> memref<128xi32, #tpu.memory_space<vmem>>
    %dma_start3A_24 = arith.constant 0 : i32
    %dma_start3A_25 = arith.constant 0 : i32
    %dma_start3A_26 = tpu.memref_slice %arg2[%dma_start3A_24, %dma_start3A_25] : memref<10240x64xf32, #tpu.memory_space<hbm>> -> memref<10240x64xf32, #tpu.memory_space<hbm>>
    tpu.enqueue_indirect_dma source(%dma_start3A_26 : memref<10240x64xf32, #tpu.memory_space<hbm>>) target(%arg8 : memref<128x64xf32, #tpu.memory_space<vmem>>) offsets(%dma_start3A : memref<128xi32, #tpu.memory_space<vmem>>) semaphore(%arg13 : memref<!tpu.dma_semaphore, #tpu.memory_space<semaphore_mem>>)
    %multiple_of3A_27 = arith.constant 128 : i32
    %multiple_of3A_28 = tpu.assume_multiple %multiple_of3A_27, 128 : i32
    %dma_start3A_29 = tpu.memref_slice %arg6[%multiple_of3A_28] : memref<10000xi32, #tpu.memory_space<vmem>> -> memref<128xi32, #tpu.memory_space<vmem>>
    %dma_start3A_30 = arith.constant 0 : i32
    %dma_start3A_31 = arith.constant 0 : i32
    %dma_start3A_32 = tpu.memref_slice %arg2[%dma_start3A_30, %dma_start3A_31] : memref<10240x64xf32, #tpu.memory_space<hbm>> -> memref<10240x64xf32, #tpu.memory_space<hbm>>
    tpu.enqueue_indirect_dma source(%dma_start3A_32 : memref<10240x64xf32, #tpu.memory_space<hbm>>) target(%arg9 : memref<128x64xf32, #tpu.memory_space<vmem>>) offsets(%dma_start3A_29 : memref<128xi32, #tpu.memory_space<vmem>>) semaphore(%arg14 : memref<!tpu.dma_semaphore, #tpu.memory_space<semaphore_mem>>)
    %multiple_of3A_33 = arith.constant 256 : i32
    %multiple_of3A_34 = tpu.assume_multiple %multiple_of3A_33, 128 : i32
    %dma_start3A_35 = tpu.memref_slice %arg6[%multiple_of3A_34] : memref<10000xi32, #tpu.memory_space<vmem>> -> memref<128xi32, #tpu.memory_space<vmem>>
    %dma_start3A_36 = arith.constant 0 : i32
    %dma_start3A_37 = arith.constant 0 : i32
    %dma_start3A_38 = tpu.memref_slice %arg2[%dma_start3A_36, %dma_start3A_37] : memref<10240x64xf32, #tpu.memory_space<hbm>> -> memref<10240x64xf32, #tpu.memory_space<hbm>>
    tpu.enqueue_indirect_dma source(%dma_start3A_38 : memref<10240x64xf32, #tpu.memory_space<hbm>>) target(%arg10 : memref<128x64xf32, #tpu.memory_space<vmem>>) offsets(%dma_start3A_35 : memref<128xi32, #tpu.memory_space<vmem>>) semaphore(%arg15 : memref<!tpu.dma_semaphore, #tpu.memory_space<semaphore_mem>>)
    %multiple_of3A_39 = arith.constant 384 : i32
    %multiple_of3A_40 = tpu.assume_multiple %multiple_of3A_39, 128 : i32
    %dma_start3A_41 = tpu.memref_slice %arg6[%multiple_of3A_40] : memref<10000xi32, #tpu.memory_space<vmem>> -> memref<128xi32, #tpu.memory_space<vmem>>
    %dma_start3A_42 = arith.constant 0 : i32
    %dma_start3A_43 = arith.constant 0 : i32
    %dma_start3A_44 = tpu.memref_slice %arg2[%dma_start3A_42, %dma_start3A_43] : memref<10240x64xf32, #tpu.memory_space<hbm>> -> memref<10240x64xf32, #tpu.memory_space<hbm>>
    tpu.enqueue_indirect_dma source(%dma_start3A_44 : memref<10240x64xf32, #tpu.memory_space<hbm>>) target(%arg11 : memref<128x64xf32, #tpu.memory_space<vmem>>) offsets(%dma_start3A_41 : memref<128xi32, #tpu.memory_space<vmem>>) semaphore(%arg16 : memref<!tpu.dma_semaphore, #tpu.memory_space<semaphore_mem>>)
    %scan3A_45 = arith.constant 0 : i32
    %scan3A_46 = arith.constant 0 : i32
    %scan3A_47 = arith.constant 19 : i32
    %scan3A_48 = arith.addi %scan3A_46, %scan3A_47 : i32
    %scan3A_49 = arith.constant 1 : i32
    scf.for %scan3A_122 = %scan3A_46 to %scan3A_48 step %scan3A_49  : i32 {
      %mul3A_123 = arith.constant 4 : i32
      %mul3A_124 = arith.muli %mul3A_123, %scan3A_122 : i32
      %add3A_125 = arith.constant 0 : i32
      %add3A_126 = arith.addi %mul3A_124, %add3A_125 : i32
      %mul3A_127 = arith.constant 128 : i32
      %mul3A_128 = arith.muli %add3A_126, %mul3A_127 : i32
      %multiple_of3A_129 = tpu.assume_multiple %mul3A_128, 128 : i32
      %dma_wait3A_130 = tpu.memref_slice %arg6[%multiple_of3A_129] : memref<10000xi32, #tpu.memory_space<vmem>> -> memref<128xi32, #tpu.memory_space<vmem>>
      %dma_wait3A_131 = arith.constant 0 : i32
      %dma_wait3A_132 = arith.constant 0 : i32
      %dma_wait3A_133 = tpu.memref_slice %arg2[%dma_wait3A_131, %dma_wait3A_132] : memref<10240x64xf32, #tpu.memory_space<hbm>> -> memref<10240x64xf32, #tpu.memory_space<hbm>>
      tpu.wait_indirect_dma semaphore(%arg13 : memref<!tpu.dma_semaphore, #tpu.memory_space<semaphore_mem>>) src(%dma_wait3A_133 : memref<10240x64xf32, #tpu.memory_space<hbm>>) dst(%arg8 : memref<128x64xf32, #tpu.memory_space<vmem>>)
      %add3A_134 = arith.constant 0 : i32
      %add3A_135 = arith.addi %mul3A_124, %add3A_134 : i32
      %mul3A_136 = arith.constant 128 : i32
      %mul3A_137 = arith.muli %add3A_135, %mul3A_136 : i32
      %multiple_of3A_138 = tpu.assume_multiple %mul3A_137, 128 : i32
      %dma_start3A_139 = tpu.memref_slice %arg7[%multiple_of3A_138] : memref<10000xi32, #tpu.memory_space<vmem>> -> memref<128xi32, #tpu.memory_space<vmem>>
      %dma_start3A_140 = arith.constant 0 : i32
      %dma_start3A_141 = arith.constant 0 : i32
      %dma_start3A_142 = tpu.memref_slice %arg12[%dma_start3A_140, %dma_start3A_141] : memref<10240x64xf32, #tpu.memory_space<vmem_shared>> -> memref<10240x64xf32, #tpu.memory_space<vmem_shared>>
      tpu.enqueue_indirect_dma source(%arg8 : memref<128x64xf32, #tpu.memory_space<vmem>>) target(%dma_start3A_142 : memref<10240x64xf32, #tpu.memory_space<vmem_shared>>) offsets(%dma_start3A_139 : memref<128xi32, #tpu.memory_space<vmem>>) semaphore(%arg17 : memref<!tpu.dma_semaphore, #tpu.memory_space<semaphore_mem>>) {add = true}
      %add3A_143 = arith.constant 1 : i32
      %add3A_144 = arith.addi %mul3A_124, %add3A_143 : i32
      %mul3A_145 = arith.constant 128 : i32
      %mul3A_146 = arith.muli %add3A_144, %mul3A_145 : i32
      %multiple_of3A_147 = tpu.assume_multiple %mul3A_146, 128 : i32
      %dma_wait3A_148 = tpu.memref_slice %arg6[%multiple_of3A_147] : memref<10000xi32, #tpu.memory_space<vmem>> -> memref<128xi32, #tpu.memory_space<vmem>>
      %dma_wait3A_149 = arith.constant 0 : i32
      %dma_wait3A_150 = arith.constant 0 : i32
      %dma_wait3A_151 = tpu.memref_slice %arg2[%dma_wait3A_149, %dma_wait3A_150] : memref<10240x64xf32, #tpu.memory_space<hbm>> -> memref<10240x64xf32, #tpu.memory_space<hbm>>
      tpu.wait_indirect_dma semaphore(%arg14 : memref<!tpu.dma_semaphore, #tpu.memory_space<semaphore_mem>>) src(%dma_wait3A_151 : memref<10240x64xf32, #tpu.memory_space<hbm>>) dst(%arg9 : memref<128x64xf32, #tpu.memory_space<vmem>>)
      %add3A_152 = arith.constant 1 : i32
      %add3A_153 = arith.addi %mul3A_124, %add3A_152 : i32
      %mul3A_154 = arith.constant 128 : i32
      %mul3A_155 = arith.muli %add3A_153, %mul3A_154 : i32
      %multiple_of3A_156 = tpu.assume_multiple %mul3A_155, 128 : i32
      %dma_start3A_157 = tpu.memref_slice %arg7[%multiple_of3A_156] : memref<10000xi32, #tpu.memory_space<vmem>> -> memref<128xi32, #tpu.memory_space<vmem>>
      %dma_start3A_158 = arith.constant 0 : i32
      %dma_start3A_159 = arith.constant 0 : i32
      %dma_start3A_160 = tpu.memref_slice %arg12[%dma_start3A_158, %dma_start3A_159] : memref<10240x64xf32, #tpu.memory_space<vmem_shared>> -> memref<10240x64xf32, #tpu.memory_space<vmem_shared>>
      tpu.enqueue_indirect_dma source(%arg9 : memref<128x64xf32, #tpu.memory_space<vmem>>) target(%dma_start3A_160 : memref<10240x64xf32, #tpu.memory_space<vmem_shared>>) offsets(%dma_start3A_157 : memref<128xi32, #tpu.memory_space<vmem>>) semaphore(%arg18 : memref<!tpu.dma_semaphore, #tpu.memory_space<semaphore_mem>>) {add = true}
      %add3A_161 = arith.constant 2 : i32
      %add3A_162 = arith.addi %mul3A_124, %add3A_161 : i32
      %mul3A_163 = arith.constant 128 : i32
      %mul3A_164 = arith.muli %add3A_162, %mul3A_163 : i32
      %multiple_of3A_165 = tpu.assume_multiple %mul3A_164, 128 : i32
      %dma_wait3A_166 = tpu.memref_slice %arg6[%multiple_of3A_165] : memref<10000xi32, #tpu.memory_space<vmem>> -> memref<128xi32, #tpu.memory_space<vmem>>
      %dma_wait3A_167 = arith.constant 0 : i32
      %dma_wait3A_168 = arith.constant 0 : i32
      %dma_wait3A_169 = tpu.memref_slice %arg2[%dma_wait3A_167, %dma_wait3A_168] : memref<10240x64xf32, #tpu.memory_space<hbm>> -> memref<10240x64xf32, #tpu.memory_space<hbm>>
      tpu.wait_indirect_dma semaphore(%arg15 : memref<!tpu.dma_semaphore, #tpu.memory_space<semaphore_mem>>) src(%dma_wait3A_169 : memref<10240x64xf32, #tpu.memory_space<hbm>>) dst(%arg10 : memref<128x64xf32, #tpu.memory_space<vmem>>)
      %add3A_170 = arith.constant 2 : i32
      %add3A_171 = arith.addi %mul3A_124, %add3A_170 : i32
      %mul3A_172 = arith.constant 128 : i32
      %mul3A_173 = arith.muli %add3A_171, %mul3A_172 : i32
      %multiple_of3A_174 = tpu.assume_multiple %mul3A_173, 128 : i32
      %dma_start3A_175 = tpu.memref_slice %arg7[%multiple_of3A_174] : memref<10000xi32, #tpu.memory_space<vmem>> -> memref<128xi32, #tpu.memory_space<vmem>>
      %dma_start3A_176 = arith.constant 0 : i32
      %dma_start3A_177 = arith.constant 0 : i32
      %dma_start3A_178 = tpu.memref_slice %arg12[%dma_start3A_176, %dma_start3A_177] : memref<10240x64xf32, #tpu.memory_space<vmem_shared>> -> memref<10240x64xf32, #tpu.memory_space<vmem_shared>>
      tpu.enqueue_indirect_dma source(%arg10 : memref<128x64xf32, #tpu.memory_space<vmem>>) target(%dma_start3A_178 : memref<10240x64xf32, #tpu.memory_space<vmem_shared>>) offsets(%dma_start3A_175 : memref<128xi32, #tpu.memory_space<vmem>>) semaphore(%arg19 : memref<!tpu.dma_semaphore, #tpu.memory_space<semaphore_mem>>) {add = true}
      %add3A_179 = arith.constant 3 : i32
      %add3A_180 = arith.addi %mul3A_124, %add3A_179 : i32
      %mul3A_181 = arith.constant 128 : i32
      %mul3A_182 = arith.muli %add3A_180, %mul3A_181 : i32
      %multiple_of3A_183 = tpu.assume_multiple %mul3A_182, 128 : i32
      %dma_wait3A_184 = tpu.memref_slice %arg6[%multiple_of3A_183] : memref<10000xi32, #tpu.memory_space<vmem>> -> memref<128xi32, #tpu.memory_space<vmem>>
      %dma_wait3A_185 = arith.constant 0 : i32
      %dma_wait3A_186 = arith.constant 0 : i32
      %dma_wait3A_187 = tpu.memref_slice %arg2[%dma_wait3A_185, %dma_wait3A_186] : memref<10240x64xf32, #tpu.memory_space<hbm>> -> memref<10240x64xf32, #tpu.memory_space<hbm>>
      tpu.wait_indirect_dma semaphore(%arg16 : memref<!tpu.dma_semaphore, #tpu.memory_space<semaphore_mem>>) src(%dma_wait3A_187 : memref<10240x64xf32, #tpu.memory_space<hbm>>) dst(%arg11 : memref<128x64xf32, #tpu.memory_space<vmem>>)
      %add3A_188 = arith.constant 3 : i32
      %add3A_189 = arith.addi %mul3A_124, %add3A_188 : i32
      %mul3A_190 = arith.constant 128 : i32
      %mul3A_191 = arith.muli %add3A_189, %mul3A_190 : i32
      %multiple_of3A_192 = tpu.assume_multiple %mul3A_191, 128 : i32
      %dma_start3A_193 = tpu.memref_slice %arg7[%multiple_of3A_192] : memref<10000xi32, #tpu.memory_space<vmem>> -> memref<128xi32, #tpu.memory_space<vmem>>
      %dma_start3A_194 = arith.constant 0 : i32
      %dma_start3A_195 = arith.constant 0 : i32
      %dma_start3A_196 = tpu.memref_slice %arg12[%dma_start3A_194, %dma_start3A_195] : memref<10240x64xf32, #tpu.memory_space<vmem_shared>> -> memref<10240x64xf32, #tpu.memory_space<vmem_shared>>
      tpu.enqueue_indirect_dma source(%arg11 : memref<128x64xf32, #tpu.memory_space<vmem>>) target(%dma_start3A_196 : memref<10240x64xf32, #tpu.memory_space<vmem_shared>>) offsets(%dma_start3A_193 : memref<128xi32, #tpu.memory_space<vmem>>) semaphore(%arg20 : memref<!tpu.dma_semaphore, #tpu.memory_space<semaphore_mem>>) {add = true}
      %dma_wait3A_197 = tpu.memref_slice %arg7[%multiple_of3A_138] : memref<10000xi32, #tpu.memory_space<vmem>> -> memref<128xi32, #tpu.memory_space<vmem>>
      %dma_wait3A_198 = arith.constant 0 : i32
      %dma_wait3A_199 = arith.constant 0 : i32
      %dma_wait3A_200 = tpu.memref_slice %arg12[%dma_wait3A_198, %dma_wait3A_199] : memref<10240x64xf32, #tpu.memory_space<vmem_shared>> -> memref<10240x64xf32, #tpu.memory_space<vmem_shared>>
      tpu.wait_indirect_dma semaphore(%arg17 : memref<!tpu.dma_semaphore, #tpu.memory_space<semaphore_mem>>) src(%arg8 : memref<128x64xf32, #tpu.memory_space<vmem>>) dst(%dma_wait3A_200 : memref<10240x64xf32, #tpu.memory_space<vmem_shared>>)
      %add3A_201 = arith.constant 4 : i32
      %add3A_202 = arith.addi %mul3A_124, %add3A_201 : i32
      %add3A_203 = arith.constant 0 : i32
      %add3A_204 = arith.addi %add3A_202, %add3A_203 : i32
      %lt3A = arith.constant 78 : i32
      %lt3A_205 = arith.cmpi slt, %add3A_204, %lt3A : i32
      %convert_element_type3A_206 = arith.extui %lt3A_205 : i1 to i32
      %cond3A_207 = arith.constant 0 : i32
      %cond3A_208 = arith.cmpi ne, %convert_element_type3A_206, %cond3A_207 : i32
      scf.if %cond3A_208 {
        %mul3A_248 = arith.constant 128 : i32
        %mul3A_249 = arith.muli %add3A_204, %mul3A_248 : i32
        %multiple_of3A_250 = tpu.assume_multiple %mul3A_249, 128 : i32
        %dma_start3A_251 = tpu.memref_slice %arg6[%multiple_of3A_250] : memref<10000xi32, #tpu.memory_space<vmem>> -> memref<128xi32, #tpu.memory_space<vmem>>
        %dma_start3A_252 = arith.constant 0 : i32
        %dma_start3A_253 = arith.constant 0 : i32
        %dma_start3A_254 = tpu.memref_slice %arg2[%dma_start3A_252, %dma_start3A_253] : memref<10240x64xf32, #tpu.memory_space<hbm>> -> memref<10240x64xf32, #tpu.memory_space<hbm>>
        tpu.enqueue_indirect_dma source(%dma_start3A_254 : memref<10240x64xf32, #tpu.memory_space<hbm>>) target(%arg8 : memref<128x64xf32, #tpu.memory_space<vmem>>) offsets(%dma_start3A_251 : memref<128xi32, #tpu.memory_space<vmem>>) semaphore(%arg13 : memref<!tpu.dma_semaphore, #tpu.memory_space<semaphore_mem>>)
      } else {
      }
      %dma_wait3A_209 = tpu.memref_slice %arg7[%multiple_of3A_156] : memref<10000xi32, #tpu.memory_space<vmem>> -> memref<128xi32, #tpu.memory_space<vmem>>
      %dma_wait3A_210 = arith.constant 0 : i32
      %dma_wait3A_211 = arith.constant 0 : i32
      %dma_wait3A_212 = tpu.memref_slice %arg12[%dma_wait3A_210, %dma_wait3A_211] : memref<10240x64xf32, #tpu.memory_space<vmem_shared>> -> memref<10240x64xf32, #tpu.memory_space<vmem_shared>>
      tpu.wait_indirect_dma semaphore(%arg18 : memref<!tpu.dma_semaphore, #tpu.memory_space<semaphore_mem>>) src(%arg9 : memref<128x64xf32, #tpu.memory_space<vmem>>) dst(%dma_wait3A_212 : memref<10240x64xf32, #tpu.memory_space<vmem_shared>>)
      %add3A_213 = arith.constant 4 : i32
      %add3A_214 = arith.addi %mul3A_124, %add3A_213 : i32
      %add3A_215 = arith.constant 1 : i32
      %add3A_216 = arith.addi %add3A_214, %add3A_215 : i32
      %lt3A_217 = arith.constant 78 : i32
      %lt3A_218 = arith.cmpi slt, %add3A_216, %lt3A_217 : i32
      %convert_element_type3A_219 = arith.extui %lt3A_218 : i1 to i32
      %cond3A_220 = arith.constant 0 : i32
      %cond3A_221 = arith.cmpi ne, %convert_element_type3A_219, %cond3A_220 : i32
      scf.if %cond3A_221 {
        %mul3A_248 = arith.constant 128 : i32
        %mul3A_249 = arith.muli %add3A_216, %mul3A_248 : i32
        %multiple_of3A_250 = tpu.assume_multiple %mul3A_249, 128 : i32
        %dma_start3A_251 = tpu.memref_slice %arg6[%multiple_of3A_250] : memref<10000xi32, #tpu.memory_space<vmem>> -> memref<128xi32, #tpu.memory_space<vmem>>
        %dma_start3A_252 = arith.constant 0 : i32
        %dma_start3A_253 = arith.constant 0 : i32
        %dma_start3A_254 = tpu.memref_slice %arg2[%dma_start3A_252, %dma_start3A_253] : memref<10240x64xf32, #tpu.memory_space<hbm>> -> memref<10240x64xf32, #tpu.memory_space<hbm>>
        tpu.enqueue_indirect_dma source(%dma_start3A_254 : memref<10240x64xf32, #tpu.memory_space<hbm>>) target(%arg9 : memref<128x64xf32, #tpu.memory_space<vmem>>) offsets(%dma_start3A_251 : memref<128xi32, #tpu.memory_space<vmem>>) semaphore(%arg14 : memref<!tpu.dma_semaphore, #tpu.memory_space<semaphore_mem>>)
      } else {
      }
      %dma_wait3A_222 = tpu.memref_slice %arg7[%multiple_of3A_174] : memref<10000xi32, #tpu.memory_space<vmem>> -> memref<128xi32, #tpu.memory_space<vmem>>
      %dma_wait3A_223 = arith.constant 0 : i32
      %dma_wait3A_224 = arith.constant 0 : i32
      %dma_wait3A_225 = tpu.memref_slice %arg12[%dma_wait3A_223, %dma_wait3A_224] : memref<10240x64xf32, #tpu.memory_space<vmem_shared>> -> memref<10240x64xf32, #tpu.memory_space<vmem_shared>>
      tpu.wait_indirect_dma semaphore(%arg19 : memref<!tpu.dma_semaphore, #tpu.memory_space<semaphore_mem>>) src(%arg10 : memref<128x64xf32, #tpu.memory_space<vmem>>) dst(%dma_wait3A_225 : memref<10240x64xf32, #tpu.memory_space<vmem_shared>>)
      %add3A_226 = arith.constant 4 : i32
      %add3A_227 = arith.addi %mul3A_124, %add3A_226 : i32
      %add3A_228 = arith.constant 2 : i32
      %add3A_229 = arith.addi %add3A_227, %add3A_228 : i32
      %lt3A_230 = arith.constant 78 : i32
      %lt3A_231 = arith.cmpi slt, %add3A_229, %lt3A_230 : i32
      %convert_element_type3A_232 = arith.extui %lt3A_231 : i1 to i32
      %cond3A_233 = arith.constant 0 : i32
      %cond3A_234 = arith.cmpi ne, %convert_element_type3A_232, %cond3A_233 : i32
      scf.if %cond3A_234 {
        %mul3A_248 = arith.constant 128 : i32
        %mul3A_249 = arith.muli %add3A_229, %mul3A_248 : i32
        %multiple_of3A_250 = tpu.assume_multiple %mul3A_249, 128 : i32
        %dma_start3A_251 = tpu.memref_slice %arg6[%multiple_of3A_250] : memref<10000xi32, #tpu.memory_space<vmem>> -> memref<128xi32, #tpu.memory_space<vmem>>
        %dma_start3A_252 = arith.constant 0 : i32
        %dma_start3A_253 = arith.constant 0 : i32
        %dma_start3A_254 = tpu.memref_slice %arg2[%dma_start3A_252, %dma_start3A_253] : memref<10240x64xf32, #tpu.memory_space<hbm>> -> memref<10240x64xf32, #tpu.memory_space<hbm>>
        tpu.enqueue_indirect_dma source(%dma_start3A_254 : memref<10240x64xf32, #tpu.memory_space<hbm>>) target(%arg10 : memref<128x64xf32, #tpu.memory_space<vmem>>) offsets(%dma_start3A_251 : memref<128xi32, #tpu.memory_space<vmem>>) semaphore(%arg15 : memref<!tpu.dma_semaphore, #tpu.memory_space<semaphore_mem>>)
      } else {
      }
      %dma_wait3A_235 = tpu.memref_slice %arg7[%multiple_of3A_192] : memref<10000xi32, #tpu.memory_space<vmem>> -> memref<128xi32, #tpu.memory_space<vmem>>
      %dma_wait3A_236 = arith.constant 0 : i32
      %dma_wait3A_237 = arith.constant 0 : i32
      %dma_wait3A_238 = tpu.memref_slice %arg12[%dma_wait3A_236, %dma_wait3A_237] : memref<10240x64xf32, #tpu.memory_space<vmem_shared>> -> memref<10240x64xf32, #tpu.memory_space<vmem_shared>>
      tpu.wait_indirect_dma semaphore(%arg20 : memref<!tpu.dma_semaphore, #tpu.memory_space<semaphore_mem>>) src(%arg11 : memref<128x64xf32, #tpu.memory_space<vmem>>) dst(%dma_wait3A_238 : memref<10240x64xf32, #tpu.memory_space<vmem_shared>>)
      %add3A_239 = arith.constant 4 : i32
      %add3A_240 = arith.addi %mul3A_124, %add3A_239 : i32
      %add3A_241 = arith.constant 3 : i32
      %add3A_242 = arith.addi %add3A_240, %add3A_241 : i32
      %lt3A_243 = arith.constant 78 : i32
      %lt3A_244 = arith.cmpi slt, %add3A_242, %lt3A_243 : i32
      %convert_element_type3A_245 = arith.extui %lt3A_244 : i1 to i32
      %cond3A_246 = arith.constant 0 : i32
      %cond3A_247 = arith.cmpi ne, %convert_element_type3A_245, %cond3A_246 : i32
      scf.if %cond3A_247 {
        %mul3A_248 = arith.constant 128 : i32
        %mul3A_249 = arith.muli %add3A_242, %mul3A_248 : i32
        %multiple_of3A_250 = tpu.assume_multiple %mul3A_249, 128 : i32
        %dma_start3A_251 = tpu.memref_slice %arg6[%multiple_of3A_250] : memref<10000xi32, #tpu.memory_space<vmem>> -> memref<128xi32, #tpu.memory_space<vmem>>
        %dma_start3A_252 = arith.constant 0 : i32
        %dma_start3A_253 = arith.constant 0 : i32
        %dma_start3A_254 = tpu.memref_slice %arg2[%dma_start3A_252, %dma_start3A_253] : memref<10240x64xf32, #tpu.memory_space<hbm>> -> memref<10240x64xf32, #tpu.memory_space<hbm>>
        tpu.enqueue_indirect_dma source(%dma_start3A_254 : memref<10240x64xf32, #tpu.memory_space<hbm>>) target(%arg11 : memref<128x64xf32, #tpu.memory_space<vmem>>) offsets(%dma_start3A_251 : memref<128xi32, #tpu.memory_space<vmem>>) semaphore(%arg16 : memref<!tpu.dma_semaphore, #tpu.memory_space<semaphore_mem>>)
      } else {
      }
    }
    %scan3A_50 = arith.constant 19 : i32
    %dma_start3A_51 = arith.constant 0 : i32
    %dma_start3A_52 = arith.constant 0 : i32
    %dma_start3A_53 = tpu.memref_slice %arg10[%dma_start3A_51, %dma_start3A_52] : memref<128x64xf32, #tpu.memory_space<vmem>> -> memref<16x64xf32, #tpu.memory_space<vmem>>
    %dma_start3A_54 = arith.constant 9984 : i32
    %dma_start3A_55 = tpu.memref_slice %arg6[%dma_start3A_54] : memref<10000xi32, #tpu.memory_space<vmem>> -> memref<16xi32, #tpu.memory_space<vmem>>
    %dma_start3A_56 = arith.constant 0 : i32
    %dma_start3A_57 = arith.constant 0 : i32
    %dma_start3A_58 = tpu.memref_slice %arg2[%dma_start3A_56, %dma_start3A_57] : memref<10240x64xf32, #tpu.memory_space<hbm>> -> memref<10240x64xf32, #tpu.memory_space<hbm>>
    tpu.enqueue_indirect_dma source(%dma_start3A_58 : memref<10240x64xf32, #tpu.memory_space<hbm>>) target(%dma_start3A_53 : memref<16x64xf32, #tpu.memory_space<vmem>>) offsets(%dma_start3A_55 : memref<16xi32, #tpu.memory_space<vmem>>) semaphore(%arg15 : memref<!tpu.dma_semaphore, #tpu.memory_space<semaphore_mem>>)
    %multiple_of3A_59 = arith.constant 9728 : i32
    %multiple_of3A_60 = tpu.assume_multiple %multiple_of3A_59, 128 : i32
    %dma_wait3A = tpu.memref_slice %arg6[%multiple_of3A_60] : memref<10000xi32, #tpu.memory_space<vmem>> -> memref<128xi32, #tpu.memory_space<vmem>>
    %dma_wait3A_61 = arith.constant 0 : i32
    %dma_wait3A_62 = arith.constant 0 : i32
    %dma_wait3A_63 = tpu.memref_slice %arg2[%dma_wait3A_61, %dma_wait3A_62] : memref<10240x64xf32, #tpu.memory_space<hbm>> -> memref<10240x64xf32, #tpu.memory_space<hbm>>
    tpu.wait_indirect_dma semaphore(%arg13 : memref<!tpu.dma_semaphore, #tpu.memory_space<semaphore_mem>>) src(%dma_wait3A_63 : memref<10240x64xf32, #tpu.memory_space<hbm>>) dst(%arg8 : memref<128x64xf32, #tpu.memory_space<vmem>>)
    %multiple_of3A_64 = arith.constant 9728 : i32
    %multiple_of3A_65 = tpu.assume_multiple %multiple_of3A_64, 128 : i32
    %dma_start3A_66 = tpu.memref_slice %arg7[%multiple_of3A_65] : memref<10000xi32, #tpu.memory_space<vmem>> -> memref<128xi32, #tpu.memory_space<vmem>>
    %dma_start3A_67 = arith.constant 0 : i32
    %dma_start3A_68 = arith.constant 0 : i32
    %dma_start3A_69 = tpu.memref_slice %arg12[%dma_start3A_67, %dma_start3A_68] : memref<10240x64xf32, #tpu.memory_space<vmem_shared>> -> memref<10240x64xf32, #tpu.memory_space<vmem_shared>>
    tpu.enqueue_indirect_dma source(%arg8 : memref<128x64xf32, #tpu.memory_space<vmem>>) target(%dma_start3A_69 : memref<10240x64xf32, #tpu.memory_space<vmem_shared>>) offsets(%dma_start3A_66 : memref<128xi32, #tpu.memory_space<vmem>>) semaphore(%arg17 : memref<!tpu.dma_semaphore, #tpu.memory_space<semaphore_mem>>) {add = true}
    %multiple_of3A_70 = arith.constant 9856 : i32
    %multiple_of3A_71 = tpu.assume_multiple %multiple_of3A_70, 128 : i32
    %dma_wait3A_72 = tpu.memref_slice %arg6[%multiple_of3A_71] : memref<10000xi32, #tpu.memory_space<vmem>> -> memref<128xi32, #tpu.memory_space<vmem>>
    %dma_wait3A_73 = arith.constant 0 : i32
    %dma_wait3A_74 = arith.constant 0 : i32
    %dma_wait3A_75 = tpu.memref_slice %arg2[%dma_wait3A_73, %dma_wait3A_74] : memref<10240x64xf32, #tpu.memory_space<hbm>> -> memref<10240x64xf32, #tpu.memory_space<hbm>>
    tpu.wait_indirect_dma semaphore(%arg14 : memref<!tpu.dma_semaphore, #tpu.memory_space<semaphore_mem>>) src(%dma_wait3A_75 : memref<10240x64xf32, #tpu.memory_space<hbm>>) dst(%arg9 : memref<128x64xf32, #tpu.memory_space<vmem>>)
    %multiple_of3A_76 = arith.constant 9856 : i32
    %multiple_of3A_77 = tpu.assume_multiple %multiple_of3A_76, 128 : i32
    %dma_start3A_78 = tpu.memref_slice %arg7[%multiple_of3A_77] : memref<10000xi32, #tpu.memory_space<vmem>> -> memref<128xi32, #tpu.memory_space<vmem>>
    %dma_start3A_79 = arith.constant 0 : i32
    %dma_start3A_80 = arith.constant 0 : i32
    %dma_start3A_81 = tpu.memref_slice %arg12[%dma_start3A_79, %dma_start3A_80] : memref<10240x64xf32, #tpu.memory_space<vmem_shared>> -> memref<10240x64xf32, #tpu.memory_space<vmem_shared>>
    tpu.enqueue_indirect_dma source(%arg9 : memref<128x64xf32, #tpu.memory_space<vmem>>) target(%dma_start3A_81 : memref<10240x64xf32, #tpu.memory_space<vmem_shared>>) offsets(%dma_start3A_78 : memref<128xi32, #tpu.memory_space<vmem>>) semaphore(%arg18 : memref<!tpu.dma_semaphore, #tpu.memory_space<semaphore_mem>>) {add = true}
    %dma_wait3A_82 = arith.constant 0 : i32
    %dma_wait3A_83 = arith.constant 0 : i32
    %dma_wait3A_84 = tpu.memref_slice %arg10[%dma_wait3A_82, %dma_wait3A_83] : memref<128x64xf32, #tpu.memory_space<vmem>> -> memref<16x64xf32, #tpu.memory_space<vmem>>
    %dma_wait3A_85 = arith.constant 9984 : i32
    %dma_wait3A_86 = tpu.memref_slice %arg6[%dma_wait3A_85] : memref<10000xi32, #tpu.memory_space<vmem>> -> memref<16xi32, #tpu.memory_space<vmem>>
    %dma_wait3A_87 = arith.constant 0 : i32
    %dma_wait3A_88 = arith.constant 0 : i32
    %dma_wait3A_89 = tpu.memref_slice %arg2[%dma_wait3A_87, %dma_wait3A_88] : memref<10240x64xf32, #tpu.memory_space<hbm>> -> memref<10240x64xf32, #tpu.memory_space<hbm>>
    tpu.wait_indirect_dma semaphore(%arg15 : memref<!tpu.dma_semaphore, #tpu.memory_space<semaphore_mem>>) src(%dma_wait3A_89 : memref<10240x64xf32, #tpu.memory_space<hbm>>) dst(%dma_wait3A_84 : memref<16x64xf32, #tpu.memory_space<vmem>>)
    %dma_start3A_90 = arith.constant 0 : i32
    %dma_start3A_91 = arith.constant 0 : i32
    %dma_start3A_92 = tpu.memref_slice %arg10[%dma_start3A_90, %dma_start3A_91] : memref<128x64xf32, #tpu.memory_space<vmem>> -> memref<16x64xf32, #tpu.memory_space<vmem>>
    %dma_start3A_93 = arith.constant 9984 : i32
    %dma_start3A_94 = tpu.memref_slice %arg7[%dma_start3A_93] : memref<10000xi32, #tpu.memory_space<vmem>> -> memref<16xi32, #tpu.memory_space<vmem>>
    %dma_start3A_95 = arith.constant 0 : i32
    %dma_start3A_96 = arith.constant 0 : i32
    %dma_start3A_97 = tpu.memref_slice %arg12[%dma_start3A_95, %dma_start3A_96] : memref<10240x64xf32, #tpu.memory_space<vmem_shared>> -> memref<10240x64xf32, #tpu.memory_space<vmem_shared>>
    tpu.enqueue_indirect_dma source(%dma_start3A_92 : memref<16x64xf32, #tpu.memory_space<vmem>>) target(%dma_start3A_97 : memref<10240x64xf32, #tpu.memory_space<vmem_shared>>) offsets(%dma_start3A_94 : memref<16xi32, #tpu.memory_space<vmem>>) semaphore(%arg19 : memref<!tpu.dma_semaphore, #tpu.memory_space<semaphore_mem>>) {add = true}
    %dma_wait3A_98 = tpu.memref_slice %arg7[%multiple_of3A_65] : memref<10000xi32, #tpu.memory_space<vmem>> -> memref<128xi32, #tpu.memory_space<vmem>>
    %dma_wait3A_99 = arith.constant 0 : i32
    %dma_wait3A_100 = arith.constant 0 : i32
    %dma_wait3A_101 = tpu.memref_slice %arg12[%dma_wait3A_99, %dma_wait3A_100] : memref<10240x64xf32, #tpu.memory_space<vmem_shared>> -> memref<10240x64xf32, #tpu.memory_space<vmem_shared>>
    tpu.wait_indirect_dma semaphore(%arg17 : memref<!tpu.dma_semaphore, #tpu.memory_space<semaphore_mem>>) src(%arg8 : memref<128x64xf32, #tpu.memory_space<vmem>>) dst(%dma_wait3A_101 : memref<10240x64xf32, #tpu.memory_space<vmem_shared>>)
    %dma_wait3A_102 = tpu.memref_slice %arg7[%multiple_of3A_77] : memref<10000xi32, #tpu.memory_space<vmem>> -> memref<128xi32, #tpu.memory_space<vmem>>
    %dma_wait3A_103 = arith.constant 0 : i32
    %dma_wait3A_104 = arith.constant 0 : i32
    %dma_wait3A_105 = tpu.memref_slice %arg12[%dma_wait3A_103, %dma_wait3A_104] : memref<10240x64xf32, #tpu.memory_space<vmem_shared>> -> memref<10240x64xf32, #tpu.memory_space<vmem_shared>>
    tpu.wait_indirect_dma semaphore(%arg18 : memref<!tpu.dma_semaphore, #tpu.memory_space<semaphore_mem>>) src(%arg9 : memref<128x64xf32, #tpu.memory_space<vmem>>) dst(%dma_wait3A_105 : memref<10240x64xf32, #tpu.memory_space<vmem_shared>>)
    %dma_wait3A_106 = arith.constant 0 : i32
    %dma_wait3A_107 = arith.constant 0 : i32
    %dma_wait3A_108 = tpu.memref_slice %arg10[%dma_wait3A_106, %dma_wait3A_107] : memref<128x64xf32, #tpu.memory_space<vmem>> -> memref<16x64xf32, #tpu.memory_space<vmem>>
    %dma_wait3A_109 = arith.constant 9984 : i32
    %dma_wait3A_110 = tpu.memref_slice %arg7[%dma_wait3A_109] : memref<10000xi32, #tpu.memory_space<vmem>> -> memref<16xi32, #tpu.memory_space<vmem>>
    %dma_wait3A_111 = arith.constant 0 : i32
    %dma_wait3A_112 = arith.constant 0 : i32
    %dma_wait3A_113 = tpu.memref_slice %arg12[%dma_wait3A_111, %dma_wait3A_112] : memref<10240x64xf32, #tpu.memory_space<vmem_shared>> -> memref<10240x64xf32, #tpu.memory_space<vmem_shared>>
    tpu.wait_indirect_dma semaphore(%arg19 : memref<!tpu.dma_semaphore, #tpu.memory_space<semaphore_mem>>) src(%dma_wait3A_108 : memref<16x64xf32, #tpu.memory_space<vmem>>) dst(%dma_wait3A_113 : memref<10240x64xf32, #tpu.memory_space<vmem_shared>>)
    %barrier3A_114 = arith.constant 0 : index
    tpu.barrier barrier_id(%barrier3A_114)
    %eq3A = arith.constant 0 : i32
    %eq3A_115 = arith.cmpi eq, %arg0, %eq3A : i32
    %convert_element_type3A = arith.extui %eq3A_115 : i1 to i32
    %cond3A = arith.constant 0 : i32
    %cond3A_116 = arith.cmpi ne, %convert_element_type3A, %cond3A : i32
    scf.if %cond3A_116 {
      "tpu.region"() ({
        %run_scoped3A = tpu.sem_alloc : memref<!tpu.dma_semaphore, #tpu.memory_space<semaphore_mem>>
        %dma_start3A_122 = arith.constant 0 : i32
        %dma_start3A_123 = tpu.memref_slice %arg5[%mul3A_12, %dma_start3A_122] : memref<10240x128xf32, #tpu.memory_space<hbm>> -> memref<640x64xf32, #tpu.memory_space<hbm>>
        %dma_start3A_124 = arith.constant 0 : i32
        %dma_start3A_125 = tpu.memref_slice %arg12[%mul3A_12, %dma_start3A_124] : memref<10240x64xf32, #tpu.memory_space<vmem_shared>> -> memref<640x64xf32, #tpu.memory_space<vmem_shared>>
        tpu.enqueue_dma source(%dma_start3A_125 : memref<640x64xf32, #tpu.memory_space<vmem_shared>>) target(%dma_start3A_123 : memref<640x64xf32, #tpu.memory_space<hbm>>) target_semaphore(%run_scoped3A : memref<!tpu.dma_semaphore, #tpu.memory_space<semaphore_mem>>)
        %dma_wait3A_126 = arith.constant 0 : i32
        %dma_wait3A_127 = tpu.memref_slice %arg5[%mul3A_12, %dma_wait3A_126] : memref<10240x128xf32, #tpu.memory_space<hbm>> -> memref<640x64xf32, #tpu.memory_space<hbm>>
        %dma_wait3A_128 = arith.constant 0 : i32
        %dma_wait3A_129 = tpu.memref_slice %arg12[%mul3A_12, %dma_wait3A_128] : memref<10240x64xf32, #tpu.memory_space<vmem_shared>> -> memref<640x64xf32, #tpu.memory_space<vmem_shared>>
        tpu.wait_dma2 semaphore(%run_scoped3A : memref<!tpu.dma_semaphore, #tpu.memory_space<semaphore_mem>>) src(%dma_wait3A_129 : memref<640x64xf32, #tpu.memory_space<vmem_shared>>) dst(%dma_wait3A_127 : memref<640x64xf32, #tpu.memory_space<hbm>>)
        tpu.yield
      }) : () -> ()
    } else {
    }
    %eq3A_117 = arith.constant 1 : i32
    %eq3A_118 = arith.cmpi eq, %arg0, %eq3A_117 : i32
    %convert_element_type3A_119 = arith.extui %eq3A_118 : i1 to i32
    %cond3A_120 = arith.constant 0 : i32
    %cond3A_121 = arith.cmpi ne, %convert_element_type3A_119, %cond3A_120 : i32
    scf.if %cond3A_121 {
      "tpu.region"() ({
        %run_scoped3A = tpu.sem_alloc : memref<!tpu.dma_semaphore, #tpu.memory_space<semaphore_mem>>
        %dma_start3A_122 = arith.constant 64 : i32
        %dma_start3A_123 = tpu.memref_slice %arg5[%mul3A_12, %dma_start3A_122] : memref<10240x128xf32, #tpu.memory_space<hbm>> -> memref<640x64xf32, #tpu.memory_space<hbm>>
        %dma_start3A_124 = arith.constant 0 : i32
        %dma_start3A_125 = tpu.memref_slice %arg12[%mul3A_12, %dma_start3A_124] : memref<10240x64xf32, #tpu.memory_space<vmem_shared>> -> memref<640x64xf32, #tpu.memory_space<vmem_shared>>
        tpu.enqueue_dma source(%dma_start3A_125 : memref<640x64xf32, #tpu.memory_space<vmem_shared>>) target(%dma_start3A_123 : memref<640x64xf32, #tpu.memory_space<hbm>>) target_semaphore(%run_scoped3A : memref<!tpu.dma_semaphore, #tpu.memory_space<semaphore_mem>>)
        %dma_wait3A_126 = arith.constant 64 : i32
        %dma_wait3A_127 = tpu.memref_slice %arg5[%mul3A_12, %dma_wait3A_126] : memref<10240x128xf32, #tpu.memory_space<hbm>> -> memref<640x64xf32, #tpu.memory_space<hbm>>
        %dma_wait3A_128 = arith.constant 0 : i32
        %dma_wait3A_129 = tpu.memref_slice %arg12[%mul3A_12, %dma_wait3A_128] : memref<10240x64xf32, #tpu.memory_space<vmem_shared>> -> memref<640x64xf32, #tpu.memory_space<vmem_shared>>
        tpu.wait_dma2 semaphore(%run_scoped3A : memref<!tpu.dma_semaphore, #tpu.memory_space<semaphore_mem>>) src(%dma_wait3A_129 : memref<640x64xf32, #tpu.memory_space<vmem_shared>>) dst(%dma_wait3A_127 : memref<640x64xf32, #tpu.memory_space<hbm>>)
        tpu.yield
      }) : () -> ()
    } else {
    }
    return
  }
}

module attributes {stable_mosaic.version = 14 : i64} {
  func.func @_tc_mm_body(%arg0: memref<10000x128xf32, #tpu.memory_space<vmem>>, %arg1: memref<128x64xf32, #tpu.memory_space<vmem>>, %arg2: memref<10000x64xf32, #tpu.memory_space<vmem>>) attributes {dimension_semantics = [], scalar_prefetch = 0 : i64, scratch_operands = 0 : i64, tpu.core_type = #tpu.core_type<tc>} {
    %get3A = arith.constant 0 : index
    %get3A_0 = arith.constant 0 : index
    %get3A_1 = vector.load %arg0[%get3A, %get3A_0] : memref<10000x128xf32, #tpu.memory_space<vmem>>, vector<10000x128xf32>
    %get3A_2 = arith.constant 0 : index
    %get3A_3 = arith.constant 0 : index
    %get3A_4 = vector.load %arg1[%get3A_2, %get3A_3] : memref<128x64xf32, #tpu.memory_space<vmem>>, vector<128x64xf32>
    %dot_general3A = arith.constant dense<0.000000e+00> : vector<10000x64xf32>
    %dot_general3A_5 = tpu.matmul %get3A_1, %get3A_4, %dot_general3A {dimension_numbers = #tpu.dot_dimension_numbers<[1], [0], [0], [1], [0, 0, 1, 1], [], []>, transpose_lhs_hint = false} : vector<10000x128xf32>, vector<128x64xf32>, vector<10000x64xf32> -> vector<10000x64xf32>
    %swap3A = arith.constant 0 : index
    %swap3A_6 = arith.constant 0 : index
    %swap3A_7 = vector.load %arg2[%swap3A, %swap3A_6] : memref<10000x64xf32, #tpu.memory_space<vmem>>, vector<10000x64xf32>
    tpu.vector_store %arg2[%swap3A, %swap3A_6], %dot_general3A_5 {strides = array<i32>} : memref<10000x64xf32, #tpu.memory_space<vmem>>, vector<10000x64xf32>,
    return
  }
}

module attributes {stable_mosaic.version = 14 : i64} {
  func.func @_tc1_body(%arg0: memref<10000x64xf32, #tpu.memory_space<vmem>>, %arg1: memref<80x128xf32, #tpu.memory_space<vmem>>, %arg2: memref<80x128xf32, #tpu.memory_space<vmem>>, %arg3: memref<80x128xf32, #tpu.memory_space<vmem>>, %arg4: memref<10240x64xf32, #tpu.memory_space<vmem>>) attributes {dimension_semantics = [], scalar_prefetch = 0 : i64, scratch_operands = 0 : i64, tpu.core_type = #tpu.core_type<tc>} {
    %get3A = arith.constant 0 : index
    %get3A_0 = arith.constant 0 : index
    %get3A_1 = vector.load %arg1[%get3A, %get3A_0] : memref<80x128xf32, #tpu.memory_space<vmem>>, vector<80x128xf32>
    %add3A = arith.constant 1.000000e+00 : f32
    %add3A_2 = vector.broadcast %add3A : f32 to vector<80x128xf32>
    %add3A_3 = arith.addf %add3A_2, %get3A_1 : vector<80x128xf32>
    %get3A_4 = arith.constant 0 : index
    %get3A_5 = arith.constant 0 : index
    %get3A_6 = vector.load %arg2[%get3A_4, %get3A_5] : memref<80x128xf32, #tpu.memory_space<vmem>>, vector<80x128xf32>
    %add3A_7 = arith.addf %add3A_3, %get3A_6 : vector<80x128xf32>
    %rsqrt3A = math.rsqrt %add3A_7 : vector<80x128xf32>
    %swap3A = arith.constant 0 : index
    %swap3A_8 = arith.constant 0 : index
    %swap3A_9 = vector.load %arg3[%swap3A, %swap3A_8] : memref<80x128xf32, #tpu.memory_space<vmem>>, vector<80x128xf32>
    tpu.vector_store %arg3[%swap3A, %swap3A_8], %rsqrt3A {strides = array<i32>} : memref<80x128xf32, #tpu.memory_space<vmem>>, vector<80x128xf32>,
    %broadcast_in_dim3A = vector.shape_cast %rsqrt3A : vector<80x128xf32> to vector<80x1x128xf32>
    %broadcast_in_dim3A_10 = vector.broadcast %broadcast_in_dim3A : vector<80x1x128xf32> to vector<80x64x128xf32>
    %transpose3A = tpu.transpose %broadcast_in_dim3A_10, [0, 2, 1] : vector<80x64x128xf32> -> vector<80x128x64xf32>
    %reshape3A = vector.shape_cast %transpose3A : vector<80x128x64xf32> to vector<10240x64xf32>
    %get3A_11 = arith.constant 0 : index
    %get3A_12 = arith.constant 0 : index
    %get3A_13 = vector.load %arg0[%get3A_11, %get3A_12] : memref<10000x64xf32, #tpu.memory_space<vmem>>, vector<10000x64xf32>
    %slice3A = vector.extract_strided_slice %reshape3A {offsets = [0, 0], sizes = [10000, 64], strides = [1, 1]} : vector<10240x64xf32> to vector<10000x64xf32>
    %mul3A = arith.mulf %get3A_13, %slice3A : vector<10000x64xf32>
    %swap3A_14 = arith.constant 0 : index
    %swap3A_15 = arith.constant 0 : index
    %swap3A_16 = vector.load %arg4[%swap3A_14, %swap3A_15] : memref<10240x64xf32, #tpu.memory_space<vmem>>, vector<10000x64xf32>
    tpu.vector_store %arg4[%swap3A_14, %swap3A_15], %mul3A {strides = array<i32>} : memref<10240x64xf32, #tpu.memory_space<vmem>>, vector<10000x64xf32>,
    %broadcast_in_dim3A_17 = arith.constant 0.000000e+00 : f32
    %broadcast_in_dim3A_18 = vector.broadcast %broadcast_in_dim3A_17 : f32 to vector<240x64xf32>
    %swap3A_19 = arith.constant 10000 : index
    %swap3A_20 = arith.constant 0 : index
    %swap3A_21 = vector.load %arg4[%swap3A_19, %swap3A_20] : memref<10240x64xf32, #tpu.memory_space<vmem>>, vector<240x64xf32>
    tpu.vector_store %arg4[%swap3A_19, %swap3A_20], %broadcast_in_dim3A_18 {strides = array<i32>} : memref<10240x64xf32, #tpu.memory_space<vmem>>, vector<240x64xf32>,
    return
  }
}

module attributes {stable_mosaic.version = 14 : i64} {
  func.func @_tc2_body(%arg0: i32, %arg1: memref<2048x128xf32, #tpu.memory_space<vmem>>, %arg2: memref<2048x64xf32, #tpu.memory_space<vmem>>, %arg3: memref<16x128xf32, #tpu.memory_space<vmem>>, %arg4: memref<1x64xf32, #tpu.memory_space<vmem>>, %arg5: memref<64x64xf32, #tpu.memory_space<vmem>>, %arg6: memref<2048x64xf32, #tpu.memory_space<vmem>>) attributes {dimension_semantics = [#tpu.dimension_semantics<arbitrary>], iteration_bounds = array<i64: 5>, scalar_prefetch = 0 : i64, scratch_operands = 0 : i64, tpu.core_type = #tpu.core_type<tc>, window_params = [{transform_indices = @transform_0, window_bounds = array<i64: 2048, 128>}, {transform_indices = @transform_1, window_bounds = array<i64: 2048, 64>}, {transform_indices = @transform_2, window_bounds = array<i64: 16, 128>}, {pipeline_mode = #tpu.pipeline_mode<synchronous>, transform_indices = @transform_3, window_bounds = array<i64: 1, 64>}, {pipeline_mode = #tpu.pipeline_mode<synchronous>, transform_indices = @transform_4, window_bounds = array<i64: 64, 64>}, {transform_indices = @transform_5, window_bounds = array<i64: 2048, 64>}]} {
    %get3A = arith.constant 0 : index
    %get3A_0 = arith.constant 0 : index
    %get3A_1 = vector.load %arg3[%get3A, %get3A_0] : memref<16x128xf32, #tpu.memory_space<vmem>>, vector<16x128xf32>
    %broadcast_in_dim3A = vector.shape_cast %get3A_1 : vector<16x128xf32> to vector<16x1x128xf32>
    %broadcast_in_dim3A_2 = vector.broadcast %broadcast_in_dim3A : vector<16x1x128xf32> to vector<16x64x128xf32>
    %transpose3A = tpu.transpose %broadcast_in_dim3A_2, [0, 2, 1] : vector<16x64x128xf32> -> vector<16x128x64xf32>
    %reshape3A = vector.shape_cast %transpose3A : vector<16x128x64xf32> to vector<2048x64xf32>
    %get3A_3 = arith.constant 0 : index
    %get3A_4 = arith.constant 0 : index
    %get3A_5 = vector.load %arg1[%get3A_3, %get3A_4] : memref<2048x128xf32, #tpu.memory_space<vmem>>, vector<2048x128xf32>
    %slice3A = vector.extract_strided_slice %get3A_5 {offsets = [0, 0], sizes = [2048, 64], strides = [1, 1]} : vector<2048x128xf32> to vector<2048x64xf32>
    %slice3A_6 = vector.extract_strided_slice %get3A_5 {offsets = [0, 64], sizes = [2048, 64], strides = [1, 1]} : vector<2048x128xf32> to vector<2048x64xf32>
    %add3A = arith.addf %slice3A, %slice3A_6 : vector<2048x64xf32>
    %get3A_7 = arith.constant 0 : index
    %get3A_8 = arith.constant 0 : index
    %get3A_9 = vector.load %arg2[%get3A_7, %get3A_8] : memref<2048x64xf32, #tpu.memory_space<vmem>>, vector<2048x64xf32>
    %add3A_10 = arith.addf %add3A, %get3A_9 : vector<2048x64xf32>
    %mul3A = arith.mulf %reshape3A, %add3A_10 : vector<2048x64xf32>
    %get3A_11 = arith.constant 0 : index
    %get3A_12 = arith.constant 0 : index
    %get3A_13 = vector.load %arg4[%get3A_11, %get3A_12] : memref<1x64xf32, #tpu.memory_space<vmem>>, vector<1x64xf32>
    %add3A_14 = vector.broadcast %get3A_13 : vector<1x64xf32> to vector<2048x64xf32>
    %add3A_15 = arith.addf %mul3A, %add3A_14 : vector<2048x64xf32>
    %max3A = arith.constant 0.000000e+00 : f32
    %max3A_16 = vector.broadcast %max3A : f32 to vector<2048x64xf32>
    %max3A_17 = arith.maximumf %add3A_15, %max3A_16 : vector<2048x64xf32>
    %get3A_18 = arith.constant 0 : index
    %get3A_19 = arith.constant 0 : index
    %get3A_20 = vector.load %arg5[%get3A_18, %get3A_19] : memref<64x64xf32, #tpu.memory_space<vmem>>, vector<64x64xf32>
    %dot_general3A = arith.constant dense<0.000000e+00> : vector<2048x64xf32>
    %dot_general3A_21 = tpu.matmul %max3A_17, %get3A_20, %dot_general3A {dimension_numbers = #tpu.dot_dimension_numbers<[1], [0], [0], [1], [0, 0, 1, 1], [], []>, transpose_lhs_hint = false} : vector<2048x64xf32>, vector<64x64xf32>, vector<2048x64xf32> -> vector<2048x64xf32>
    %mul3A_22 = arith.mulf %dot_general3A_21, %reshape3A : vector<2048x64xf32>
    %swap3A = arith.constant 0 : index
    %swap3A_23 = arith.constant 0 : index
    %swap3A_24 = vector.load %arg6[%swap3A, %swap3A_23] : memref<2048x64xf32, #tpu.memory_space<vmem>>, vector<2048x64xf32>
    tpu.vector_store %arg6[%swap3A, %swap3A_23], %mul3A_22 {strides = array<i32>} : memref<2048x64xf32, #tpu.memory_space<vmem>>, vector<2048x64xf32>,
    return
  }
  func.func @transform_0(%arg0: i32) -> (i32, i32) {
    %c0_i32 = arith.constant 0 : i32
    %c0_i32_0 = arith.constant 0 : i32
    return %arg0, %c0_i32 : i32, i32
  }
  func.func @transform_1(%arg0: i32) -> (i32, i32) {
    %c0_i32 = arith.constant 0 : i32
    %c0_i32_0 = arith.constant 0 : i32
    return %arg0, %c0_i32 : i32, i32
  }
  func.func @transform_2(%arg0: i32) -> (i32, i32) {
    %c0_i32 = arith.constant 0 : i32
    %c0_i32_0 = arith.constant 0 : i32
    return %arg0, %c0_i32 : i32, i32
  }
  func.func @transform_3(%arg0: i32) -> (i32, i32) {
    %c0_i32 = arith.constant 0 : i32
    %c0_i32_0 = arith.constant 0 : i32
    %c0_i32_1 = arith.constant 0 : i32
    return %c0_i32, %c0_i32_0 : i32, i32
  }
  func.func @transform_4(%arg0: i32) -> (i32, i32) {
    %c0_i32 = arith.constant 0 : i32
    %c0_i32_0 = arith.constant 0 : i32
    %c0_i32_1 = arith.constant 0 : i32
    return %c0_i32, %c0_i32_0 : i32, i32
  }
  func.func @transform_5(%arg0: i32) -> (i32, i32) {
    %c0_i32 = arith.constant 0 : i32
    %c0_i32_0 = arith.constant 0 : i32
    return %arg0, %c0_i32 : i32, i32
  }
}

module attributes {stable_mosaic.version = 14 : i64} {
  func.func @_tc3_body(%arg0: i32, %arg1: memref<2048x128xf32, #tpu.memory_space<vmem>>, %arg2: memref<2048x64xf32, #tpu.memory_space<vmem>>, %arg3: memref<16x128xf32, #tpu.memory_space<vmem>>, %arg4: memref<1x64xf32, #tpu.memory_space<vmem>>, %arg5: memref<2048x64xf32, #tpu.memory_space<vmem>>) attributes {dimension_semantics = [#tpu.dimension_semantics<arbitrary>], iteration_bounds = array<i64: 5>, scalar_prefetch = 0 : i64, scratch_operands = 0 : i64, tpu.core_type = #tpu.core_type<tc>, window_params = [{transform_indices = @transform_0, window_bounds = array<i64: 2048, 128>}, {transform_indices = @transform_1, window_bounds = array<i64: 2048, 64>}, {transform_indices = @transform_2, window_bounds = array<i64: 16, 128>}, {pipeline_mode = #tpu.pipeline_mode<synchronous>, transform_indices = @transform_3, window_bounds = array<i64: 1, 64>}, {transform_indices = @transform_4, window_bounds = array<i64: 2048, 64>}]} {
    %get3A = arith.constant 0 : index
    %get3A_0 = arith.constant 0 : index
    %get3A_1 = vector.load %arg3[%get3A, %get3A_0] : memref<16x128xf32, #tpu.memory_space<vmem>>, vector<16x128xf32>
    %broadcast_in_dim3A = vector.shape_cast %get3A_1 : vector<16x128xf32> to vector<16x1x128xf32>
    %broadcast_in_dim3A_2 = vector.broadcast %broadcast_in_dim3A : vector<16x1x128xf32> to vector<16x64x128xf32>
    %transpose3A = tpu.transpose %broadcast_in_dim3A_2, [0, 2, 1] : vector<16x64x128xf32> -> vector<16x128x64xf32>
    %reshape3A = vector.shape_cast %transpose3A : vector<16x128x64xf32> to vector<2048x64xf32>
    %get3A_3 = arith.constant 0 : index
    %get3A_4 = arith.constant 0 : index
    %get3A_5 = vector.load %arg1[%get3A_3, %get3A_4] : memref<2048x128xf32, #tpu.memory_space<vmem>>, vector<2048x128xf32>
    %slice3A = vector.extract_strided_slice %get3A_5 {offsets = [0, 0], sizes = [2048, 64], strides = [1, 1]} : vector<2048x128xf32> to vector<2048x64xf32>
    %slice3A_6 = vector.extract_strided_slice %get3A_5 {offsets = [0, 64], sizes = [2048, 64], strides = [1, 1]} : vector<2048x128xf32> to vector<2048x64xf32>
    %add3A = arith.addf %slice3A, %slice3A_6 : vector<2048x64xf32>
    %get3A_7 = arith.constant 0 : index
    %get3A_8 = arith.constant 0 : index
    %get3A_9 = vector.load %arg2[%get3A_7, %get3A_8] : memref<2048x64xf32, #tpu.memory_space<vmem>>, vector<2048x64xf32>
    %add3A_10 = arith.addf %add3A, %get3A_9 : vector<2048x64xf32>
    %mul3A = arith.mulf %reshape3A, %add3A_10 : vector<2048x64xf32>
    %get3A_11 = arith.constant 0 : index
    %get3A_12 = arith.constant 0 : index
    %get3A_13 = vector.load %arg4[%get3A_11, %get3A_12] : memref<1x64xf32, #tpu.memory_space<vmem>>, vector<1x64xf32>
    %add3A_14 = vector.broadcast %get3A_13 : vector<1x64xf32> to vector<2048x64xf32>
    %add3A_15 = arith.addf %mul3A, %add3A_14 : vector<2048x64xf32>
    %swap3A = arith.constant 0 : index
    %swap3A_16 = arith.constant 0 : index
    %swap3A_17 = vector.load %arg5[%swap3A, %swap3A_16] : memref<2048x64xf32, #tpu.memory_space<vmem>>, vector<2048x64xf32>
    tpu.vector_store %arg5[%swap3A, %swap3A_16], %add3A_15 {strides = array<i32>} : memref<2048x64xf32, #tpu.memory_space<vmem>>, vector<2048x64xf32>,
    return
  }
  func.func @transform_0(%arg0: i32) -> (i32, i32) {
    %c0_i32 = arith.constant 0 : i32
    %c0_i32_0 = arith.constant 0 : i32
    return %arg0, %c0_i32 : i32, i32
  }
  func.func @transform_1(%arg0: i32) -> (i32, i32) {
    %c0_i32 = arith.constant 0 : i32
    %c0_i32_0 = arith.constant 0 : i32
    return %arg0, %c0_i32 : i32, i32
  }
  func.func @transform_2(%arg0: i32) -> (i32, i32) {
    %c0_i32 = arith.constant 0 : i32
    %c0_i32_0 = arith.constant 0 : i32
    return %arg0, %c0_i32 : i32, i32
  }
  func.func @transform_3(%arg0: i32) -> (i32, i32) {
    %c0_i32 = arith.constant 0 : i32
    %c0_i32_0 = arith.constant 0 : i32
    %c0_i32_1 = arith.constant 0 : i32
    return %c0_i32, %c0_i32_0 : i32, i32
  }
  func.func @transform_4(%arg0: i32) -> (i32, i32) {
    %c0_i32 = arith.constant 0 : i32
    %c0_i32_0 = arith.constant 0 : i32
    return %arg0, %c0_i32 : i32, i32
  }
}

</mosaic_0001>

<sc_bundles>
// kernel: kernel.12.cloned.1.call-start
scs
__scs_entry_jumppad:
0x0: {  	(pc) =	sbr.rel $0x88, $3  }
0x1: {  	(tag) =	ssettag $0x0;
	lr =	simm.s32 $0x1  }
0x2: {  	[smem:$0x3F9B] =	sst lr;
	_ =	strace $0xD0000000  }
0x3: {  	_ = 	snop  }
0x4: {  	_ = 	snop  }
0x5: {  	_ = 	snop  }
0x6: {  	_ = 	snop  }
0x7: {  	_ = 	snop  }
__scs_overlays_trampoline_lowered:
0x8: {  	[smem:$0x3FAA] =	sst s0  }
0x9: {  	[smem:$0x3FAB] =	sst s1  }
0xa: {  	[smem:$0x3FAC] =	sst s2  }
0xb: {  	[smem:$0x3FAD] =	sst s3  }
0xc: {  	[smem:$0x3FAE] =	sst s4  }
0xd: {  	[smem:$0x3FAF] =	sst s5  }
0xe: {  	[smem:$0x3FB0] =	sst s6  }
0xf: {  	[smem:$0x3FB1] =	sst s7  }
0x10: {  	[smem:$0x3FB2] =	sst s8  }
0x11: {  	[smem:$0x3FB3] =	sst s9;
	s0 =	simm.s32 @!p0 $0x0  }
0x12: {  	s1 =	sld [smem:$0x3F99];
	s0 =	simm.s32 @p0 $0x1  }
0x13: {  	[smem:$0x3FB4] =	sst s0;
	s0 =	simm.s32 @!p1 $0x0  }
0x14: {  	s2 =	sld [smem:$0x3F98];
	s0 =	simm.s32 @p1 $0x1  }
0x15: {  	[smem:$0x3FB5] =	sst s0;
	s0 =	simm.s32 @!p2 $0x0  }
0x16: {  	s3 =	sld [smem:$0x3FDB];
	s0 =	simm.s32 @p2 $0x1  }
0x17: {  	s4 =	simm.s32 $0x1BF5;
	[smem:$0x3FB7] =	sst s0  }
0x18: {  	s0 =	sld [smem:$0x3F9A];
	_ =	swait.ge [sflag:s4], $0x0  }
0x19: {  	s7 =	sld [smem:$0x3F9B]  }
0x1a: {  	s8 =	sadd.s32 $0xFFFFE003, lr  }
0x1b: {  	s9 =	sadd.s32 $0xFFFFFEF7, lr;
	s5 =	simm.s32 $0xFFFFFFFF;
	p2 =	slt.u32 s8, $0xFFFFF086  }
0x1c: {  	p1 =	slt.u32 s9, $0xF7A;
	s5 =	simm.s32 @!p2 $0x0  }
0x1d: {  	s5 =	simm.s32 @p1 $0x1;
	p0 =	seq.s32 s7, s2  }
0x1e: {  	s7 =	smul.u32 @!p0 $0xF7A, s2;
	p2 =	seq.s32 @!p0 s5, $0x0  }
0x1f: {  	s9 =	smul.u32 $0xF7A, s1;
	s8 =	simm.s32 @!p0 $0x1BF5;
	p2 =	por !p2, p0  }
0x20: {  	[sflag:s8] =	ssyncset.s32 @!p0 $0xFFFFF086;
	s6 =	sadd.s32 @!p0 s3, s7;
	s7 =	simm.s32 @!p0 $0x108  }
0x21: {  	s3 =	sadd.s32 s3, s9;
	s6 =	sadd.s32 @!p0 $0x88, s6;
	s7 =	simm.s32 @p2 $0x1082  }
0x22: {  	[simem:s7], [sflag:s8] =	dma.local @!p0 [hbm:s6], $0xF7A  }
0x23: {  	s9 =	sor.u32 $0xD0000000, s2;
	s6 =	simm.s32 $0x108;
	_ =	swait.ge @!p0 [sflag:s8], $0x0  }
0x24: {  	s3 =	sadd.s32 $0x88, s3;
	s6 =	simm.s32 @!p1 $0x1082;
	[sflag:s4] =	ssyncset.s32 $0xFFFFF086  }
0x25: {  	[simem:s6], [sflag:s4] =	dma.local [hbm:s3], $0xF7A  }
0x26: {  	[smem:$0x3F9B] =	sst s1;
	(tag) =	ssettag s2;
	_ =	strace s9  }
0x27: {  	s1 =	sld [smem:$0x3FAB]  }
0x28: {  	s2 =	sld [smem:$0x3FAC]  }
0x29: {  	s4 =	sld [smem:$0x3FAE]  }
0x2a: {  	p0 =	seq.s32 s5, $0x0;
	s5 =	sld [smem:$0x3FAF]  }
0x2b: {  	s6 =	sld [smem:$0x3FB0]  }
0x2c: {  	s7 =	sld [smem:$0x3FB1]  }
0x2d: {  	s3 =	simm.s32 $0x108;
	s8 =	sld [smem:$0x3FB2]  }
0x2e: {  	s3 =	simm.s32 @!p0 $0x1082;
	s9 =	sld [smem:$0x3FB3]  }
0x2f: {  	lr =	sadd.s32 s0, s3;
	s0 =	sld [smem:$0x3FAA]  }
0x30: {  	s3 =	sld [smem:$0x3FAD]  }
0x31: {  	[smem:$0x3FB6] =	sst s10  }
0x32: {  	s10 =	sld [smem:$0x3FB4];
	_ =	sdelay $0x3  }
0x33: {  	p0 =	seq.s32 s10, $0x1;
	s10 =	sld [smem:$0x3FB6];
	_ =	sdelay $0x3  }
0x34: {  	[smem:$0x3FB6] =	sst s10  }
0x35: {  	s10 =	sld [smem:$0x3FB5];
	_ =	sdelay $0x3  }
0x36: {  	p1 =	seq.s32 s10, $0x1;
	s10 =	sld [smem:$0x3FB6];
	_ =	sdelay $0x3  }
0x37: {  	[smem:$0x3FB6] =	sst s10  }
0x38: {  	s10 =	sld [smem:$0x3FB7]  }
0x39: {  	_ = 	snop;
	(pc) =	sbr.ind lr, $3  }
0x3a: {  	_ = 	snop  }
0x3b: {  	_ = 	snop  }
0x3c: {  	p2 =	seq.s32 s10, $0x1;
	s10 =	sld [smem:$0x3FB6]  }
0x3d: {  	_ =	shalt  }
0x3e: {  	_ =	shalt  }
0x3f: {  	_ =	shalt  }
0x40: {  	_ =	shalt  }
0x41: {  	_ =	shalt  }
0x42: {  	_ =	shalt  }
0x43: {  	_ =	shalt  }
0x44: {  	_ =	shalt  }
0x45: {  	_ =	shalt  }
0x46: {  	_ =	shalt  }
0x47: {  	_ =	shalt  }
0x48: {  	_ =	shalt  }
0x49: {  	_ =	shalt  }
0x4a: {  	_ =	shalt  }
0x4b: {  	_ =	shalt  }
0x4c: {  	_ =	shalt  }
0x4d: {  	_ =	shalt  }
0x4e: {  	_ =	shalt  }
0x4f: {  	_ =	shalt  }
0x50: {  	_ =	shalt  }
0x51: {  	_ =	shalt  }
0x52: {  	_ =	shalt  }
0x53: {  	_ =	shalt  }
0x54: {  	_ =	shalt  }
0x55: {  	_ =	shalt  }
0x56: {  	_ =	shalt  }
0x57: {  	_ =	shalt  }
0x58: {  	_ =	shalt  }
0x59: {  	_ =	shalt  }
0x5a: {  	_ =	shalt  }
0x5b: {  	_ =	shalt  }
0x5c: {  	_ =	shalt  }
0x5d: {  	_ =	shalt  }
0x5e: {  	_ =	shalt  }
0x5f: {  	_ =	shalt  }
0x60: {  	_ =	shalt  }
0x61: {  	_ =	shalt  }
0x62: {  	_ =	shalt  }
0x63: {  	_ =	shalt  }
0x64: {  	_ =	shalt  }
0x65: {  	_ =	shalt  }
0x66: {  	_ =	shalt  }
0x67: {  	_ =	shalt  }
0x68: {  	_ =	shalt  }
0x69: {  	_ =	shalt  }
0x6a: {  	_ =	shalt  }
0x6b: {  	_ =	shalt  }
0x6c: {  	_ =	shalt  }
0x6d: {  	_ =	shalt  }
0x6e: {  	_ =	shalt  }
0x6f: {  	_ =	shalt  }
0x70: {  	_ =	shalt  }
0x71: {  	_ =	shalt  }
0x72: {  	_ =	shalt  }
0x73: {  	_ =	shalt  }
0x74: {  	_ =	shalt  }
0x75: {  	_ =	shalt  }
0x76: {  	_ =	shalt  }
0x77: {  	_ =	shalt  }
0x78: {  	_ =	shalt  }
0x79: {  	_ =	shalt  }
0x7a: {  	_ =	shalt  }
0x7b: {  	_ =	shalt  }
0x7c: {  	_ =	shalt  }
0x7d: {  	_ =	shalt  }
0x7e: {  	_ =	shalt  }
0x7f: {  	_ =	shalt  }
0x80: {  	_ =	shalt  }
0x81: {  	_ =	shalt  }
0x82: {  	_ =	shalt  }
0x83: {  	_ =	shalt  }
0x84: {  	_ =	shalt  }
0x85: {  	_ =	shalt  }
0x86: {  	_ =	shalt  }
0x87: {  	_ =	shalt  }
.Lfunc_end0:
.L_simem_size_0:
called_computation.1_lowered:
.L_overlay_start_0:
0x88: {  	s2 =	sld [smem:$0x3FD9]  }
0x89: {  	s3 =	sld [smem:$0x3FFE];
	_ =	sdelay $0x1  }
0x8a: {  	s1 =	srdreg.scid  }
0x8b: {  	s0 =	sand.u32 $0x1, s1  }
0x8c: {  	s17 =	sshll.u32 s0, $0xA;
	s2 =	sadd.s32 s3, s2  }
0x8d: {  	s2 =	sadd.s32 s2, s17  }
0x8e: {  	[smem:$0x3FC2] =	sst s2  }
0x8f: {  	_ = 	snop  }
0x90: {  	s2 =	sld [smem:$0x3FD0];
	(tm) =	ssettm $0x1  }
0x91: {  	s18 =	sld [smem:$0x3FFB];
	_ =	sdelay $0x3  }
0x92: {  	_ =	strace s18  }
0x93: {  	s3 =	sld [smem:$0x3FFC];
	_ =	sdelay $0x3  }
0x94: {  	_ =	strace s3  }
0x95: {  	s3 =	sld [smem:$0x3FFD];
	_ =	sdelay $0x3  }
0x96: {  	_ =	strace s3  }
0x97: {  	_ =	strace $0x8FFFFFFF  }
0x98: {  	s19 =	sld [smem:$0x3FDB];
	_ =	sdelay $0x1  }
0x99: {  	s4 =	simm.s32 $_scs_section_size  }
0x9a: {  	s5 =	simm.s32 $_size__tile_overlayer_lowered;
	s6 =	simm.s32 $_tile_overlayer_lowered  }
0x9b: {  	s22 =	simm.s32 $0x1BFF;
	s21 =	sshll.u32 s6, $0x1;
	s3 =	sadd.s32 s4, s19  }
0x9c: {  	s7 =	simm.s32 $0x0;
	s20 =	sshll.u32 s5, $0x1;
	s5 =	sadd.s32 s21, s3  }
0x9d: {  	[timem:s7], [sflag:s22] =	dma.local [hbm:s5], s20  }
0x9e: {  	_ =	swait.ge [sflag:s22], s20  }
0x9f: {  	s4 =	ssub.s32 $0x0, s20;
	[sflag:s22] =	ssyncset.done $0x0  }
0xa0: {  	[sflag:s22] =	ssyncadd.s32 s4;
	_ =	sdelay $0x1  }
0xa1: {  	s23 =	simm.s32 $0x1B8B  }
0xa2: {  	_ =	swait.ge [sflag:s23], $0x1  }
0xa3: {  	[sflag:s23] =	ssyncset.done $0x0  }
0xa4: {  	s25 =	simm.s32 $0x1B8E;
	s24 =	sld [smem:$0x3FFE];
	[sflag:s23] =	ssyncadd.s32 $0xFFFFFFFF  }
0xa5: {  	s26 =	simm.s32 $execute0_lowered;
	[smem:$0x3FD2] =	sst s25  }
0xa6: {  	s5 =	sshll.u32 s26, $0x1;
	_ =	strace $0x80000049;
	[dreg:$0x1] =	wrdreg $0xFFFFFFFF  }
0xa7: {  	s28 =	simm.s32 $_size_execute0_lowered;
	s3 =	sadd.s32 s3, s5;
	[dreg:$0x0] =	wrdreg $0x0  }
0xa8: {  	s5 =	sshll.u32 s28, $0x1;
	[dreg:$0x2] =	wrdreg s3  }
0xa9: {  	[dreg:$0x3] =	wrdreg s5  }
0xaa: {  	[dreg:$0x4] =	wrdreg $0xC0  }
0xab: {  	_ =	task [dreg:s7], $0x5FFFF  }
0xac: {  	[dreg:$0x1] =	wrdreg $0xFFFFFFFF  }
0xad: {  	[dreg:$0x0] =	wrdreg $0x60  }
0xae: {  	[dreg:$0x2] =	wrdreg s24  }
0xaf: {  	[dreg:$0x3] =	wrdreg s2  }
0xb0: {  	[dreg:$0x4] =	wrdreg $0xCE200  }
0xb1: {  	[dreg:$0x5] =	wrdreg $0x9  }
0xb2: {  	_ =	task.clear_ibuf [dreg:s7], $0x6FFFF;
	_ =	strace $0x90000049  }
0xb3: {  	s29 =	simm.s32 $0x9;
	_ =	strace $0x8000004B  }
0xb4: {  	_ =	swait.ge [sflag:s29], $0x1  }
0xb5: {  	[sflag:s29] =	ssyncadd.s32 $0xFFFFFFFF  }
0xb6: {  	_ =	strace $0x9000004B  }
0xb7: {  	_ =	sfence  }
0xb8: {  	s30 =	sld [smem:$0x0];
	_ =	sdelay $0x2  }
0xb9: {  	s31 =	sshll.u32 s1, $0xD;
	s1 =	sshrl.u32 s1, $0x2  }
0xba: {  	s3 =	sand.u32 $0x4000, s31;
	s1 =	sadd.s32 s1, s30  }
0xbb: {  	s0 =	sor.u32 s3, s0;
	s1 =	sshll.u32 s1, $0x11  }
0xbc: {  	s0 =	sor.u32 s1, s0  }
0xbd: {  	s0 =	sadd.s32 $0x8F2B, s0  }
0xbe: {  	[sflag:s0] =	ssyncadd.remote.s32 $0x1  }
0xbf: {  	_ =	sfence.sel $0xFFFF  }
0xc0: {  	[dreg:$0x0] =	wrdreg $0xFFFFFFFF;
	(pc) =	sbr.abs _section_cstart, $3  }
0xc1: {  	[dreg:$0x1] =	wrdreg $0xFFFFFFFF  }
0xc2: {  	_ =	task.clear_ibuf [dreg:s7], $0x2FFFF;
	_ =	strace $0x9FFFFFFF  }
0xc3: {  	(tm) =	ssettm $0x7FFFFFFF  }
tec
execute0_lowered:
.L_overlay_start_1:
0x0: {  	(tag) =	ssettag $0x1  }
0x1: {  	s0 =	rddreg [dreg:$0x0]  }
0x2: {  	s1 =	rddreg [dreg:$0x1]  }
0x3: {  	s2 =	rddreg [dreg:$0x2];
	s3 =	simm.s32 $0x0  }
0x4: {  	s5 =	srdreg.scid;
	s10 =	stileid.u32;
	s14 =	simm.s32 $0x9  }
0x5: {  	s16 =	simm.s32 $0x4E20;
	s17 =	simm.s32 $0x80;
	s18 =	simm.s32 $0x6E20  }
0x6: {  	s20 =	simm.s32 $0x8E20;
	s22 =	simm.s32 $0xAE20;
	s23 =	simm.s32 $0x1  }
0x7: {  	s28 =	simm.s32 $0x5;
	s29 =	simm.s32 $0x6;
	s30 =	simm.s32 $0x7  }
0x8: {  	s31 =	simm.s32 $0x8;
	s15 =	simm.s32 $0x10;
	[smem:$0x7FF] =	sst s3  }
0x9: {  	s6 =	sand.u32 $0x1, s5;
	s4 =	sshll.u32 s10, $0x1;
	s8 =	smul.u32 $0x28000, s10  }
0xa: {  	s5 =	sshll.u32 s5, $0x3;
	s26 =	smul.u32 $0x2800, s10;
	_ =	strace $0x8000004A  }
0xb: {  	s7 =	sor.u32 s6, s4;
	s4 =	sadd.s32 $0xBA00, s0;
	s6 =	ssub.s32 $0x2, s6  }
0xc: {  	s5 =	sand.u32 $0x8, s5;
	s7 =	smul.u32 $0x4E2, s7;
	s24 =	sshrl.u32 s6, $0x1  }
0xd: {  	s25 =	sshrl.u32 s8, $0x2;
	s12 =	ssub.s32 s6, s24;
	s24 =	simm.s32 $0x2  }
0xe: {  	s9 =	sadd.s32 s7, s0;
	s0 =	sadd.s32 s5, s0;
	s5 =	sadd.s32 s1, s7  }
0xf: {  	s7 =	sadd.s32 s25, s2;
	s12 =	smax.u32 s12, $0x1;
	s25 =	simm.s32 $0x3  }
0x10: {  	s1 =	simm.s32 $0x0;
	s6 =	sadd.s32 $0x1C00, s9;
	s8 =	sadd.s32 $0x2000, s7  }
0x11: {  	s9 =	sadd.s32 $0x4000, s7;
	s10 =	sadd.s32 $0x6000, s7;
	s0 =	sadd.s32 s26, s0  }
0x12: {  	v0 =	vimm.f32 $0.0e+00;
	s11 =	sadd.s32 $0x8000, s7;
	s26 =	simm.s32 $0x4;
	s13 =	sadd.s32 $0x1FA00, s0  }
.LBB2_1:
0x13: {  	[tilespmem:s3], [sflag:$0x9] =	stream.linear.gather [hbm4b:s5+s3], $0x2710, $0x38;
	[tilespmem:$0x16E20] =	vst v63  }
0x14: {  	_ =	swait.ge [sflag:s14], $0x2710  }
0x15: {  	[sflag:s14] =	ssyncset.done $0x0  }
0x16: {  	s0 =	simm.s32 $0x2710;
	[sflag:s14] =	ssyncadd.s32 $0xFFFFD8F0  }
0x17: {  	[tilespmem:s0], [sflag:$0x9] =	stream.linear.gather [hbm4b:s6+s3], $0x2710, $0x38;
	[tilespmem:$0x16E20] =	vst v63  }
0x18: {  	_ =	swait.ge [sflag:s14], $0x2710  }
0x19: {  	[sflag:s14] =	ssyncset.done $0x0  }
0x1a: {  	s21 =	simm.s32 $0x100;
	s19 =	simm.s32 $0x0;
	[sflag:s14] =	ssyncadd.s32 $0xFFFFD8F0  }
.LBB2_2:
0x1b: {  	p0 =	sne.s32 s21, $0x7F00;
	[tilespmem:s19+$0x4E50] =	vst v0;
	s0 =	smov.u32 s21;
	s21 =	sadd.s32 $0x100, s21  }
.Ltmp0:
0x1c: {  	[tilespmem:s19+$0x4E40] =	vst v0;
	(pc) =	sbr.rel @p0 .LBB2_2-.Ltmp0, $3  }
0x1d: {  	[tilespmem:s19+$0x4E20] =	vst v0  }
0x1e: {  	[tilespmem:s19+$0x4E30] =	vst v0;
	_ =	sdelay $0x1  }
0x1f: {  	s19 =	sshra.s32 s0, $0x2  }
0x20: {  	[tilespmem:s19+$0x4E50] =	vst v0  }
0x21: {  	[tilespmem:s19+$0x4E40] =	vst v0  }
0x22: {  	[tilespmem:s19+$0x4E20] =	vst v0  }
0x23: {  	[tilespmem:s19+$0x4E30] =	vst v0  }
0x24: {  	[spmem:s7] =	stream.linear.scatter [tilespmem:s16], [sflag:$0x9], $0x2000, $0x38;
	[tilespmem:$0x16E20] =	vst v63  }
0x25: {  	_ =	swait.ge [sflag:s14], $0x2000  }
0x26: {  	[sflag:s14] =	ssyncset.done $0x0  }
0x27: {  	[sflag:s14] =	ssyncadd.s32 $0xFFFFE000  }
0x28: {  	[spmem:s8] =	stream.linear.scatter [tilespmem:s16], [sflag:$0x9], $0x2000, $0x38;
	[tilespmem:$0x16E20] =	vst v63  }
0x29: {  	_ =	swait.ge [sflag:s14], $0x2000  }
0x2a: {  	[sflag:s14] =	ssyncset.done $0x0  }
0x2b: {  	[sflag:s14] =	ssyncadd.s32 $0xFFFFE000  }
0x2c: {  	[spmem:s9] =	stream.linear.scatter [tilespmem:s16], [sflag:$0x9], $0x2000, $0x38;
	[tilespmem:$0x16E20] =	vst v63  }
0x2d: {  	_ =	swait.ge [sflag:s14], $0x2000  }
0x2e: {  	[sflag:s14] =	ssyncset.done $0x0  }
0x2f: {  	[sflag:s14] =	ssyncadd.s32 $0xFFFFE000  }
0x30: {  	[spmem:s10] =	stream.linear.scatter [tilespmem:s16], [sflag:$0x9], $0x2000, $0x38;
	[tilespmem:$0x16E20] =	vst v63  }
0x31: {  	_ =	swait.ge [sflag:s14], $0x2000  }
0x32: {  	[sflag:s14] =	ssyncset.done $0x0  }
0x33: {  	[sflag:s14] =	ssyncadd.s32 $0xFFFFE000  }
0x34: {  	[spmem:s11] =	stream.linear.scatter [tilespmem:s16], [sflag:$0x9], $0x2000, $0x38;
	[tilespmem:$0x16E20] =	vst v63  }
0x35: {  	_ =	swait.ge [sflag:s14], $0x2000  }
0x36: {  	[sflag:s14] =	ssyncset.done $0x0  }
0x37: {  	[sflag:s14] =	ssyncadd.s32 $0xFFFFE000  }
0x38: {  	s0 =	simm.s32 $0x0;
	[bflag:$0x0] =	sbarrier.arrive $0xFFFF  }
0x39: {  	[tilespmem:s16], [sflag:$0x1] =	stream.indirect.gather [hbm4b:s4+s17], $0x40, s0, s17, $0xb8;
	[tilespmem:$0x16E20] =	vst v63  }
0x3a: {  	_ = 	snop  }
0x3b: {  	[tilespmem:s18], [sflag:$0x2] =	stream.indirect.gather [hbm4b:s4+s17], $0x40, s17, s17, $0xb8;
	[tilespmem:$0x16E20] =	vst v63  }
0x3c: {  	s21 =	simm.s32 $0x100  }
0x3d: {  	[tilespmem:s20], [sflag:$0x3] =	stream.indirect.gather [hbm4b:s4+s17], $0x40, s21, s17, $0xb8;
	[tilespmem:$0x16E20] =	vst v63  }
0x3e: {  	s19 =	simm.s32 $0x180  }
0x3f: {  	[tilespmem:s22], [sflag:$0x4] =	stream.indirect.gather [hbm4b:s4+s17], $0x40, s19, s17, $0xb8;
	[tilespmem:$0x16E20] =	vst v63  }
0x40: {  	_ =	swait.ge [sflag:s23], $0x2000  }
0x41: {  	[sflag:s23] =	ssyncset.done $0x0  }
0x42: {  	s21 =	simm.s32 $0x2710;
	[sflag:s23] =	ssyncadd.s32 $0xFFFFE000  }
0x43: {  	[spmem:s2] =	stream.indirect.scatter.add.f32 [tilespmem:s16], [sflag:$0x5], $0x40, s21, s17, $0xb8;
	[tilespmem:$0x16E20] =	vst v63  }
0x44: {  	_ =	swait.ge [sflag:s24], $0x2000  }
0x45: {  	[sflag:s24] =	ssyncset.done $0x0  }
0x46: {  	s19 =	simm.s32 $0x2790;
	[sflag:s24] =	ssyncadd.s32 $0xFFFFE000  }
0x47: {  	[spmem:s2] =	stream.indirect.scatter.add.f32 [tilespmem:s18], [sflag:$0x6], $0x40, s19, s17, $0xb8;
	[tilespmem:$0x16E20] =	vst v63  }
0x48: {  	_ =	swait.ge [sflag:s25], $0x2000  }
0x49: {  	[sflag:s25] =	ssyncset.done $0x0  }
0x4a: {  	s21 =	simm.s32 $0x2810;
	[sflag:s25] =	ssyncadd.s32 $0xFFFFE000  }
0x4b: {  	[spmem:s2] =	stream.indirect.scatter.add.f32 [tilespmem:s20], [sflag:$0x7], $0x40, s21, s17, $0xb8;
	[tilespmem:$0x16E20] =	vst v63  }
0x4c: {  	_ =	swait.ge [sflag:s26], $0x2000  }
0x4d: {  	[sflag:s26] =	ssyncset.done $0x0  }
0x4e: {  	s19 =	simm.s32 $0x2890;
	[sflag:s26] =	ssyncadd.s32 $0xFFFFE000  }
0x4f: {  	[spmem:s2] =	stream.indirect.scatter.add.f32 [tilespmem:s22], [sflag:$0x8], $0x40, s19, s17, $0xb8;
	[tilespmem:$0x16E20] =	vst v63  }
0x50: {  	_ =	swait.ge [sflag:s28], $0x2000  }
0x51: {  	[sflag:s28] =	ssyncset.done $0x0  }
0x52: {  	s21 =	simm.s32 $0x200;
	[sflag:s28] =	ssyncadd.s32 $0xFFFFE000  }
0x53: {  	[tilespmem:s16], [sflag:$0x1] =	stream.indirect.gather [hbm4b:s4+s17], $0x40, s21, s17, $0xb8;
	[tilespmem:$0x16E20] =	vst v63  }
0x54: {  	_ =	swait.ge [sflag:s29], $0x2000  }
0x55: {  	[sflag:s29] =	ssyncset.done $0x0  }
0x56: {  	s19 =	simm.s32 $0x280;
	[sflag:s29] =	ssyncadd.s32 $0xFFFFE000  }
0x57: {  	[tilespmem:s18], [sflag:$0x2] =	stream.indirect.gather [hbm4b:s4+s17], $0x40, s19, s17, $0xb8;
	[tilespmem:$0x16E20] =	vst v63  }
0x58: {  	_ =	swait.ge [sflag:s30], $0x2000  }
0x59: {  	[sflag:s30] =	ssyncset.done $0x0  }
0x5a: {  	s21 =	simm.s32 $0x300;
	[sflag:s30] =	ssyncadd.s32 $0xFFFFE000  }
0x5b: {  	[tilespmem:s20], [sflag:$0x3] =	stream.indirect.gather [hbm4b:s4+s17], $0x40, s21, s17, $0xb8;
	[tilespmem:$0x16E20] =	vst v63  }
0x5c: {  	_ =	swait.ge [sflag:s31], $0x2000  }
0x5d: {  	[sflag:s31] =	ssyncset.done $0x0  }
0x5e: {  	s19 =	simm.s32 $0x800;
	s21 =	simm.s32 $0x380;
	[sflag:s31] =	ssyncadd.s32 $0xFFFFE000  }
.LBB2_4:
0x5f: {  	[tilespmem:s22], [sflag:$0x4] =	stream.indirect.gather [hbm4b:s4+s17], $0x40, s21, s17, $0xb8;
	[tilespmem:$0x16E20] =	vst v63  }
0x60: {  	s0 =	smov.u32 s19  }
0x61: {  	p0 =	sne.s32 s19, $0x8800;
	s19 =	sadd.s32 $0x800, s19;
	_ =	swait.ge [sflag:s23], $0x2000  }
0x62: {  	s21 =	sshra.s32 s0, $0x2;
	[sflag:s23] =	ssyncset.done $0x0  }
0x63: {  	s0 =	sadd.s32 $0x2710, s21;
	[sflag:s23] =	ssyncadd.s32 $0xFFFFE000  }
0x64: {  	[spmem:s2] =	stream.indirect.scatter.add.f32 [tilespmem:s16], [sflag:$0x5], $0x40, s0, s17, $0xb8;
	[tilespmem:$0x16E20] =	vst v63  }
0x65: {  	_ =	swait.ge [sflag:s24], $0x2000  }
0x66: {  	[sflag:s24] =	ssyncset.done $0x0  }
0x67: {  	s0 =	sadd.s32 $0x2790, s21;
	[sflag:s24] =	ssyncadd.s32 $0xFFFFE000  }
0x68: {  	[spmem:s2] =	stream.indirect.scatter.add.f32 [tilespmem:s18], [sflag:$0x6], $0x40, s0, s17, $0xb8;
	[tilespmem:$0x16E20] =	vst v63  }
0x69: {  	_ =	swait.ge [sflag:s25], $0x2000  }
0x6a: {  	[sflag:s25] =	ssyncset.done $0x0  }
0x6b: {  	s0 =	sadd.s32 $0x2810, s21;
	[sflag:s25] =	ssyncadd.s32 $0xFFFFE000  }
0x6c: {  	[spmem:s2] =	stream.indirect.scatter.add.f32 [tilespmem:s20], [sflag:$0x7], $0x40, s0, s17, $0xb8;
	[tilespmem:$0x16E20] =	vst v63  }
0x6d: {  	_ =	swait.ge [sflag:s26], $0x2000  }
0x6e: {  	[sflag:s26] =	ssyncset.done $0x0  }
0x6f: {  	s0 =	sadd.s32 $0x2890, s21;
	[sflag:s26] =	ssyncadd.s32 $0xFFFFE000  }
0x70: {  	[spmem:s2] =	stream.indirect.scatter.add.f32 [tilespmem:s22], [sflag:$0x8], $0x40, s0, s17, $0xb8;
	[tilespmem:$0x16E20] =	vst v63  }
0x71: {  	_ =	swait.ge [sflag:s28], $0x2000  }
0x72: {  	[sflag:s28] =	ssyncset.done $0x0  }
0x73: {  	s0 =	sadd.s32 $0x200, s21;
	[sflag:s28] =	ssyncadd.s32 $0xFFFFE000  }
0x74: {  	[tilespmem:s16], [sflag:$0x1] =	stream.indirect.gather [hbm4b:s4+s17], $0x40, s0, s17, $0xb8;
	[tilespmem:$0x16E20] =	vst v63  }
0x75: {  	_ =	swait.ge [sflag:s29], $0x2000  }
0x76: {  	[sflag:s29] =	ssyncset.done $0x0  }
0x77: {  	s0 =	sadd.s32 $0x280, s21;
	[sflag:s29] =	ssyncadd.s32 $0xFFFFE000  }
0x78: {  	[tilespmem:s18], [sflag:$0x2] =	stream.indirect.gather [hbm4b:s4+s17], $0x40, s0, s17, $0xb8;
	[tilespmem:$0x16E20] =	vst v63  }
0x79: {  	_ =	swait.ge [sflag:s30], $0x2000  }
0x7a: {  	[sflag:s30] =	ssyncset.done $0x0  }
.Ltmp1:
0x7b: {  	s0 =	sadd.s32 $0x300, s21;
	[sflag:s30] =	ssyncadd.s32 $0xFFFFE000;
	(pc) =	sbr.rel @p0 .LBB2_4-.Ltmp1, $4  }
0x7c: {  	[tilespmem:s20], [sflag:$0x3] =	stream.indirect.gather [hbm4b:s4+s17], $0x40, s0, s17, $0xb8;
	[tilespmem:$0x16E20] =	vst v63  }
0x7d: {  	_ =	swait.ge [sflag:s31], $0x2000  }
0x7e: {  	[sflag:s31] =	ssyncset.done $0x0  }
0x7f: {  	s21 =	sadd.s32 $0x380, s21;
	[sflag:s31] =	ssyncadd.s32 $0xFFFFE000  }
0x80: {  	[tilespmem:s22], [sflag:$0x4] =	stream.indirect.gather [hbm4b:s4+s17], $0x40, s21, s17, $0xb8;
	[tilespmem:$0x16E20] =	vst v63  }
0x81: {  	_ =	swait.ge [sflag:s23], $0x2000  }
0x82: {  	[sflag:s23] =	ssyncset.done $0x0  }
0x83: {  	s0 =	simm.s32 $0x4B10;
	[sflag:s23] =	ssyncadd.s32 $0xFFFFE000  }
0x84: {  	[spmem:s2] =	stream.indirect.scatter.add.f32 [tilespmem:s16], [sflag:$0x5], $0x40, s0, s17, $0xb8;
	[tilespmem:$0x16E20] =	vst v63  }
0x85: {  	_ =	swait.ge [sflag:s24], $0x2000  }
0x86: {  	[sflag:s24] =	ssyncset.done $0x0  }
0x87: {  	s19 =	simm.s32 $0x4B90;
	[sflag:s24] =	ssyncadd.s32 $0xFFFFE000  }
0x88: {  	[spmem:s2] =	stream.indirect.scatter.add.f32 [tilespmem:s18], [sflag:$0x6], $0x40, s19, s17, $0xb8;
	[tilespmem:$0x16E20] =	vst v63  }
0x89: {  	_ =	swait.ge [sflag:s25], $0x2000  }
0x8a: {  	[sflag:s25] =	ssyncset.done $0x0  }
0x8b: {  	s21 =	simm.s32 $0x4C10;
	[sflag:s25] =	ssyncadd.s32 $0xFFFFE000  }
0x8c: {  	[spmem:s2] =	stream.indirect.scatter.add.f32 [tilespmem:s20], [sflag:$0x7], $0x40, s21, s17, $0xb8;
	[tilespmem:$0x16E20] =	vst v63  }
0x8d: {  	_ =	swait.ge [sflag:s26], $0x2000  }
0x8e: {  	[sflag:s26] =	ssyncset.done $0x0  }
0x8f: {  	s19 =	simm.s32 $0x4C90;
	[sflag:s26] =	ssyncadd.s32 $0xFFFFE000  }
0x90: {  	[spmem:s2] =	stream.indirect.scatter.add.f32 [tilespmem:s22], [sflag:$0x8], $0x40, s19, s17, $0xb8;
	[tilespmem:$0x16E20] =	vst v63  }
0x91: {  	_ =	swait.ge [sflag:s28], $0x2000  }
0x92: {  	[sflag:s28] =	ssyncset.done $0x0  }
0x93: {  	s21 =	simm.s32 $0x2600;
	[sflag:s28] =	ssyncadd.s32 $0xFFFFE000  }
0x94: {  	[tilespmem:s16], [sflag:$0x1] =	stream.indirect.gather [hbm4b:s4+s17], $0x40, s21, s17, $0xb8;
	[tilespmem:$0x16E20] =	vst v63  }
0x95: {  	_ =	swait.ge [sflag:s29], $0x2000  }
0x96: {  	[sflag:s29] =	ssyncset.done $0x0  }
0x97: {  	s19 =	simm.s32 $0x2680;
	[sflag:s29] =	ssyncadd.s32 $0xFFFFE000  }
0x98: {  	[tilespmem:s18], [sflag:$0x2] =	stream.indirect.gather [hbm4b:s4+s17], $0x40, s19, s17, $0xb8;
	[tilespmem:$0x16E20] =	vst v63  }
0x99: {  	_ =	swait.ge [sflag:s30], $0x2000  }
0x9a: {  	[sflag:s30] =	ssyncset.done $0x0  }
0x9b: {  	[sflag:s30] =	ssyncadd.s32 $0xFFFFE000  }
0x9c: {  	_ =	swait.ge [sflag:s31], $0x2000  }
0x9d: {  	[sflag:s31] =	ssyncset.done $0x0  }
0x9e: {  	s21 =	simm.s32 $0x2700;
	[sflag:s31] =	ssyncadd.s32 $0xFFFFE000  }
0x9f: {  	[tilespmem:s20], [sflag:$0x3] =	stream.indirect.gather [hbm4b:s4+s15], $0x40, s21, s15, $0xb8;
	[tilespmem:$0x16E20] =	vst v63  }
0xa0: {  	_ =	swait.ge [sflag:s23], $0x2000  }
0xa1: {  	[sflag:s23] =	ssyncset.done $0x0  }
0xa2: {  	s19 =	simm.s32 $0x4D10;
	[sflag:s23] =	ssyncadd.s32 $0xFFFFE000  }
0xa3: {  	[spmem:s2] =	stream.indirect.scatter.add.f32 [tilespmem:s16], [sflag:$0x5], $0x40, s19, s17, $0xb8;
	[tilespmem:$0x16E20] =	vst v63  }
0xa4: {  	_ =	swait.ge [sflag:s24], $0x2000  }
0xa5: {  	[sflag:s24] =	ssyncset.done $0x0  }
0xa6: {  	s21 =	simm.s32 $0x4D90;
	[sflag:s24] =	ssyncadd.s32 $0xFFFFE000  }
0xa7: {  	[spmem:s2] =	stream.indirect.scatter.add.f32 [tilespmem:s18], [sflag:$0x6], $0x40, s21, s17, $0xb8;
	[tilespmem:$0x16E20] =	vst v63  }
0xa8: {  	_ =	swait.ge [sflag:s25], $0x400  }
0xa9: {  	[sflag:s25] =	ssyncset.done $0x0  }
0xaa: {  	s19 =	simm.s32 $0x4E10;
	[sflag:s25] =	ssyncadd.s32 $0xFFFFFC00  }
0xab: {  	[spmem:s2] =	stream.indirect.scatter.add.f32 [tilespmem:s20], [sflag:$0x7], $0x40, s19, s15, $0xb8;
	[tilespmem:$0x16E20] =	vst v63  }
0xac: {  	_ =	swait.ge [sflag:s28], $0x2000  }
0xad: {  	[sflag:s28] =	ssyncset.done $0x0  }
0xae: {  	[sflag:s28] =	ssyncadd.s32 $0xFFFFE000  }
0xaf: {  	_ =	swait.ge [sflag:s29], $0x2000  }
0xb0: {  	[sflag:s29] =	ssyncset.done $0x0  }
0xb1: {  	[sflag:s29] =	ssyncadd.s32 $0xFFFFE000  }
0xb2: {  	s21 =	stileid.u32;
	_ =	swait.ge [sflag:s30], $0x400  }
0xb3: {  	s1 =	sadd.s32 $0x1, s1;
	s0 =	sshll.u32 s21, $0x6;
	[sflag:s30] =	ssyncset.done $0x0  }
0xb4: {  	p0 =	sne.s32 s1, s12;
	s0 =	sor.u32 $0x1C09, s0;
	[sflag:s30] =	ssyncadd.s32 $0xFFFFFC00  }
.Ltmp2:
0xb5: {  	s19 =	sshrl.u32 s7, $0x3;
	[bflag:$0x0] =	sbarrier.arrive $0xFFFF;
	(pc) =	sbr.rel @p0 .LBB2_1-.Ltmp2, $4  }
0xb6: {  	[hbm:s13@s15], [sflag:s0] =	dma.strided [spmem:s19@s31], $0x1400, s23, $0x8   }
0xb7: {  	_ =	swait.ge [sflag:s14], $0x1400  }
0xb8: {  	[sflag:s14] =	ssyncset.done $0x0  }
0xb9: {  	[sflag:s14] =	ssyncadd.s32 $0xFFFFEC00  }
0xba: {  	_ =	sfence.sel $0x180000  }
0xbb: {  	[bflag:$0x0] =	sbarrier.arrive $0xFFFF  }
0xbc: {  	_ =	strace $0x9000004A  }
0xbd: {  	s0 =	stileid.u32;
	[bflag:$0x2] =	sbarrier.arrive $0xFFFF  }
0xbe: {  	p0 =	sne.s32 s0, $0x0;
	s0 =	rddreg [dreg:$0x3]  }
0xbf: {  	s0 =	sadd.s32 @!p0 $0x100000, s0  }
0xc0: {  	[sflag:s0] =	ssyncadd.tile.s32 @!p0 $0x1;
	_ =	shalt  }
.Lfunc_end2:
_tile_overlayer_lowered:
.L_overlay_start_2:
0xc1: {  	(tag) =	ssettag $0x2  }
0xc2: {  	s0 =	rddreg [dreg:$0x0];
	s2 =	stileid.u32  }
0xc3: {  	s1 =	rddreg [dreg:$0x1];
	p0 =	sne.s32 s2, $0x0  }
0xc4: {  	s3 =	rddreg [dreg:$0x2];
	[bflag:$0x3] =	sbarrier.arrive $0xFFFF;
	s2 =	simm.s32 @!p0 $0x1C09  }
0xc5: {  	[timem:s3], [sflag:s2] =	dma.local @!p0 [hbm:s0], s1  }
0xc6: {  	s0 =	simm.s32 @!p0 $0x9  }
0xc7: {  	_ =	swait.ge @!p0 [sflag:s0], s1  }
0xc8: {  	s1 =	ssub.s32 @!p0 $0x0, s1;
	[sflag:s0] =	ssyncset.done @!p0 $0x0  }
0xc9: {  	[sflag:s0] =	ssyncadd.s32 @!p0 s1  }
0xca: {  	[bflag:$0x3] =	sbarrier.arrive $0xFFFF  }
0xcb: {  	_ =	shalt  }

// kernel: kernel.15.cloned.1.call-start
scs
__scs_entry_jumppad:
0x0: {  	(pc) =	sbr.rel $0x88, $3  }
0x1: {  	(tag) =	ssettag $0x0;
	lr =	simm.s32 $0x1  }
0x2: {  	[smem:$0x3F9B] =	sst lr;
	_ =	strace $0xD0000000  }
0x3: {  	_ = 	snop  }
0x4: {  	_ = 	snop  }
0x5: {  	_ = 	snop  }
0x6: {  	_ = 	snop  }
0x7: {  	_ = 	snop  }
__scs_overlays_trampoline_lowered:
0x8: {  	[smem:$0x3FAA] =	sst s0  }
0x9: {  	[smem:$0x3FAB] =	sst s1  }
0xa: {  	[smem:$0x3FAC] =	sst s2  }
0xb: {  	[smem:$0x3FAD] =	sst s3  }
0xc: {  	[smem:$0x3FAE] =	sst s4  }
0xd: {  	[smem:$0x3FAF] =	sst s5  }
0xe: {  	[smem:$0x3FB0] =	sst s6  }
0xf: {  	[smem:$0x3FB1] =	sst s7  }
0x10: {  	[smem:$0x3FB2] =	sst s8  }
0x11: {  	[smem:$0x3FB3] =	sst s9;
	s0 =	simm.s32 @!p0 $0x0  }
0x12: {  	s1 =	sld [smem:$0x3F99];
	s0 =	simm.s32 @p0 $0x1  }
0x13: {  	[smem:$0x3FB4] =	sst s0;
	s0 =	simm.s32 @!p1 $0x0  }
0x14: {  	s2 =	sld [smem:$0x3F98];
	s0 =	simm.s32 @p1 $0x1  }
0x15: {  	[smem:$0x3FB5] =	sst s0;
	s0 =	simm.s32 @!p2 $0x0  }
0x16: {  	s3 =	sld [smem:$0x3FDB];
	s0 =	simm.s32 @p2 $0x1  }
0x17: {  	s4 =	simm.s32 $0x1BF5;
	[smem:$0x3FB7] =	sst s0  }
0x18: {  	s0 =	sld [smem:$0x3F9A];
	_ =	swait.ge [sflag:s4], $0x0  }
0x19: {  	s7 =	sld [smem:$0x3F9B]  }
0x1a: {  	s8 =	sadd.s32 $0xFFFFE003, lr  }
0x1b: {  	s9 =	sadd.s32 $0xFFFFFEF7, lr;
	s5 =	simm.s32 $0xFFFFFFFF;
	p2 =	slt.u32 s8, $0xFFFFF086  }
0x1c: {  	p1 =	slt.u32 s9, $0xF7A;
	s5 =	simm.s32 @!p2 $0x0  }
0x1d: {  	s5 =	simm.s32 @p1 $0x1;
	p0 =	seq.s32 s7, s2  }
0x1e: {  	s7 =	smul.u32 @!p0 $0xF7A, s2;
	p2 =	seq.s32 @!p0 s5, $0x0  }
0x1f: {  	s9 =	smul.u32 $0xF7A, s1;
	s8 =	simm.s32 @!p0 $0x1BF5;
	p2 =	por !p2, p0  }
0x20: {  	[sflag:s8] =	ssyncset.s32 @!p0 $0xFFFFF086;
	s6 =	sadd.s32 @!p0 s3, s7;
	s7 =	simm.s32 @!p0 $0x108  }
0x21: {  	s3 =	sadd.s32 s3, s9;
	s6 =	sadd.s32 @!p0 $0x88, s6;
	s7 =	simm.s32 @p2 $0x1082  }
0x22: {  	[simem:s7], [sflag:s8] =	dma.local @!p0 [hbm:s6], $0xF7A  }
0x23: {  	s9 =	sor.u32 $0xD0000000, s2;
	s6 =	simm.s32 $0x108;
	_ =	swait.ge @!p0 [sflag:s8], $0x0  }
0x24: {  	s3 =	sadd.s32 $0x88, s3;
	s6 =	simm.s32 @!p1 $0x1082;
	[sflag:s4] =	ssyncset.s32 $0xFFFFF086  }
0x25: {  	[simem:s6], [sflag:s4] =	dma.local [hbm:s3], $0xF7A  }
0x26: {  	[smem:$0x3F9B] =	sst s1;
	(tag) =	ssettag s2;
	_ =	strace s9  }
0x27: {  	s1 =	sld [smem:$0x3FAB]  }
0x28: {  	s2 =	sld [smem:$0x3FAC]  }
0x29: {  	s4 =	sld [smem:$0x3FAE]  }
0x2a: {  	p0 =	seq.s32 s5, $0x0;
	s5 =	sld [smem:$0x3FAF]  }
0x2b: {  	s6 =	sld [smem:$0x3FB0]  }
0x2c: {  	s7 =	sld [smem:$0x3FB1]  }
0x2d: {  	s3 =	simm.s32 $0x108;
	s8 =	sld [smem:$0x3FB2]  }
0x2e: {  	s3 =	simm.s32 @!p0 $0x1082;
	s9 =	sld [smem:$0x3FB3]  }
0x2f: {  	lr =	sadd.s32 s0, s3;
	s0 =	sld [smem:$0x3FAA]  }
0x30: {  	s3 =	sld [smem:$0x3FAD]  }
0x31: {  	[smem:$0x3FB6] =	sst s10  }
0x32: {  	s10 =	sld [smem:$0x3FB4];
	_ =	sdelay $0x3  }
0x33: {  	p0 =	seq.s32 s10, $0x1;
	s10 =	sld [smem:$0x3FB6];
	_ =	sdelay $0x3  }
0x34: {  	[smem:$0x3FB6] =	sst s10  }
0x35: {  	s10 =	sld [smem:$0x3FB5];
	_ =	sdelay $0x3  }
0x36: {  	p1 =	seq.s32 s10, $0x1;
	s10 =	sld [smem:$0x3FB6];
	_ =	sdelay $0x3  }
0x37: {  	[smem:$0x3FB6] =	sst s10  }
0x38: {  	s10 =	sld [smem:$0x3FB7]  }
0x39: {  	_ = 	snop;
	(pc) =	sbr.ind lr, $3  }
0x3a: {  	_ = 	snop  }
0x3b: {  	_ = 	snop  }
0x3c: {  	p2 =	seq.s32 s10, $0x1;
	s10 =	sld [smem:$0x3FB6]  }
0x3d: {  	_ =	shalt  }
0x3e: {  	_ =	shalt  }
0x3f: {  	_ =	shalt  }
0x40: {  	_ =	shalt  }
0x41: {  	_ =	shalt  }
0x42: {  	_ =	shalt  }
0x43: {  	_ =	shalt  }
0x44: {  	_ =	shalt  }
0x45: {  	_ =	shalt  }
0x46: {  	_ =	shalt  }
0x47: {  	_ =	shalt  }
0x48: {  	_ =	shalt  }
0x49: {  	_ =	shalt  }
0x4a: {  	_ =	shalt  }
0x4b: {  	_ =	shalt  }
0x4c: {  	_ =	shalt  }
0x4d: {  	_ =	shalt  }
0x4e: {  	_ =	shalt  }
0x4f: {  	_ =	shalt  }
0x50: {  	_ =	shalt  }
0x51: {  	_ =	shalt  }
0x52: {  	_ =	shalt  }
0x53: {  	_ =	shalt  }
0x54: {  	_ =	shalt  }
0x55: {  	_ =	shalt  }
0x56: {  	_ =	shalt  }
0x57: {  	_ =	shalt  }
0x58: {  	_ =	shalt  }
0x59: {  	_ =	shalt  }
0x5a: {  	_ =	shalt  }
0x5b: {  	_ =	shalt  }
0x5c: {  	_ =	shalt  }
0x5d: {  	_ =	shalt  }
0x5e: {  	_ =	shalt  }
0x5f: {  	_ =	shalt  }
0x60: {  	_ =	shalt  }
0x61: {  	_ =	shalt  }
0x62: {  	_ =	shalt  }
0x63: {  	_ =	shalt  }
0x64: {  	_ =	shalt  }
0x65: {  	_ =	shalt  }
0x66: {  	_ =	shalt  }
0x67: {  	_ =	shalt  }
0x68: {  	_ =	shalt  }
0x69: {  	_ =	shalt  }
0x6a: {  	_ =	shalt  }
0x6b: {  	_ =	shalt  }
0x6c: {  	_ =	shalt  }
0x6d: {  	_ =	shalt  }
0x6e: {  	_ =	shalt  }
0x6f: {  	_ =	shalt  }
0x70: {  	_ =	shalt  }
0x71: {  	_ =	shalt  }
0x72: {  	_ =	shalt  }
0x73: {  	_ =	shalt  }
0x74: {  	_ =	shalt  }
0x75: {  	_ =	shalt  }
0x76: {  	_ =	shalt  }
0x77: {  	_ =	shalt  }
0x78: {  	_ =	shalt  }
0x79: {  	_ =	shalt  }
0x7a: {  	_ =	shalt  }
0x7b: {  	_ =	shalt  }
0x7c: {  	_ =	shalt  }
0x7d: {  	_ =	shalt  }
0x7e: {  	_ =	shalt  }
0x7f: {  	_ =	shalt  }
0x80: {  	_ =	shalt  }
0x81: {  	_ =	shalt  }
0x82: {  	_ =	shalt  }
0x83: {  	_ =	shalt  }
0x84: {  	_ =	shalt  }
0x85: {  	_ =	shalt  }
0x86: {  	_ =	shalt  }
0x87: {  	_ =	shalt  }
.Lfunc_end0:
.L_simem_size_0:
called_computation.2_lowered:
.L_overlay_start_0:
0x88: {  	s2 =	sld [smem:$0x3FD9]  }
0x89: {  	s3 =	sld [smem:$0x3FFE];
	_ =	sdelay $0x1  }
0x8a: {  	s1 =	srdreg.scid  }
0x8b: {  	s0 =	sand.u32 $0x1, s1  }
0x8c: {  	s17 =	sshll.u32 s0, $0xA;
	s2 =	sadd.s32 s3, s2  }
0x8d: {  	s2 =	sadd.s32 s2, s17  }
0x8e: {  	[smem:$0x3FC2] =	sst s2  }
0x8f: {  	_ = 	snop  }
0x90: {  	s2 =	sld [smem:$0x3FD0];
	(tm) =	ssettm $0x1  }
0x91: {  	s18 =	sld [smem:$0x3FFB];
	_ =	sdelay $0x3  }
0x92: {  	_ =	strace s18  }
0x93: {  	s3 =	sld [smem:$0x3FFC];
	_ =	sdelay $0x3  }
0x94: {  	_ =	strace s3  }
0x95: {  	s3 =	sld [smem:$0x3FFD];
	_ =	sdelay $0x3  }
0x96: {  	_ =	strace s3  }
0x97: {  	_ =	strace $0x8FFFFFFF  }
0x98: {  	s19 =	sld [smem:$0x3FDB];
	_ =	sdelay $0x1  }
0x99: {  	s4 =	simm.s32 $_scs_section_size  }
0x9a: {  	s5 =	simm.s32 $_size__tile_overlayer_lowered;
	s6 =	simm.s32 $_tile_overlayer_lowered  }
0x9b: {  	s22 =	simm.s32 $0x1BFF;
	s21 =	sshll.u32 s6, $0x1;
	s3 =	sadd.s32 s4, s19  }
0x9c: {  	s7 =	simm.s32 $0x0;
	s20 =	sshll.u32 s5, $0x1;
	s5 =	sadd.s32 s21, s3  }
0x9d: {  	[timem:s7], [sflag:s22] =	dma.local [hbm:s5], s20  }
0x9e: {  	_ =	swait.ge [sflag:s22], s20  }
0x9f: {  	s4 =	ssub.s32 $0x0, s20;
	[sflag:s22] =	ssyncset.done $0x0  }
0xa0: {  	[sflag:s22] =	ssyncadd.s32 s4;
	_ =	sdelay $0x1  }
0xa1: {  	s23 =	simm.s32 $0x1B8B  }
0xa2: {  	_ =	swait.ge [sflag:s23], $0x1  }
0xa3: {  	[sflag:s23] =	ssyncset.done $0x0  }
0xa4: {  	s25 =	simm.s32 $0x1B8E;
	s24 =	sld [smem:$0x3FFE];
	[sflag:s23] =	ssyncadd.s32 $0xFFFFFFFF  }
0xa5: {  	s26 =	simm.s32 $execute0_lowered;
	[smem:$0x3FD2] =	sst s25  }
0xa6: {  	s5 =	sshll.u32 s26, $0x1;
	_ =	strace $0x8000004C;
	[dreg:$0x1] =	wrdreg $0xFFFFFFFF  }
0xa7: {  	s28 =	simm.s32 $_size_execute0_lowered;
	s3 =	sadd.s32 s3, s5;
	[dreg:$0x0] =	wrdreg $0x0  }
0xa8: {  	s5 =	sshll.u32 s28, $0x1;
	[dreg:$0x2] =	wrdreg s3  }
0xa9: {  	[dreg:$0x3] =	wrdreg s5  }
0xaa: {  	[dreg:$0x4] =	wrdreg $0xC0  }
0xab: {  	_ =	task [dreg:s7], $0x5FFFF  }
0xac: {  	[dreg:$0x1] =	wrdreg $0xFFFFFFFF  }
0xad: {  	[dreg:$0x0] =	wrdreg $0x60  }
0xae: {  	[dreg:$0x2] =	wrdreg s24  }
0xaf: {  	[dreg:$0x3] =	wrdreg s2  }
0xb0: {  	[dreg:$0x4] =	wrdreg $0xCE200  }
0xb1: {  	[dreg:$0x5] =	wrdreg $0x9  }
0xb2: {  	_ =	task.clear_ibuf [dreg:s7], $0x6FFFF;
	_ =	strace $0x9000004C  }
0xb3: {  	s29 =	simm.s32 $0x9;
	_ =	strace $0x8000004E  }
0xb4: {  	_ =	swait.ge [sflag:s29], $0x1  }
0xb5: {  	[sflag:s29] =	ssyncadd.s32 $0xFFFFFFFF  }
0xb6: {  	_ =	strace $0x9000004E  }
0xb7: {  	_ =	sfence  }
0xb8: {  	s30 =	sld [smem:$0x0];
	_ =	sdelay $0x2  }
0xb9: {  	s31 =	sshll.u32 s1, $0xD;
	s1 =	sshrl.u32 s1, $0x2  }
0xba: {  	s3 =	sand.u32 $0x4000, s31;
	s1 =	sadd.s32 s1, s30  }
0xbb: {  	s0 =	sor.u32 s3, s0;
	s1 =	sshll.u32 s1, $0x11  }
0xbc: {  	s0 =	sor.u32 s1, s0  }
0xbd: {  	s0 =	sadd.s32 $0x8F2B, s0  }
0xbe: {  	[sflag:s0] =	ssyncadd.remote.s32 $0x1  }
0xbf: {  	_ =	sfence.sel $0xFFFF  }
0xc0: {  	[dreg:$0x0] =	wrdreg $0xFFFFFFFF;
	(pc) =	sbr.abs _section_cstart, $3  }
0xc1: {  	[dreg:$0x1] =	wrdreg $0xFFFFFFFF  }
0xc2: {  	_ =	task.clear_ibuf [dreg:s7], $0x2FFFF;
	_ =	strace $0x9FFFFFFF  }
0xc3: {  	(tm) =	ssettm $0x7FFFFFFF  }
tec
execute0_lowered:
.L_overlay_start_1:
0x0: {  	(tag) =	ssettag $0x1  }
0x1: {  	s0 =	rddreg [dreg:$0x0]  }
0x2: {  	s1 =	rddreg [dreg:$0x1]  }
0x3: {  	s2 =	rddreg [dreg:$0x2];
	s3 =	simm.s32 $0x0  }
0x4: {  	s5 =	srdreg.scid;
	s10 =	stileid.u32;
	s14 =	simm.s32 $0x9  }
0x5: {  	s16 =	simm.s32 $0x4E20;
	s17 =	simm.s32 $0x80;
	s18 =	simm.s32 $0x6E20  }
0x6: {  	s20 =	simm.s32 $0x8E20;
	s22 =	simm.s32 $0xAE20;
	s23 =	simm.s32 $0x1  }
0x7: {  	s28 =	simm.s32 $0x5;
	s29 =	simm.s32 $0x6;
	s30 =	simm.s32 $0x7  }
0x8: {  	s31 =	simm.s32 $0x8;
	s15 =	simm.s32 $0x10;
	[smem:$0x7FF] =	sst s3  }
0x9: {  	s6 =	sand.u32 $0x1, s5;
	s4 =	sshll.u32 s10, $0x1;
	s8 =	smul.u32 $0x28000, s10  }
0xa: {  	s5 =	sshll.u32 s5, $0x3;
	s26 =	smul.u32 $0x2800, s10;
	_ =	strace $0x8000004D  }
0xb: {  	s7 =	sor.u32 s6, s4;
	s4 =	sadd.s32 $0xBA00, s0;
	s6 =	ssub.s32 $0x2, s6  }
0xc: {  	s5 =	sand.u32 $0x8, s5;
	s7 =	smul.u32 $0x4E2, s7;
	s24 =	sshrl.u32 s6, $0x1  }
0xd: {  	s25 =	sshrl.u32 s8, $0x2;
	s12 =	ssub.s32 s6, s24;
	s24 =	simm.s32 $0x2  }
0xe: {  	s9 =	sadd.s32 s7, s0;
	s0 =	sadd.s32 s5, s0;
	s5 =	sadd.s32 s1, s7  }
0xf: {  	s7 =	sadd.s32 s25, s2;
	s12 =	smax.u32 s12, $0x1;
	s25 =	simm.s32 $0x3  }
0x10: {  	s1 =	simm.s32 $0x0;
	s6 =	sadd.s32 $0x1C00, s9;
	s8 =	sadd.s32 $0x2000, s7  }
0x11: {  	s9 =	sadd.s32 $0x4000, s7;
	s10 =	sadd.s32 $0x6000, s7;
	s0 =	sadd.s32 s26, s0  }
0x12: {  	v0 =	vimm.f32 $0.0e+00;
	s11 =	sadd.s32 $0x8000, s7;
	s26 =	simm.s32 $0x4;
	s13 =	sadd.s32 $0x1FA00, s0  }
.LBB2_1:
0x13: {  	[tilespmem:s3], [sflag:$0x9] =	stream.linear.gather [hbm4b:s5+s3], $0x2710, $0x38;
	[tilespmem:$0x16E20] =	vst v63  }
0x14: {  	_ =	swait.ge [sflag:s14], $0x2710  }
0x15: {  	[sflag:s14] =	ssyncset.done $0x0  }
0x16: {  	s0 =	simm.s32 $0x2710;
	[sflag:s14] =	ssyncadd.s32 $0xFFFFD8F0  }
0x17: {  	[tilespmem:s0], [sflag:$0x9] =	stream.linear.gather [hbm4b:s6+s3], $0x2710, $0x38;
	[tilespmem:$0x16E20] =	vst v63  }
0x18: {  	_ =	swait.ge [sflag:s14], $0x2710  }
0x19: {  	[sflag:s14] =	ssyncset.done $0x0  }
0x1a: {  	s21 =	simm.s32 $0x100;
	s19 =	simm.s32 $0x0;
	[sflag:s14] =	ssyncadd.s32 $0xFFFFD8F0  }
.LBB2_2:
0x1b: {  	p0 =	sne.s32 s21, $0x7F00;
	[tilespmem:s19+$0x4E50] =	vst v0;
	s0 =	smov.u32 s21;
	s21 =	sadd.s32 $0x100, s21  }
.Ltmp0:
0x1c: {  	[tilespmem:s19+$0x4E40] =	vst v0;
	(pc) =	sbr.rel @p0 .LBB2_2-.Ltmp0, $3  }
0x1d: {  	[tilespmem:s19+$0x4E20] =	vst v0  }
0x1e: {  	[tilespmem:s19+$0x4E30] =	vst v0;
	_ =	sdelay $0x1  }
0x1f: {  	s19 =	sshra.s32 s0, $0x2  }
0x20: {  	[tilespmem:s19+$0x4E50] =	vst v0  }
0x21: {  	[tilespmem:s19+$0x4E40] =	vst v0  }
0x22: {  	[tilespmem:s19+$0x4E20] =	vst v0  }
0x23: {  	[tilespmem:s19+$0x4E30] =	vst v0  }
0x24: {  	[spmem:s7] =	stream.linear.scatter [tilespmem:s16], [sflag:$0x9], $0x2000, $0x38;
	[tilespmem:$0x16E20] =	vst v63  }
0x25: {  	_ =	swait.ge [sflag:s14], $0x2000  }
0x26: {  	[sflag:s14] =	ssyncset.done $0x0  }
0x27: {  	[sflag:s14] =	ssyncadd.s32 $0xFFFFE000  }
0x28: {  	[spmem:s8] =	stream.linear.scatter [tilespmem:s16], [sflag:$0x9], $0x2000, $0x38;
	[tilespmem:$0x16E20] =	vst v63  }
0x29: {  	_ =	swait.ge [sflag:s14], $0x2000  }
0x2a: {  	[sflag:s14] =	ssyncset.done $0x0  }
0x2b: {  	[sflag:s14] =	ssyncadd.s32 $0xFFFFE000  }
0x2c: {  	[spmem:s9] =	stream.linear.scatter [tilespmem:s16], [sflag:$0x9], $0x2000, $0x38;
	[tilespmem:$0x16E20] =	vst v63  }
0x2d: {  	_ =	swait.ge [sflag:s14], $0x2000  }
0x2e: {  	[sflag:s14] =	ssyncset.done $0x0  }
0x2f: {  	[sflag:s14] =	ssyncadd.s32 $0xFFFFE000  }
0x30: {  	[spmem:s10] =	stream.linear.scatter [tilespmem:s16], [sflag:$0x9], $0x2000, $0x38;
	[tilespmem:$0x16E20] =	vst v63  }
0x31: {  	_ =	swait.ge [sflag:s14], $0x2000  }
0x32: {  	[sflag:s14] =	ssyncset.done $0x0  }
0x33: {  	[sflag:s14] =	ssyncadd.s32 $0xFFFFE000  }
0x34: {  	[spmem:s11] =	stream.linear.scatter [tilespmem:s16], [sflag:$0x9], $0x2000, $0x38;
	[tilespmem:$0x16E20] =	vst v63  }
0x35: {  	_ =	swait.ge [sflag:s14], $0x2000  }
0x36: {  	[sflag:s14] =	ssyncset.done $0x0  }
0x37: {  	[sflag:s14] =	ssyncadd.s32 $0xFFFFE000  }
0x38: {  	s0 =	simm.s32 $0x0;
	[bflag:$0x0] =	sbarrier.arrive $0xFFFF  }
0x39: {  	[tilespmem:s16], [sflag:$0x1] =	stream.indirect.gather [hbm4b:s4+s17], $0x40, s0, s17, $0xb8;
	[tilespmem:$0x16E20] =	vst v63  }
0x3a: {  	_ = 	snop  }
0x3b: {  	[tilespmem:s18], [sflag:$0x2] =	stream.indirect.gather [hbm4b:s4+s17], $0x40, s17, s17, $0xb8;
	[tilespmem:$0x16E20] =	vst v63  }
0x3c: {  	s21 =	simm.s32 $0x100  }
0x3d: {  	[tilespmem:s20], [sflag:$0x3] =	stream.indirect.gather [hbm4b:s4+s17], $0x40, s21, s17, $0xb8;
	[tilespmem:$0x16E20] =	vst v63  }
0x3e: {  	s19 =	simm.s32 $0x180  }
0x3f: {  	[tilespmem:s22], [sflag:$0x4] =	stream.indirect.gather [hbm4b:s4+s17], $0x40, s19, s17, $0xb8;
	[tilespmem:$0x16E20] =	vst v63  }
0x40: {  	_ =	swait.ge [sflag:s23], $0x2000  }
0x41: {  	[sflag:s23] =	ssyncset.done $0x0  }
0x42: {  	s21 =	simm.s32 $0x2710;
	[sflag:s23] =	ssyncadd.s32 $0xFFFFE000  }
0x43: {  	[spmem:s2] =	stream.indirect.scatter.add.f32 [tilespmem:s16], [sflag:$0x5], $0x40, s21, s17, $0xb8;
	[tilespmem:$0x16E20] =	vst v63  }
0x44: {  	_ =	swait.ge [sflag:s24], $0x2000  }
0x45: {  	[sflag:s24] =	ssyncset.done $0x0  }
0x46: {  	s19 =	simm.s32 $0x2790;
	[sflag:s24] =	ssyncadd.s32 $0xFFFFE000  }
0x47: {  	[spmem:s2] =	stream.indirect.scatter.add.f32 [tilespmem:s18], [sflag:$0x6], $0x40, s19, s17, $0xb8;
	[tilespmem:$0x16E20] =	vst v63  }
0x48: {  	_ =	swait.ge [sflag:s25], $0x2000  }
0x49: {  	[sflag:s25] =	ssyncset.done $0x0  }
0x4a: {  	s21 =	simm.s32 $0x2810;
	[sflag:s25] =	ssyncadd.s32 $0xFFFFE000  }
0x4b: {  	[spmem:s2] =	stream.indirect.scatter.add.f32 [tilespmem:s20], [sflag:$0x7], $0x40, s21, s17, $0xb8;
	[tilespmem:$0x16E20] =	vst v63  }
0x4c: {  	_ =	swait.ge [sflag:s26], $0x2000  }
0x4d: {  	[sflag:s26] =	ssyncset.done $0x0  }
0x4e: {  	s19 =	simm.s32 $0x2890;
	[sflag:s26] =	ssyncadd.s32 $0xFFFFE000  }
0x4f: {  	[spmem:s2] =	stream.indirect.scatter.add.f32 [tilespmem:s22], [sflag:$0x8], $0x40, s19, s17, $0xb8;
	[tilespmem:$0x16E20] =	vst v63  }
0x50: {  	_ =	swait.ge [sflag:s28], $0x2000  }
0x51: {  	[sflag:s28] =	ssyncset.done $0x0  }
0x52: {  	s21 =	simm.s32 $0x200;
	[sflag:s28] =	ssyncadd.s32 $0xFFFFE000  }
0x53: {  	[tilespmem:s16], [sflag:$0x1] =	stream.indirect.gather [hbm4b:s4+s17], $0x40, s21, s17, $0xb8;
	[tilespmem:$0x16E20] =	vst v63  }
0x54: {  	_ =	swait.ge [sflag:s29], $0x2000  }
0x55: {  	[sflag:s29] =	ssyncset.done $0x0  }
0x56: {  	s19 =	simm.s32 $0x280;
	[sflag:s29] =	ssyncadd.s32 $0xFFFFE000  }
0x57: {  	[tilespmem:s18], [sflag:$0x2] =	stream.indirect.gather [hbm4b:s4+s17], $0x40, s19, s17, $0xb8;
	[tilespmem:$0x16E20] =	vst v63  }
0x58: {  	_ =	swait.ge [sflag:s30], $0x2000  }
0x59: {  	[sflag:s30] =	ssyncset.done $0x0  }
0x5a: {  	s21 =	simm.s32 $0x300;
	[sflag:s30] =	ssyncadd.s32 $0xFFFFE000  }
0x5b: {  	[tilespmem:s20], [sflag:$0x3] =	stream.indirect.gather [hbm4b:s4+s17], $0x40, s21, s17, $0xb8;
	[tilespmem:$0x16E20] =	vst v63  }
0x5c: {  	_ =	swait.ge [sflag:s31], $0x2000  }
0x5d: {  	[sflag:s31] =	ssyncset.done $0x0  }
0x5e: {  	s19 =	simm.s32 $0x800;
	s21 =	simm.s32 $0x380;
	[sflag:s31] =	ssyncadd.s32 $0xFFFFE000  }
.LBB2_4:
0x5f: {  	[tilespmem:s22], [sflag:$0x4] =	stream.indirect.gather [hbm4b:s4+s17], $0x40, s21, s17, $0xb8;
	[tilespmem:$0x16E20] =	vst v63  }
0x60: {  	s0 =	smov.u32 s19  }
0x61: {  	p0 =	sne.s32 s19, $0x8800;
	s19 =	sadd.s32 $0x800, s19;
	_ =	swait.ge [sflag:s23], $0x2000  }
0x62: {  	s21 =	sshra.s32 s0, $0x2;
	[sflag:s23] =	ssyncset.done $0x0  }
0x63: {  	s0 =	sadd.s32 $0x2710, s21;
	[sflag:s23] =	ssyncadd.s32 $0xFFFFE000  }
0x64: {  	[spmem:s2] =	stream.indirect.scatter.add.f32 [tilespmem:s16], [sflag:$0x5], $0x40, s0, s17, $0xb8;
	[tilespmem:$0x16E20] =	vst v63  }
0x65: {  	_ =	swait.ge [sflag:s24], $0x2000  }
0x66: {  	[sflag:s24] =	ssyncset.done $0x0  }
0x67: {  	s0 =	sadd.s32 $0x2790, s21;
	[sflag:s24] =	ssyncadd.s32 $0xFFFFE000  }
0x68: {  	[spmem:s2] =	stream.indirect.scatter.add.f32 [tilespmem:s18], [sflag:$0x6], $0x40, s0, s17, $0xb8;
	[tilespmem:$0x16E20] =	vst v63  }
0x69: {  	_ =	swait.ge [sflag:s25], $0x2000  }
0x6a: {  	[sflag:s25] =	ssyncset.done $0x0  }
0x6b: {  	s0 =	sadd.s32 $0x2810, s21;
	[sflag:s25] =	ssyncadd.s32 $0xFFFFE000  }
0x6c: {  	[spmem:s2] =	stream.indirect.scatter.add.f32 [tilespmem:s20], [sflag:$0x7], $0x40, s0, s17, $0xb8;
	[tilespmem:$0x16E20] =	vst v63  }
0x6d: {  	_ =	swait.ge [sflag:s26], $0x2000  }
0x6e: {  	[sflag:s26] =	ssyncset.done $0x0  }
0x6f: {  	s0 =	sadd.s32 $0x2890, s21;
	[sflag:s26] =	ssyncadd.s32 $0xFFFFE000  }
0x70: {  	[spmem:s2] =	stream.indirect.scatter.add.f32 [tilespmem:s22], [sflag:$0x8], $0x40, s0, s17, $0xb8;
	[tilespmem:$0x16E20] =	vst v63  }
0x71: {  	_ =	swait.ge [sflag:s28], $0x2000  }
0x72: {  	[sflag:s28] =	ssyncset.done $0x0  }
0x73: {  	s0 =	sadd.s32 $0x200, s21;
	[sflag:s28] =	ssyncadd.s32 $0xFFFFE000  }
0x74: {  	[tilespmem:s16], [sflag:$0x1] =	stream.indirect.gather [hbm4b:s4+s17], $0x40, s0, s17, $0xb8;
	[tilespmem:$0x16E20] =	vst v63  }
0x75: {  	_ =	swait.ge [sflag:s29], $0x2000  }
0x76: {  	[sflag:s29] =	ssyncset.done $0x0  }
0x77: {  	s0 =	sadd.s32 $0x280, s21;
	[sflag:s29] =	ssyncadd.s32 $0xFFFFE000  }
0x78: {  	[tilespmem:s18], [sflag:$0x2] =	stream.indirect.gather [hbm4b:s4+s17], $0x40, s0, s17, $0xb8;
	[tilespmem:$0x16E20] =	vst v63  }
0x79: {  	_ =	swait.ge [sflag:s30], $0x2000  }
0x7a: {  	[sflag:s30] =	ssyncset.done $0x0  }
.Ltmp1:
0x7b: {  	s0 =	sadd.s32 $0x300, s21;
	[sflag:s30] =	ssyncadd.s32 $0xFFFFE000;
	(pc) =	sbr.rel @p0 .LBB2_4-.Ltmp1, $4  }
0x7c: {  	[tilespmem:s20], [sflag:$0x3] =	stream.indirect.gather [hbm4b:s4+s17], $0x40, s0, s17, $0xb8;
	[tilespmem:$0x16E20] =	vst v63  }
0x7d: {  	_ =	swait.ge [sflag:s31], $0x2000  }
0x7e: {  	[sflag:s31] =	ssyncset.done $0x0  }
0x7f: {  	s21 =	sadd.s32 $0x380, s21;
	[sflag:s31] =	ssyncadd.s32 $0xFFFFE000  }
0x80: {  	[tilespmem:s22], [sflag:$0x4] =	stream.indirect.gather [hbm4b:s4+s17], $0x40, s21, s17, $0xb8;
	[tilespmem:$0x16E20] =	vst v63  }
0x81: {  	_ =	swait.ge [sflag:s23], $0x2000  }
0x82: {  	[sflag:s23] =	ssyncset.done $0x0  }
0x83: {  	s0 =	simm.s32 $0x4B10;
	[sflag:s23] =	ssyncadd.s32 $0xFFFFE000  }
0x84: {  	[spmem:s2] =	stream.indirect.scatter.add.f32 [tilespmem:s16], [sflag:$0x5], $0x40, s0, s17, $0xb8;
	[tilespmem:$0x16E20] =	vst v63  }
0x85: {  	_ =	swait.ge [sflag:s24], $0x2000  }
0x86: {  	[sflag:s24] =	ssyncset.done $0x0  }
0x87: {  	s19 =	simm.s32 $0x4B90;
	[sflag:s24] =	ssyncadd.s32 $0xFFFFE000  }
0x88: {  	[spmem:s2] =	stream.indirect.scatter.add.f32 [tilespmem:s18], [sflag:$0x6], $0x40, s19, s17, $0xb8;
	[tilespmem:$0x16E20] =	vst v63  }
0x89: {  	_ =	swait.ge [sflag:s25], $0x2000  }
0x8a: {  	[sflag:s25] =	ssyncset.done $0x0  }
0x8b: {  	s21 =	simm.s32 $0x4C10;
	[sflag:s25] =	ssyncadd.s32 $0xFFFFE000  }
0x8c: {  	[spmem:s2] =	stream.indirect.scatter.add.f32 [tilespmem:s20], [sflag:$0x7], $0x40, s21, s17, $0xb8;
	[tilespmem:$0x16E20] =	vst v63  }
0x8d: {  	_ =	swait.ge [sflag:s26], $0x2000  }
0x8e: {  	[sflag:s26] =	ssyncset.done $0x0  }
0x8f: {  	s19 =	simm.s32 $0x4C90;
	[sflag:s26] =	ssyncadd.s32 $0xFFFFE000  }
0x90: {  	[spmem:s2] =	stream.indirect.scatter.add.f32 [tilespmem:s22], [sflag:$0x8], $0x40, s19, s17, $0xb8;
	[tilespmem:$0x16E20] =	vst v63  }
0x91: {  	_ =	swait.ge [sflag:s28], $0x2000  }
0x92: {  	[sflag:s28] =	ssyncset.done $0x0  }
0x93: {  	s21 =	simm.s32 $0x2600;
	[sflag:s28] =	ssyncadd.s32 $0xFFFFE000  }
0x94: {  	[tilespmem:s16], [sflag:$0x1] =	stream.indirect.gather [hbm4b:s4+s17], $0x40, s21, s17, $0xb8;
	[tilespmem:$0x16E20] =	vst v63  }
0x95: {  	_ =	swait.ge [sflag:s29], $0x2000  }
0x96: {  	[sflag:s29] =	ssyncset.done $0x0  }
0x97: {  	s19 =	simm.s32 $0x2680;
	[sflag:s29] =	ssyncadd.s32 $0xFFFFE000  }
0x98: {  	[tilespmem:s18], [sflag:$0x2] =	stream.indirect.gather [hbm4b:s4+s17], $0x40, s19, s17, $0xb8;
	[tilespmem:$0x16E20] =	vst v63  }
0x99: {  	_ =	swait.ge [sflag:s30], $0x2000  }
0x9a: {  	[sflag:s30] =	ssyncset.done $0x0  }
0x9b: {  	[sflag:s30] =	ssyncadd.s32 $0xFFFFE000  }
0x9c: {  	_ =	swait.ge [sflag:s31], $0x2000  }
0x9d: {  	[sflag:s31] =	ssyncset.done $0x0  }
0x9e: {  	s21 =	simm.s32 $0x2700;
	[sflag:s31] =	ssyncadd.s32 $0xFFFFE000  }
0x9f: {  	[tilespmem:s20], [sflag:$0x3] =	stream.indirect.gather [hbm4b:s4+s15], $0x40, s21, s15, $0xb8;
	[tilespmem:$0x16E20] =	vst v63  }
0xa0: {  	_ =	swait.ge [sflag:s23], $0x2000  }
0xa1: {  	[sflag:s23] =	ssyncset.done $0x0  }
0xa2: {  	s19 =	simm.s32 $0x4D10;
	[sflag:s23] =	ssyncadd.s32 $0xFFFFE000  }
0xa3: {  	[spmem:s2] =	stream.indirect.scatter.add.f32 [tilespmem:s16], [sflag:$0x5], $0x40, s19, s17, $0xb8;
	[tilespmem:$0x16E20] =	vst v63  }
0xa4: {  	_ =	swait.ge [sflag:s24], $0x2000  }
0xa5: {  	[sflag:s24] =	ssyncset.done $0x0  }
0xa6: {  	s21 =	simm.s32 $0x4D90;
	[sflag:s24] =	ssyncadd.s32 $0xFFFFE000  }
0xa7: {  	[spmem:s2] =	stream.indirect.scatter.add.f32 [tilespmem:s18], [sflag:$0x6], $0x40, s21, s17, $0xb8;
	[tilespmem:$0x16E20] =	vst v63  }
0xa8: {  	_ =	swait.ge [sflag:s25], $0x400  }
0xa9: {  	[sflag:s25] =	ssyncset.done $0x0  }
0xaa: {  	s19 =	simm.s32 $0x4E10;
	[sflag:s25] =	ssyncadd.s32 $0xFFFFFC00  }
0xab: {  	[spmem:s2] =	stream.indirect.scatter.add.f32 [tilespmem:s20], [sflag:$0x7], $0x40, s19, s15, $0xb8;
	[tilespmem:$0x16E20] =	vst v63  }
0xac: {  	_ =	swait.ge [sflag:s28], $0x2000  }
0xad: {  	[sflag:s28] =	ssyncset.done $0x0  }
0xae: {  	[sflag:s28] =	ssyncadd.s32 $0xFFFFE000  }
0xaf: {  	_ =	swait.ge [sflag:s29], $0x2000  }
0xb0: {  	[sflag:s29] =	ssyncset.done $0x0  }
0xb1: {  	[sflag:s29] =	ssyncadd.s32 $0xFFFFE000  }
0xb2: {  	s21 =	stileid.u32;
	_ =	swait.ge [sflag:s30], $0x400  }
0xb3: {  	s1 =	sadd.s32 $0x1, s1;
	s0 =	sshll.u32 s21, $0x6;
	[sflag:s30] =	ssyncset.done $0x0  }
0xb4: {  	p0 =	sne.s32 s1, s12;
	s0 =	sor.u32 $0x1C09, s0;
	[sflag:s30] =	ssyncadd.s32 $0xFFFFFC00  }
.Ltmp2:
0xb5: {  	s19 =	sshrl.u32 s7, $0x3;
	[bflag:$0x0] =	sbarrier.arrive $0xFFFF;
	(pc) =	sbr.rel @p0 .LBB2_1-.Ltmp2, $4  }
0xb6: {  	[hbm:s13@s15], [sflag:s0] =	dma.strided [spmem:s19@s31], $0x1400, s23, $0x8   }
0xb7: {  	_ =	swait.ge [sflag:s14], $0x1400  }
0xb8: {  	[sflag:s14] =	ssyncset.done $0x0  }
0xb9: {  	[sflag:s14] =	ssyncadd.s32 $0xFFFFEC00  }
0xba: {  	_ =	sfence.sel $0x180000  }
0xbb: {  	[bflag:$0x0] =	sbarrier.arrive $0xFFFF  }
0xbc: {  	_ =	strace $0x9000004D  }
0xbd: {  	s0 =	stileid.u32;
	[bflag:$0x2] =	sbarrier.arrive $0xFFFF  }
0xbe: {  	p0 =	sne.s32 s0, $0x0;
	s0 =	rddreg [dreg:$0x3]  }
0xbf: {  	s0 =	sadd.s32 @!p0 $0x100000, s0  }
0xc0: {  	[sflag:s0] =	ssyncadd.tile.s32 @!p0 $0x1;
	_ =	shalt  }
.Lfunc_end2:
_tile_overlayer_lowered:
.L_overlay_start_2:
0xc1: {  	(tag) =	ssettag $0x2  }
0xc2: {  	s0 =	rddreg [dreg:$0x0];
	s2 =	stileid.u32  }
0xc3: {  	s1 =	rddreg [dreg:$0x1];
	p0 =	sne.s32 s2, $0x0  }
0xc4: {  	s3 =	rddreg [dreg:$0x2];
	[bflag:$0x3] =	sbarrier.arrive $0xFFFF;
	s2 =	simm.s32 @!p0 $0x1C09  }
0xc5: {  	[timem:s3], [sflag:s2] =	dma.local @!p0 [hbm:s0], s1  }
0xc6: {  	s0 =	simm.s32 @!p0 $0x9  }
0xc7: {  	_ =	swait.ge @!p0 [sflag:s0], s1  }
0xc8: {  	s1 =	ssub.s32 @!p0 $0x0, s1;
	[sflag:s0] =	ssyncset.done @!p0 $0x0  }
0xc9: {  	[sflag:s0] =	ssyncadd.s32 @!p0 s1  }
0xca: {  	[bflag:$0x3] =	sbarrier.arrive $0xFFFF  }
0xcb: {  	_ =	shalt  }

// kernel: kernel.9.cloned.1.call-start
scs
__scs_entry_jumppad:
0x0: {  	(pc) =	sbr.rel $0x88, $3  }
0x1: {  	(tag) =	ssettag $0x0;
	lr =	simm.s32 $0x1  }
0x2: {  	[smem:$0x3F9B] =	sst lr;
	_ =	strace $0xD0000000  }
0x3: {  	_ = 	snop  }
0x4: {  	_ = 	snop  }
0x5: {  	_ = 	snop  }
0x6: {  	_ = 	snop  }
0x7: {  	_ = 	snop  }
__scs_overlays_trampoline_lowered:
0x8: {  	[smem:$0x3FAA] =	sst s0  }
0x9: {  	[smem:$0x3FAB] =	sst s1  }
0xa: {  	[smem:$0x3FAC] =	sst s2  }
0xb: {  	[smem:$0x3FAD] =	sst s3  }
0xc: {  	[smem:$0x3FAE] =	sst s4  }
0xd: {  	[smem:$0x3FAF] =	sst s5  }
0xe: {  	[smem:$0x3FB0] =	sst s6  }
0xf: {  	[smem:$0x3FB1] =	sst s7  }
0x10: {  	[smem:$0x3FB2] =	sst s8  }
0x11: {  	[smem:$0x3FB3] =	sst s9;
	s0 =	simm.s32 @!p0 $0x0  }
0x12: {  	s1 =	sld [smem:$0x3F99];
	s0 =	simm.s32 @p0 $0x1  }
0x13: {  	[smem:$0x3FB4] =	sst s0;
	s0 =	simm.s32 @!p1 $0x0  }
0x14: {  	s2 =	sld [smem:$0x3F98];
	s0 =	simm.s32 @p1 $0x1  }
0x15: {  	[smem:$0x3FB5] =	sst s0;
	s0 =	simm.s32 @!p2 $0x0  }
0x16: {  	s3 =	sld [smem:$0x3FDB];
	s0 =	simm.s32 @p2 $0x1  }
0x17: {  	s4 =	simm.s32 $0x1BF5;
	[smem:$0x3FB7] =	sst s0  }
0x18: {  	s0 =	sld [smem:$0x3F9A];
	_ =	swait.ge [sflag:s4], $0x0  }
0x19: {  	s7 =	sld [smem:$0x3F9B]  }
0x1a: {  	s8 =	sadd.s32 $0xFFFFE003, lr  }
0x1b: {  	s9 =	sadd.s32 $0xFFFFFEF7, lr;
	s5 =	simm.s32 $0xFFFFFFFF;
	p2 =	slt.u32 s8, $0xFFFFF086  }
0x1c: {  	p1 =	slt.u32 s9, $0xF7A;
	s5 =	simm.s32 @!p2 $0x0  }
0x1d: {  	s5 =	simm.s32 @p1 $0x1;
	p0 =	seq.s32 s7, s2  }
0x1e: {  	s7 =	smul.u32 @!p0 $0xF7A, s2;
	p2 =	seq.s32 @!p0 s5, $0x0  }
0x1f: {  	s9 =	smul.u32 $0xF7A, s1;
	s8 =	simm.s32 @!p0 $0x1BF5;
	p2 =	por !p2, p0  }
0x20: {  	[sflag:s8] =	ssyncset.s32 @!p0 $0xFFFFF086;
	s6 =	sadd.s32 @!p0 s3, s7;
	s7 =	simm.s32 @!p0 $0x108  }
0x21: {  	s3 =	sadd.s32 s3, s9;
	s6 =	sadd.s32 @!p0 $0x88, s6;
	s7 =	simm.s32 @p2 $0x1082  }
0x22: {  	[simem:s7], [sflag:s8] =	dma.local @!p0 [hbm:s6], $0xF7A  }
0x23: {  	s9 =	sor.u32 $0xD0000000, s2;
	s6 =	simm.s32 $0x108;
	_ =	swait.ge @!p0 [sflag:s8], $0x0  }
0x24: {  	s3 =	sadd.s32 $0x88, s3;
	s6 =	simm.s32 @!p1 $0x1082;
	[sflag:s4] =	ssyncset.s32 $0xFFFFF086  }
0x25: {  	[simem:s6], [sflag:s4] =	dma.local [hbm:s3], $0xF7A  }
0x26: {  	[smem:$0x3F9B] =	sst s1;
	(tag) =	ssettag s2;
	_ =	strace s9  }
0x27: {  	s1 =	sld [smem:$0x3FAB]  }
0x28: {  	s2 =	sld [smem:$0x3FAC]  }
0x29: {  	s4 =	sld [smem:$0x3FAE]  }
0x2a: {  	p0 =	seq.s32 s5, $0x0;
	s5 =	sld [smem:$0x3FAF]  }
0x2b: {  	s6 =	sld [smem:$0x3FB0]  }
0x2c: {  	s7 =	sld [smem:$0x3FB1]  }
0x2d: {  	s3 =	simm.s32 $0x108;
	s8 =	sld [smem:$0x3FB2]  }
0x2e: {  	s3 =	simm.s32 @!p0 $0x1082;
	s9 =	sld [smem:$0x3FB3]  }
0x2f: {  	lr =	sadd.s32 s0, s3;
	s0 =	sld [smem:$0x3FAA]  }
0x30: {  	s3 =	sld [smem:$0x3FAD]  }
0x31: {  	[smem:$0x3FB6] =	sst s10  }
0x32: {  	s10 =	sld [smem:$0x3FB4];
	_ =	sdelay $0x3  }
0x33: {  	p0 =	seq.s32 s10, $0x1;
	s10 =	sld [smem:$0x3FB6];
	_ =	sdelay $0x3  }
0x34: {  	[smem:$0x3FB6] =	sst s10  }
0x35: {  	s10 =	sld [smem:$0x3FB5];
	_ =	sdelay $0x3  }
0x36: {  	p1 =	seq.s32 s10, $0x1;
	s10 =	sld [smem:$0x3FB6];
	_ =	sdelay $0x3  }
0x37: {  	[smem:$0x3FB6] =	sst s10  }
0x38: {  	s10 =	sld [smem:$0x3FB7]  }
0x39: {  	_ = 	snop;
	(pc) =	sbr.ind lr, $3  }
0x3a: {  	_ = 	snop  }
0x3b: {  	_ = 	snop  }
0x3c: {  	p2 =	seq.s32 s10, $0x1;
	s10 =	sld [smem:$0x3FB6]  }
0x3d: {  	_ =	shalt  }
0x3e: {  	_ =	shalt  }
0x3f: {  	_ =	shalt  }
0x40: {  	_ =	shalt  }
0x41: {  	_ =	shalt  }
0x42: {  	_ =	shalt  }
0x43: {  	_ =	shalt  }
0x44: {  	_ =	shalt  }
0x45: {  	_ =	shalt  }
0x46: {  	_ =	shalt  }
0x47: {  	_ =	shalt  }
0x48: {  	_ =	shalt  }
0x49: {  	_ =	shalt  }
0x4a: {  	_ =	shalt  }
0x4b: {  	_ =	shalt  }
0x4c: {  	_ =	shalt  }
0x4d: {  	_ =	shalt  }
0x4e: {  	_ =	shalt  }
0x4f: {  	_ =	shalt  }
0x50: {  	_ =	shalt  }
0x51: {  	_ =	shalt  }
0x52: {  	_ =	shalt  }
0x53: {  	_ =	shalt  }
0x54: {  	_ =	shalt  }
0x55: {  	_ =	shalt  }
0x56: {  	_ =	shalt  }
0x57: {  	_ =	shalt  }
0x58: {  	_ =	shalt  }
0x59: {  	_ =	shalt  }
0x5a: {  	_ =	shalt  }
0x5b: {  	_ =	shalt  }
0x5c: {  	_ =	shalt  }
0x5d: {  	_ =	shalt  }
0x5e: {  	_ =	shalt  }
0x5f: {  	_ =	shalt  }
0x60: {  	_ =	shalt  }
0x61: {  	_ =	shalt  }
0x62: {  	_ =	shalt  }
0x63: {  	_ =	shalt  }
0x64: {  	_ =	shalt  }
0x65: {  	_ =	shalt  }
0x66: {  	_ =	shalt  }
0x67: {  	_ =	shalt  }
0x68: {  	_ =	shalt  }
0x69: {  	_ =	shalt  }
0x6a: {  	_ =	shalt  }
0x6b: {  	_ =	shalt  }
0x6c: {  	_ =	shalt  }
0x6d: {  	_ =	shalt  }
0x6e: {  	_ =	shalt  }
0x6f: {  	_ =	shalt  }
0x70: {  	_ =	shalt  }
0x71: {  	_ =	shalt  }
0x72: {  	_ =	shalt  }
0x73: {  	_ =	shalt  }
0x74: {  	_ =	shalt  }
0x75: {  	_ =	shalt  }
0x76: {  	_ =	shalt  }
0x77: {  	_ =	shalt  }
0x78: {  	_ =	shalt  }
0x79: {  	_ =	shalt  }
0x7a: {  	_ =	shalt  }
0x7b: {  	_ =	shalt  }
0x7c: {  	_ =	shalt  }
0x7d: {  	_ =	shalt  }
0x7e: {  	_ =	shalt  }
0x7f: {  	_ =	shalt  }
0x80: {  	_ =	shalt  }
0x81: {  	_ =	shalt  }
0x82: {  	_ =	shalt  }
0x83: {  	_ =	shalt  }
0x84: {  	_ =	shalt  }
0x85: {  	_ =	shalt  }
0x86: {  	_ =	shalt  }
0x87: {  	_ =	shalt  }
.Lfunc_end0:
.L_simem_size_0:
called_computation_lowered:
.L_overlay_start_0:
0x88: {  	s2 =	sld [smem:$0x3FD9]  }
0x89: {  	s3 =	sld [smem:$0x3FFE];
	_ =	sdelay $0x1  }
0x8a: {  	s1 =	srdreg.scid  }
0x8b: {  	s0 =	sand.u32 $0x1, s1  }
0x8c: {  	s16 =	sshll.u32 s0, $0xA;
	s2 =	sadd.s32 s3, s2  }
0x8d: {  	s2 =	sadd.s32 s2, s16  }
0x8e: {  	[smem:$0x3FC2] =	sst s2  }
0x8f: {  	_ = 	snop  }
0x90: {  	(tm) =	ssettm $0x1  }
0x91: {  	s17 =	sld [smem:$0x3FFB];
	_ =	sdelay $0x3  }
0x92: {  	_ =	strace s17  }
0x93: {  	s2 =	sld [smem:$0x3FFC];
	_ =	sdelay $0x3  }
0x94: {  	_ =	strace s2  }
0x95: {  	s2 =	sld [smem:$0x3FFD];
	_ =	sdelay $0x3  }
0x96: {  	_ =	strace s2  }
0x97: {  	_ =	strace $0x8FFFFFFF  }
0x98: {  	s18 =	sld [smem:$0x3FDB];
	_ =	sdelay $0x1  }
0x99: {  	s19 =	simm.s32 $_scs_section_size  }
0x9a: {  	s4 =	simm.s32 $_size__tile_overlayer_lowered;
	s5 =	simm.s32 $_tile_overlayer_lowered  }
0x9b: {  	s22 =	simm.s32 $0x1BFF;
	s21 =	sshll.u32 s5, $0x1;
	s2 =	sadd.s32 s19, s18  }
0x9c: {  	s6 =	simm.s32 $0x0;
	s20 =	sshll.u32 s4, $0x1;
	s4 =	sadd.s32 s21, s2  }
0x9d: {  	[timem:s6], [sflag:s22] =	dma.local [hbm:s4], s20  }
0x9e: {  	_ =	swait.ge [sflag:s22], s20  }
0x9f: {  	s3 =	ssub.s32 $0x0, s20;
	[sflag:s22] =	ssyncset.done $0x0  }
0xa0: {  	[sflag:s22] =	ssyncadd.s32 s3;
	_ =	sdelay $0x1  }
0xa1: {  	s23 =	simm.s32 $0x1B8B  }
0xa2: {  	_ =	swait.ge [sflag:s23], $0x1  }
0xa3: {  	[sflag:s23] =	ssyncset.done $0x0  }
0xa4: {  	s25 =	simm.s32 $0x1B8E;
	s24 =	sld [smem:$0x3FFE];
	[sflag:s23] =	ssyncadd.s32 $0xFFFFFFFF  }
0xa5: {  	s26 =	simm.s32 $execute0_lowered;
	[smem:$0x3FD2] =	sst s25  }
0xa6: {  	s4 =	sshll.u32 s26, $0x1;
	_ =	strace $0x80000046;
	[dreg:$0x1] =	wrdreg $0xFFFFFFFF  }
0xa7: {  	s28 =	simm.s32 $_size_execute0_lowered;
	s2 =	sadd.s32 s2, s4;
	[dreg:$0x0] =	wrdreg $0x0  }
0xa8: {  	s4 =	sshll.u32 s28, $0x1;
	[dreg:$0x2] =	wrdreg s2  }
0xa9: {  	[dreg:$0x3] =	wrdreg s4  }
0xaa: {  	[dreg:$0x4] =	wrdreg $0xC0  }
0xab: {  	_ =	task [dreg:s6], $0x5FFFF  }
0xac: {  	[dreg:$0x1] =	wrdreg $0xFFFFFFFF  }
0xad: {  	[dreg:$0x0] =	wrdreg $0x60  }
0xae: {  	[dreg:$0x2] =	wrdreg s24  }
0xaf: {  	[dreg:$0x3] =	wrdreg $0x2A100  }
0xb0: {  	[dreg:$0x4] =	wrdreg $0x9  }
0xb1: {  	_ =	task.clear_ibuf [dreg:s6], $0x5FFFF;
	_ =	strace $0x90000046  }
0xb2: {  	s29 =	simm.s32 $0x9;
	_ =	strace $0x80000048  }
0xb3: {  	_ =	swait.ge [sflag:s29], $0x1  }
0xb4: {  	[sflag:s29] =	ssyncadd.s32 $0xFFFFFFFF  }
0xb5: {  	_ =	strace $0x90000048  }
0xb6: {  	_ =	sfence  }
0xb7: {  	s30 =	sld [smem:$0x0];
	_ =	sdelay $0x2  }
0xb8: {  	s31 =	sshll.u32 s1, $0xD;
	s1 =	sshrl.u32 s1, $0x2  }
0xb9: {  	s3 =	sand.u32 $0x4000, s31;
	s1 =	sadd.s32 s1, s30  }
0xba: {  	s0 =	sor.u32 s3, s0;
	s1 =	sshll.u32 s1, $0x11  }
0xbb: {  	s0 =	sor.u32 s1, s0  }
0xbc: {  	s0 =	sadd.s32 $0x8F2B, s0  }
0xbd: {  	[sflag:s0] =	ssyncadd.remote.s32 $0x1  }
0xbe: {  	_ =	sfence.sel $0xFFFF  }
0xbf: {  	[dreg:$0x0] =	wrdreg $0xFFFFFFFF;
	(pc) =	sbr.abs _section_cstart, $3  }
0xc0: {  	[dreg:$0x1] =	wrdreg $0xFFFFFFFF  }
0xc1: {  	_ =	task.clear_ibuf [dreg:s6], $0x2FFFF;
	_ =	strace $0x9FFFFFFF  }
0xc2: {  	(tm) =	ssettm $0x7FFFFFFF  }
0xc3: {  	_ =	shalt  }
tec
execute0_lowered:
.L_overlay_start_1:
0x0: {  	(tag) =	ssettag $0x1  }
0x1: {  	s0 =	srdreg.scid  }
0x2: {  	s13 =	stileid.u32;
	s3 =	rddreg [dreg:$0x0]  }
0x3: {  	s1 =	rddreg [dreg:$0x1];
	s2 =	simm.s32 $0x0;
	s9 =	simm.s32 $0x80  }
0x4: {  	s10 =	simm.s32 $0x2710;
	s11 =	simm.s32 $0x1;
	s12 =	simm.s32 $0x2  }
0x5: {  	s14 =	simm.s32 $0x10;
	s15 =	simm.s32 $0x2700;
	s17 =	simm.s32 $0x0  }
0x6: {  	s4 =	sand.u32 $0x1, s0;
	s29 =	sshll.u32 s13, $0x1;
	s0 =	rddreg [dreg:$0x2]  }
0x7: {  	[smem:$0x7FF] =	sst s2;
	s7 =	smul.u32 $0xA00, s13;
	p0 =	sne.s32 s13, $0x0  }
0x8: {  	s13 =	simm.s32 $0x2680;
	s5 =	sor.u32 s4, s29;
	s6 =	smul.u32 $0x500, s4  }
0x9: {  	_ =	strace $0x80000047;
	s4 =	ssub.s32 $0x2, s4;
	s5 =	smul.u32 $0x4E2, s5  }
0xa: {  	s16 =	sshrl.u32 @!p0 s1, $0x3;
	s30 =	sshrl.u32 s4, $0x1;
	s31 =	sshrl.u32 s7, $0x2  }
0xb: {  	s7 =	simm.s32 $0x3;
	s6 =	sadd.s32 s6, s3;
	s5 =	sadd.s32 s5, s3  }
0xc: {  	s8 =	ssub.s32 s4, s30;
	s4 =	sadd.s32 s31, s1;
	s3 =	sadd.s32 $0x1C00, s5  }
0xd: {  	v0 =	vimm.f32 $1.000000000e+00;
	v1 =	vimm.f32 $0.0e+00;
	s5 =	sadd.s32 $0xBA00, s6;
	s6 =	smax.u32 s8, $0x1;
	s8 =	simm.s32 $0x2790  }
.LBB2_1:
0xe: {  	[tilespmem:s2], [sflag:$0x3] =	stream.linear.gather [hbm4b:s3+s2], $0x2710, $0x38;
	[tilespmem:$0x2C90] =	vst v63  }
0xf: {  	_ =	swait.ge [sflag:s7], $0x2710  }
0x10: {  	[sflag:s7] =	ssyncset.done $0x0  }
0x11: {  	[sflag:s7] =	ssyncadd.s32 $0xFFFFD8F0  }
0x12: {  	[tilespmem:$0x2710] =	vst v0  }
0x13: {  	[tilespmem:$0x2720] =	vst v0  }
0x14: {  	[tilespmem:$0x2730] =	vst v0  }
0x15: {  	[tilespmem:$0x2740] =	vst v0  }
0x16: {  	[tilespmem:$0x2750] =	vst v0  }
0x17: {  	[tilespmem:$0x2760] =	vst v0  }
0x18: {  	[tilespmem:$0x2770] =	vst v0  }
0x19: {  	[tilespmem:$0x2780] =	vst v0  }
0x1a: {  	[tilespmem:$0x2790] =	vst v1  }
0x1b: {  	[tilespmem:$0x27A0] =	vst v1  }
0x1c: {  	[tilespmem:$0x27B0] =	vst v1  }
0x1d: {  	[tilespmem:$0x27C0] =	vst v1  }
0x1e: {  	[tilespmem:$0x27D0] =	vst v1  }
0x1f: {  	[tilespmem:$0x27E0] =	vst v1  }
0x20: {  	[tilespmem:$0x27F0] =	vst v1  }
0x21: {  	[tilespmem:$0x2800] =	vst v1  }
0x22: {  	[tilespmem:$0x2810] =	vst v1  }
0x23: {  	[tilespmem:$0x2820] =	vst v1  }
0x24: {  	[tilespmem:$0x2830] =	vst v1  }
0x25: {  	[tilespmem:$0x2840] =	vst v1  }
0x26: {  	[tilespmem:$0x2850] =	vst v1  }
0x27: {  	[tilespmem:$0x2860] =	vst v1  }
0x28: {  	[tilespmem:$0x2870] =	vst v1  }
0x29: {  	[tilespmem:$0x2880] =	vst v1  }
0x2a: {  	[tilespmem:$0x2890] =	vst v1  }
0x2b: {  	[tilespmem:$0x28A0] =	vst v1  }
0x2c: {  	[tilespmem:$0x28B0] =	vst v1  }
0x2d: {  	[tilespmem:$0x28C0] =	vst v1  }
0x2e: {  	[tilespmem:$0x28D0] =	vst v1  }
0x2f: {  	[tilespmem:$0x28E0] =	vst v1  }
0x30: {  	[tilespmem:$0x28F0] =	vst v1  }
0x31: {  	[tilespmem:$0x2900] =	vst v1  }
0x32: {  	[tilespmem:$0x2910] =	vst v1  }
0x33: {  	[tilespmem:$0x2920] =	vst v1  }
0x34: {  	[tilespmem:$0x2930] =	vst v1  }
0x35: {  	[tilespmem:$0x2940] =	vst v1  }
0x36: {  	[tilespmem:$0x2950] =	vst v1  }
0x37: {  	[tilespmem:$0x2960] =	vst v1  }
0x38: {  	[tilespmem:$0x2970] =	vst v1  }
0x39: {  	[tilespmem:$0x2980] =	vst v1  }
0x3a: {  	[tilespmem:$0x2990] =	vst v1  }
0x3b: {  	[tilespmem:$0x29A0] =	vst v1  }
0x3c: {  	[tilespmem:$0x29B0] =	vst v1  }
0x3d: {  	[tilespmem:$0x29C0] =	vst v1  }
0x3e: {  	[tilespmem:$0x29D0] =	vst v1  }
0x3f: {  	[tilespmem:$0x29E0] =	vst v1  }
0x40: {  	[tilespmem:$0x29F0] =	vst v1  }
0x41: {  	[tilespmem:$0x2A00] =	vst v1  }
0x42: {  	[spmem:s4] =	stream.linear.scatter [tilespmem:s8], [sflag:$0x3], $0x280, $0x38;
	[tilespmem:$0x2C90] =	vst v63  }
0x43: {  	_ =	swait.ge [sflag:s7], $0x280  }
0x44: {  	[sflag:s7] =	ssyncset.done $0x0  }
0x45: {  	[sflag:s7] =	ssyncadd.s32 $0xFFFFFD80  }
0x46: {  	[bflag:$0x0] =	sbarrier.arrive $0xFFFF  }
0x47: {  	[spmem:s1] =	stream.indirect.scatter.add.f32 [tilespmem:s10], [sflag:$0x1], $0x1, s2, s9, $0xb8;
	[tilespmem:$0x2C90] =	vst v63  }
0x48: {  	s18 =	simm.s32 $0x80  }
0x49: {  	[spmem:s1] =	stream.indirect.scatter.add.f32 [tilespmem:s10], [sflag:$0x2], $0x1, s18, s9, $0xb8;
	[tilespmem:$0x2C90] =	vst v63  }
0x4a: {  	_ =	swait.ge [sflag:s11], $0x80  }
0x4b: {  	[sflag:s11] =	ssyncset.done $0x0  }
0x4c: {  	s31 =	simm.s32 $0x100;
	[sflag:s11] =	ssyncadd.s32 $0xFFFFFF80  }
0x4d: {  	[spmem:s1] =	stream.indirect.scatter.add.f32 [tilespmem:s10], [sflag:$0x1], $0x1, s31, s9, $0xb8;
	[tilespmem:$0x2C90] =	vst v63  }
0x4e: {  	_ =	swait.ge [sflag:s12], $0x80  }
0x4f: {  	s19 =	simm.s32 $0xFFFF7000;
	s18 =	simm.s32 $0xFFFFDB00;
	[sflag:s12] =	ssyncset.done $0x0  }
.LBB2_2:
0x50: {  	s20 =	sadd.s32 $0x2680, s18  }
0x51: {  	[sflag:s12] =	ssyncadd.s32 $0xFFFFFF80;
	s21 =	smov.u32 s19;
	s22 =	sadd.s32 $0x400, s19  }
0x52: {  	[spmem:s1] =	stream.indirect.scatter.add.f32 [tilespmem:s10], [sflag:$0x2], $0x1, s20, s9, $0xb8;
	[tilespmem:$0x2C90] =	vst v63  }
0x53: {  	p1 =	sne.s32 s19, $0xFFFFFC00;
	_ =	swait.ge [sflag:s11], $0x80  }
.Ltmp0:
0x54: {  	[sflag:s11] =	ssyncset.done $0x0;
	(pc) =	sbr.rel @p1 .LBB2_2-.Ltmp0, $4  }
0x55: {  	s18 =	sadd.s32 $0x2700, s18;
	[sflag:s11] =	ssyncadd.s32 $0xFFFFFF80  }
0x56: {  	[spmem:s1] =	stream.indirect.scatter.add.f32 [tilespmem:s10], [sflag:$0x1], $0x1, s18, s9, $0xb8;
	[tilespmem:$0x2C90] =	vst v63  }
0x57: {  	_ =	swait.ge [sflag:s12], $0x80  }
0x58: {  	s19 =	smov.u32 s22;
	s18 =	sshra.s32 s21, $0x2;
	[sflag:s12] =	ssyncset.done $0x0  }
0x59: {  	s19 =	sadd.s32 $0x2680, s18;
	[sflag:s12] =	ssyncadd.s32 $0xFFFFFF80  }
0x5a: {  	[spmem:s1] =	stream.indirect.scatter.add.f32 [tilespmem:s10], [sflag:$0x2], $0x1, s19, s9, $0xb8;
	[tilespmem:$0x2C90] =	vst v63  }
0x5b: {  	_ =	swait.ge [sflag:s11], $0x80  }
0x5c: {  	[sflag:s11] =	ssyncset.done $0x0  }
0x5d: {  	s31 =	sadd.s32 $0x2700, s18;
	[sflag:s11] =	ssyncadd.s32 $0xFFFFFF80  }
0x5e: {  	[spmem:s1] =	stream.indirect.scatter.add.f32 [tilespmem:s10], [sflag:$0x1], $0x1, s31, s9, $0xb8;
	[tilespmem:$0x2C90] =	vst v63  }
0x5f: {  	_ =	swait.ge [sflag:s12], $0x80  }
0x60: {  	[sflag:s12] =	ssyncset.done $0x0  }
0x61: {  	[sflag:s12] =	ssyncadd.s32 $0xFFFFFF80  }
0x62: {  	[spmem:s1] =	stream.indirect.scatter.add.f32 [tilespmem:s10], [sflag:$0x2], $0x1, s13, s9, $0xb8;
	[tilespmem:$0x2C90] =	vst v63  }
0x63: {  	_ =	swait.ge [sflag:s11], $0x80  }
0x64: {  	[sflag:s11] =	ssyncset.done $0x0  }
0x65: {  	[sflag:s11] =	ssyncadd.s32 $0xFFFFFF80  }
0x66: {  	_ =	swait.ge [sflag:s12], $0x80  }
0x67: {  	[sflag:s12] =	ssyncset.done $0x0  }
0x68: {  	[sflag:s12] =	ssyncadd.s32 $0xFFFFFF80  }
0x69: {  	[spmem:s1] =	stream.indirect.scatter.add.f32 [tilespmem:s10], [sflag:$0x3], $0x1, s15, s14, $0xb8;
	[tilespmem:$0x2C90] =	vst v63  }
0x6a: {  	_ =	swait.ge [sflag:s7], $0x10  }
0x6b: {  	[sflag:s7] =	ssyncset.done $0x0  }
0x6c: {  	s17 =	sadd.s32 $0x1, s17;
	[sflag:s7] =	ssyncadd.s32 $0xFFFFFFF0  }
0x6d: {  	s18 =	simm.s32 @!p0 $0x1C03;
	p1 =	sne.s32 s17, s6;
	[bflag:$0x0] =	sbarrier.arrive $0xFFFF  }
0x6e: {  	[hbm:s5], [sflag:s18] =	dma.local @!p0 [spmem:s16], $0x500  }
.Ltmp1:
0x6f: {  	_ = 	snop;
	(pc) =	sbr.rel @p1 .LBB2_1-.Ltmp1, $4  }
0x70: {  	s18 =	simm.s32 @!p0 $0x3  }
0x71: {  	_ =	swait.ge @!p0 [sflag:s18], $0x500  }
0x72: {  	[sflag:s18] =	ssyncset.done @!p0 $0x0  }
0x73: {  	[sflag:s18] =	ssyncadd.s32 @!p0 $0xFFFFFB00  }
0x74: {  	_ =	sfence.sel $0x180000  }
0x75: {  	[bflag:$0x0] =	sbarrier.arrive $0xFFFF  }
0x76: {  	_ =	strace $0x90000047  }
0x77: {  	s0 =	sadd.s32 @!p0 $0x100000, s0;
	[bflag:$0x2] =	sbarrier.arrive $0xFFFF  }
0x78: {  	[sflag:s0] =	ssyncadd.tile.s32 @!p0 $0x1;
	_ =	shalt  }
.Lfunc_end2:
_tile_overlayer_lowered:
.L_overlay_start_2:
0x79: {  	(tag) =	ssettag $0x2  }
0x7a: {  	s0 =	rddreg [dreg:$0x0];
	s2 =	stileid.u32  }
0x7b: {  	s1 =	rddreg [dreg:$0x1];
	p0 =	sne.s32 s2, $0x0  }
0x7c: {  	s3 =	rddreg [dreg:$0x2];
	[bflag:$0x3] =	sbarrier.arrive $0xFFFF;
	s2 =	simm.s32 @!p0 $0x1C03  }
0x7d: {  	[timem:s3], [sflag:s2] =	dma.local @!p0 [hbm:s0], s1  }
0x7e: {  	s0 =	simm.s32 @!p0 $0x3  }
0x7f: {  	_ =	swait.ge @!p0 [sflag:s0], s1  }
0x80: {  	s1 =	ssub.s32 @!p0 $0x0, s1;
	[sflag:s0] =	ssyncset.done @!p0 $0x0  }
0x81: {  	[sflag:s0] =	ssyncadd.s32 @!p0 s1  }
0x82: {  	[bflag:$0x3] =	sbarrier.arrive $0xFFFF  }
0x83: {  	_ =	shalt  }

</sc_bundles>
